<compile_context>
chip_gen: v7x
topology: tpu7x:2x2x1
jax: 0.10.2.dev20260603
libtpu: 0.0.44.dev20260713+nightly
codegen_flags: <defaults>
</compile_context>

<pallas_src>
import functools
import jax
import jax.numpy as jnp
from jax import lax
from jax.experimental import pallas as pl
from jax.experimental.pallas import tpu as pltpu
from jax.experimental.pallas import tpu_sc as plsc

_MAXV = 11
_C = 3
_D = 128
_B, _H, _W = 128, 32, 32
_P = _H * _W
_NC, _NS = 2, 16
_NW = _NC * _NS
_BPT = _B // _NW
_CPX = 64
_NCH = _BPT * _P // _CPX
_NSLOT = 8
_CTR = _MAXV * _D


def _sc_body(in_hbm, tab_hbm, out_hbm,
             inbuf, tabv, ctbuf, karr, ct_sh,
             rb0, rb1, rb2, rb3, rb4, rb5, rb6, rb7,
             insem, ctsem, gsem0, gsem1, gsem2, gsem3,
             gsem4, gsem5, gsem6, gsem7,
             osem0, osem1, osem2, osem3, osem4, osem5, osem6, osem7):
    core = lax.axis_index("c")
    sub = lax.axis_index("s")
    wid = sub * _NC + core
    b0 = wid * _BPT

    pltpu.make_async_copy(in_hbm.at[pl.ds(b0 * _C * _P, _BPT * _C * _P)],
                          inbuf, insem).start()
    pltpu.sync_copy(tab_hbm, tabv)

    @pl.when(sub < _MAXV)
    def _build_ct():
        r2 = [tabv[pl.ds((2 * _MAXV + sub) * _D + d0 * 16, 16)]
              for d0 in range(8)]
        for v1 in range(_MAXV):
            r1 = [tabv[pl.ds((_MAXV + v1) * _D + d0 * 16, 16)]
                  for d0 in range(8)]

            def ct_row(v0, _, r1=r1, v1=v1):
                for d0 in range(8):
                    ctbuf[v1 * _MAXV + v0, pl.ds(d0 * 16, 16)] = (
                        tabv[pl.ds(v0 * _D + d0 * 16, 16)] + r1[d0] + r2[d0])
                return 0

            lax.fori_loop(0, _MAXV, ct_row, 0)
        pltpu.make_async_copy(
            ctbuf, ct_sh.at[pl.ds(sub * _D, _D)], ctsem).start()

    pltpu.make_async_copy(in_hbm.at[pl.ds(b0 * _C * _P, _BPT * _C * _P)],
                          inbuf, insem).wait()

    def key_chunk(i, _):
        lb = i // (_P // 16)
        ch = i % (_P // 16)
        base = lb * _C * _P + ch * 16
        v0 = inbuf[pl.ds(base, 16)]
        v1 = inbuf[pl.ds(base + _P, 16)]
        v2 = inbuf[pl.ds(base + 2 * _P, 16)]
        karr[pl.ds(lb * _P + ch * 16, 16)] = v0 + v1 * _MAXV + v2 * _D
        return 0

    lax.fori_loop(0, _BPT * (_P // 16), key_chunk, 0)

    @pl.when(sub < _MAXV)
    def _wait_ct():
        pltpu.make_async_copy(
            ctbuf, ct_sh.at[pl.ds(sub * _D, _D)], ctsem).wait()

    plsc.subcore_barrier()

    rbs = (rb0, rb1, rb2, rb3, rb4, rb5, rb6, rb7)
    gsems = (gsem0, gsem1, gsem2, gsem3, gsem4, gsem5, gsem6, gsem7)
    osems = (osem0, osem1, osem2, osem3, osem4, osem5, osem6, osem7)
    src = ct_sh

    def gather(ci, s):
        pltpu.make_async_copy(
            src.at[karr.at[pl.ds(ci * _CPX, _CPX)]], rbs[s], gsems[s]).start()

    def gather_wait(ci, s):
        pltpu.make_async_copy(
            src.at[karr.at[pl.ds(ci * _CPX, _CPX)]], rbs[s], gsems[s]).wait()

    def out_start(ci, s):
        pltpu.make_async_copy(
            rbs[s], out_hbm.at[pl.ds(b0 * _P + ci * _CPX, _CPX)],
            osems[s]).start()

    def out_wait(ci, s):
        pltpu.make_async_copy(
            rbs[s], out_hbm.at[pl.ds(b0 * _P + ci * _CPX, _CPX)],
            osems[s]).wait()

    for s in range(_NSLOT):
        gather(s, s)

    def ring(g, _):
        for s in range(_NSLOT):
            ci = g * _NSLOT + s
            gather_wait(ci, s)
            out_start(ci, s)

            @pl.when(g < _NCH // _NSLOT - 1)
            def _next():
                out_wait(ci, s)
                gather(ci + _NSLOT, s)
        return 0

    lax.fori_loop(0, _NCH // _NSLOT, ring, 0)
    for s in range(_NSLOT):
        out_wait(_NCH - _NSLOT + s, s)


def kernel(inputs, table):
    in_flat = inputs.reshape(-1)
    tab_flat = table.reshape(-1)

    mesh = plsc.VectorSubcoreMesh(core_axis_name="c", subcore_axis_name="s")
    f = functools.partial(
        pl.kernel,
        mesh=mesh,
        out_type=jax.ShapeDtypeStruct((_B * _P, _D), jnp.float32),
        scratch_types=[
            pltpu.VMEM((_BPT * _C * _P,), jnp.int32),
            pltpu.VMEM(((_C * _MAXV) * _D,), jnp.float32),
            pltpu.VMEM((_D, _D), jnp.float32),
            pltpu.VMEM((_BPT * _P,), jnp.int32),
            pltpu.VMEM_SHARED((_CTR, _D), jnp.float32),
        ] + [pltpu.VMEM((_CPX, _D), jnp.float32)] * 8
          + [pltpu.SemaphoreType.DMA] * 18,
        compiler_params=pltpu.CompilerParams(needs_layout_passes=False),
    )(_sc_body)
    out = f(in_flat, tab_flat)
    return out.reshape(_B, _H, _W, _D).transpose(0, 3, 1, 2)

# --- scband reference (transcript-rebuilt; emitter-appended) ---
"""Pipeline reference for scband-image-bowembedding-16192026706483 (READ-ONLY COPY).

The authoritative reference and input builder live on the scoring server;
editing this copy changes nothing except your own understanding.
"""

import jax, jax.numpy as jnp
import numpy as np

MAX_VALUE = 11
CHANNEL = 3
EMBED_DIM = 128
B, H, W = 128, 32, 32

def setup_inputs(seed: int = 0) -> dict:
    key = jax.random.key(seed)
    k1, k2 = jax.random.split(key)
    inputs = jax.random.randint(k1, (B, CHANNEL, H, W), 0, MAX_VALUE, dtype=jnp.int32)
    table = jax.random.normal(k2, (CHANNEL * MAX_VALUE, EMBED_DIM), dtype=jnp.float32)
    return {"inputs": inputs, "table": table}

def reference(inputs, table):
    # offsets per channel so each channel indexes a disjoint slice of the table
    offsets = jnp.arange(CHANNEL, dtype=inputs.dtype) * MAX_VALUE
    idx = inputs + offsets[None, :, None, None]  # [B, C, H, W]
    emb = jnp.take(table, idx, axis=0)           # [B, C, H, W, D]
    out = emb.sum(axis=1)                        # [B, H, W, D]
    return jnp.transpose(out, (0, 3, 1, 2))      # [B, D, H, W]

if __name__ == "__main__":
    import jax
    _d = setup_inputs()
    print(jax.jit(kernel)(*tuple(_d.values())))

</pallas_src>

<mosaic_0001>
#map = affine_map<(d0, d1) -> (0)>
#map1 = affine_map<(d0, d1) -> (0, 0)>
module attributes {stable_mosaic.version = 14 : i64} {
  func.func @_sc_body(%arg0: i32, %arg1: i32, %arg2: memref<393216xi32, #tpu.memory_space<hbm>>, %arg3: memref<4224xf32, #tpu.memory_space<hbm>>, %arg4: memref<131072x128xf32, #tpu.memory_space<hbm>>, %arg5: memref<12288xi32, #tpu.memory_space<vmem>>, %arg6: memref<4224xf32, #tpu.memory_space<vmem>>, %arg7: memref<128x128xf32, #tpu.memory_space<vmem>>, %arg8: memref<4096xi32, #tpu.memory_space<vmem>>, %arg9: memref<1408x128xf32, #tpu.memory_space<vmem_shared>>, %arg10: memref<64x128xf32, #tpu.memory_space<vmem>>, %arg11: memref<64x128xf32, #tpu.memory_space<vmem>>, %arg12: memref<64x128xf32, #tpu.memory_space<vmem>>, %arg13: memref<64x128xf32, #tpu.memory_space<vmem>>, %arg14: memref<64x128xf32, #tpu.memory_space<vmem>>, %arg15: memref<64x128xf32, #tpu.memory_space<vmem>>, %arg16: memref<64x128xf32, #tpu.memory_space<vmem>>, %arg17: memref<64x128xf32, #tpu.memory_space<vmem>>, %arg18: memref<!tpu.dma_semaphore, #tpu.memory_space<semaphore_mem>>, %arg19: memref<!tpu.dma_semaphore, #tpu.memory_space<semaphore_mem>>, %arg20: memref<!tpu.dma_semaphore, #tpu.memory_space<semaphore_mem>>, %arg21: memref<!tpu.dma_semaphore, #tpu.memory_space<semaphore_mem>>, %arg22: memref<!tpu.dma_semaphore, #tpu.memory_space<semaphore_mem>>, %arg23: memref<!tpu.dma_semaphore, #tpu.memory_space<semaphore_mem>>, %arg24: memref<!tpu.dma_semaphore, #tpu.memory_space<semaphore_mem>>, %arg25: memref<!tpu.dma_semaphore, #tpu.memory_space<semaphore_mem>>, %arg26: memref<!tpu.dma_semaphore, #tpu.memory_space<semaphore_mem>>, %arg27: memref<!tpu.dma_semaphore, #tpu.memory_space<semaphore_mem>>, %arg28: memref<!tpu.dma_semaphore, #tpu.memory_space<semaphore_mem>>, %arg29: memref<!tpu.dma_semaphore, #tpu.memory_space<semaphore_mem>>, %arg30: memref<!tpu.dma_semaphore, #tpu.memory_space<semaphore_mem>>, %arg31: memref<!tpu.dma_semaphore, #tpu.memory_space<semaphore_mem>>, %arg32: memref<!tpu.dma_semaphore, #tpu.memory_space<semaphore_mem>>, %arg33: memref<!tpu.dma_semaphore, #tpu.memory_space<semaphore_mem>>, %arg34: memref<!tpu.dma_semaphore, #tpu.memory_space<semaphore_mem>>, %arg35: memref<!tpu.dma_semaphore, #tpu.memory_space<semaphore_mem>>) attributes {dimension_semantics = [#tpu.dimension_semantics<core_parallel>, #tpu.dimension_semantics<subcore_parallel>], iteration_bounds = array<i64: 2, 16>, scalar_prefetch = 0 : i64, scratch_operands = 31 : i64, tpu.core_type = #tpu.core_type<sc_vector_subcore>, window_params = [{transform_indices = #map}, {transform_indices = #map}, {transform_indices = #map1}]} {
    %mul3A = arith.constant 2 : i32
    %mul3A_0 = arith.muli %arg1, %mul3A : i32
    %add3A = arith.addi %mul3A_0, %arg0 : i32
    %mul3A_1 = arith.constant 4 : i32
    %mul3A_2 = arith.muli %add3A, %mul3A_1 : i32
    %mul3A_3 = arith.constant 3 : i32
    %mul3A_4 = arith.muli %mul3A_2, %mul3A_3 : i32
    %mul3A_5 = arith.constant 1024 : i32
    %mul3A_6 = arith.muli %mul3A_4, %mul3A_5 : i32
    %dma_start3A = tpu.memref_slice %arg2[%mul3A_6] : memref<393216xi32, #tpu.memory_space<hbm>> -> memref<12288xi32, #tpu.memory_space<hbm>>
    %dma_start3A_7 = tpu.memref_slice %arg2[%mul3A_6] : memref<393216xi32, #tpu.memory_space<hbm>> -> memref<12288xi32, #tpu.memory_space<hbm>>
    tpu.enqueue_dma source(%dma_start3A_7 : memref<12288xi32, #tpu.memory_space<hbm>>) target(%arg5 : memref<12288xi32, #tpu.memory_space<vmem>>) target_semaphore(%arg18 : memref<!tpu.dma_semaphore, #tpu.memory_space<semaphore_mem>>)
    "tpu.region"() ({
      %run_scoped3A = tpu.sem_alloc : memref<!tpu.dma_semaphore, #tpu.memory_space<semaphore_mem>>
      tpu.enqueue_dma source(%arg3 : memref<4224xf32, #tpu.memory_space<hbm>>) target(%arg6 : memref<4224xf32, #tpu.memory_space<vmem>>) target_semaphore(%run_scoped3A : memref<!tpu.dma_semaphore, #tpu.memory_space<semaphore_mem>>)
      tpu.wait_dma2 semaphore(%run_scoped3A : memref<!tpu.dma_semaphore, #tpu.memory_space<semaphore_mem>>) src(%arg3 : memref<4224xf32, #tpu.memory_space<hbm>>) dst(%arg6 : memref<4224xf32, #tpu.memory_space<vmem>>)
      tpu.yield
    }) : () -> ()
    %lt3A = arith.constant 11 : i32
    %lt3A_8 = arith.cmpi slt, %arg1, %lt3A : i32
    %convert_element_type3A = arith.extui %lt3A_8 : i1 to i32
    %cond3A = arith.constant 0 : i32
    %cond3A_9 = arith.cmpi ne, %convert_element_type3A, %cond3A : i32
    scf.if %cond3A_9 {
      %add3A_137 = arith.constant 22 : i32
      %add3A_138 = arith.addi %add3A_137, %arg1 : i32
      %mul3A_139 = arith.constant 128 : i32
      %mul3A_140 = arith.muli %add3A_138, %mul3A_139 : i32
      %add3A_141 = arith.constant 0 : i32
      %add3A_142 = arith.addi %mul3A_140, %add3A_141 : i32
      %get3A = arith.index_cast %add3A_142 : i32 to index
      %get3A_143 = tpu.vector_load %arg6[%get3A] {strides = array<i32>} : memref<4224xf32, #tpu.memory_space<vmem>>, vector<16xf32>,
      %add3A_144 = arith.constant 22 : i32
      %add3A_145 = arith.addi %add3A_144, %arg1 : i32
      %mul3A_146 = arith.constant 128 : i32
      %mul3A_147 = arith.muli %add3A_145, %mul3A_146 : i32
      %add3A_148 = arith.constant 16 : i32
      %add3A_149 = arith.addi %mul3A_147, %add3A_148 : i32
      %get3A_150 = arith.index_cast %add3A_149 : i32 to index
      %get3A_151 = tpu.vector_load %arg6[%get3A_150] {strides = array<i32>} : memref<4224xf32, #tpu.memory_space<vmem>>, vector<16xf32>,
      %add3A_152 = arith.constant 22 : i32
      %add3A_153 = arith.addi %add3A_152, %arg1 : i32
      %mul3A_154 = arith.constant 128 : i32
      %mul3A_155 = arith.muli %add3A_153, %mul3A_154 : i32
      %add3A_156 = arith.constant 32 : i32
      %add3A_157 = arith.addi %mul3A_155, %add3A_156 : i32
      %get3A_158 = arith.index_cast %add3A_157 : i32 to index
      %get3A_159 = tpu.vector_load %arg6[%get3A_158] {strides = array<i32>} : memref<4224xf32, #tpu.memory_space<vmem>>, vector<16xf32>,
      %add3A_160 = arith.constant 22 : i32
      %add3A_161 = arith.addi %add3A_160, %arg1 : i32
      %mul3A_162 = arith.constant 128 : i32
      %mul3A_163 = arith.muli %add3A_161, %mul3A_162 : i32
      %add3A_164 = arith.constant 48 : i32
      %add3A_165 = arith.addi %mul3A_163, %add3A_164 : i32
      %get3A_166 = arith.index_cast %add3A_165 : i32 to index
      %get3A_167 = tpu.vector_load %arg6[%get3A_166] {strides = array<i32>} : memref<4224xf32, #tpu.memory_space<vmem>>, vector<16xf32>,
      %add3A_168 = arith.constant 22 : i32
      %add3A_169 = arith.addi %add3A_168, %arg1 : i32
      %mul3A_170 = arith.constant 128 : i32
      %mul3A_171 = arith.muli %add3A_169, %mul3A_170 : i32
      %add3A_172 = arith.constant 64 : i32
      %add3A_173 = arith.addi %mul3A_171, %add3A_172 : i32
      %get3A_174 = arith.index_cast %add3A_173 : i32 to index
      %get3A_175 = tpu.vector_load %arg6[%get3A_174] {strides = array<i32>} : memref<4224xf32, #tpu.memory_space<vmem>>, vector<16xf32>,
      %add3A_176 = arith.constant 22 : i32
      %add3A_177 = arith.addi %add3A_176, %arg1 : i32
      %mul3A_178 = arith.constant 128 : i32
      %mul3A_179 = arith.muli %add3A_177, %mul3A_178 : i32
      %add3A_180 = arith.constant 80 : i32
      %add3A_181 = arith.addi %mul3A_179, %add3A_180 : i32
      %get3A_182 = arith.index_cast %add3A_181 : i32 to index
      %get3A_183 = tpu.vector_load %arg6[%get3A_182] {strides = array<i32>} : memref<4224xf32, #tpu.memory_space<vmem>>, vector<16xf32>,
      %add3A_184 = arith.constant 22 : i32
      %add3A_185 = arith.addi %add3A_184, %arg1 : i32
      %mul3A_186 = arith.constant 128 : i32
      %mul3A_187 = arith.muli %add3A_185, %mul3A_186 : i32
      %add3A_188 = arith.constant 96 : i32
      %add3A_189 = arith.addi %mul3A_187, %add3A_188 : i32
      %get3A_190 = arith.index_cast %add3A_189 : i32 to index
      %get3A_191 = tpu.vector_load %arg6[%get3A_190] {strides = array<i32>} : memref<4224xf32, #tpu.memory_space<vmem>>, vector<16xf32>,
      %add3A_192 = arith.constant 22 : i32
      %add3A_193 = arith.addi %add3A_192, %arg1 : i32
      %mul3A_194 = arith.constant 128 : i32
      %mul3A_195 = arith.muli %add3A_193, %mul3A_194 : i32
      %add3A_196 = arith.constant 112 : i32
      %add3A_197 = arith.addi %mul3A_195, %add3A_196 : i32
      %get3A_198 = arith.index_cast %add3A_197 : i32 to index
      %get3A_199 = tpu.vector_load %arg6[%get3A_198] {strides = array<i32>} : memref<4224xf32, #tpu.memory_space<vmem>>, vector<16xf32>,
      %get3A_200 = arith.constant 1408 : index
      %get3A_201 = tpu.vector_load %arg6[%get3A_200] {strides = array<i32>} : memref<4224xf32, #tpu.memory_space<vmem>>, vector<16xf32>,
      %get3A_202 = arith.constant 1424 : index
      %get3A_203 = tpu.vector_load %arg6[%get3A_202] {strides = array<i32>} : memref<4224xf32, #tpu.memory_space<vmem>>, vector<16xf32>,
      %get3A_204 = arith.constant 1440 : index
      %get3A_205 = tpu.vector_load %arg6[%get3A_204] {strides = array<i32>} : memref<4224xf32, #tpu.memory_space<vmem>>, vector<16xf32>,
      %get3A_206 = arith.constant 1456 : index
      %get3A_207 = tpu.vector_load %arg6[%get3A_206] {strides = array<i32>} : memref<4224xf32, #tpu.memory_space<vmem>>, vector<16xf32>,
      %get3A_208 = arith.constant 1472 : index
      %get3A_209 = tpu.vector_load %arg6[%get3A_208] {strides = array<i32>} : memref<4224xf32, #tpu.memory_space<vmem>>, vector<16xf32>,
      %get3A_210 = arith.constant 1488 : index
      %get3A_211 = tpu.vector_load %arg6[%get3A_210] {strides = array<i32>} : memref<4224xf32, #tpu.memory_space<vmem>>, vector<16xf32>,
      %get3A_212 = arith.constant 1504 : index
      %get3A_213 = tpu.vector_load %arg6[%get3A_212] {strides = array<i32>} : memref<4224xf32, #tpu.memory_space<vmem>>, vector<16xf32>,
      %get3A_214 = arith.constant 1520 : index
      %get3A_215 = tpu.vector_load %arg6[%get3A_214] {strides = array<i32>} : memref<4224xf32, #tpu.memory_space<vmem>>, vector<16xf32>,
      %scan3A_216 = arith.constant 0 : i32
      %scan3A_217 = arith.constant 0 : i32
      %scan3A_218 = arith.constant 11 : i32
      %scan3A_219 = arith.addi %scan3A_217, %scan3A_218 : i32
      %scan3A_220 = arith.constant 1 : i32
      %scan3A_221 = scf.for %scan3A_459 = %scan3A_217 to %scan3A_219 step %scan3A_220 iter_args(%scan3A_460 = %scan3A_216) -> (i32)  : i32 {
        %mul3A_461 = arith.constant 128 : i32
        %mul3A_462 = arith.muli %scan3A_459, %mul3A_461 : i32
        %add3A_463 = arith.constant 0 : i32
        %add3A_464 = arith.addi %mul3A_462, %add3A_463 : i32
        %get3A_465 = arith.index_cast %add3A_464 : i32 to index
        %get3A_466 = tpu.vector_load %arg6[%get3A_465] {strides = array<i32>} : memref<4224xf32, #tpu.memory_space<vmem>>, vector<16xf32>,
        %add3A_467 = arith.addf %get3A_466, %get3A_201 : vector<16xf32>
        %add3A_468 = arith.addf %add3A_467, %get3A_143 : vector<16xf32>
        %add3A_469 = arith.constant 0 : i32
        %add3A_470 = arith.addi %add3A_469, %scan3A_459 : i32
        %swap3A = arith.index_cast %add3A_470 : i32 to index
        %swap3A_471 = arith.constant 0 : index
        %swap3A_472 = tpu.vector_load %arg7[%swap3A, %swap3A_471] {strides = array<i32>} : memref<128x128xf32, #tpu.memory_space<vmem>>, vector<16xf32>,
        tpu.vector_store %arg7[%swap3A, %swap3A_471], %add3A_468 {strides = array<i32>} : memref<128x128xf32, #tpu.memory_space<vmem>>, vector<16xf32>,
        %mul3A_473 = arith.constant 128 : i32
        %mul3A_474 = arith.muli %scan3A_459, %mul3A_473 : i32
        %add3A_475 = arith.constant 16 : i32
        %add3A_476 = arith.addi %mul3A_474, %add3A_475 : i32
        %get3A_477 = arith.index_cast %add3A_476 : i32 to index
        %get3A_478 = tpu.vector_load %arg6[%get3A_477] {strides = array<i32>} : memref<4224xf32, #tpu.memory_space<vmem>>, vector<16xf32>,
        %add3A_479 = arith.addf %get3A_478, %get3A_203 : vector<16xf32>
        %add3A_480 = arith.addf %add3A_479, %get3A_151 : vector<16xf32>
        %add3A_481 = arith.constant 0 : i32
        %add3A_482 = arith.addi %add3A_481, %scan3A_459 : i32
        %swap3A_483 = arith.index_cast %add3A_482 : i32 to index
        %swap3A_484 = arith.constant 16 : index
        %swap3A_485 = tpu.vector_load %arg7[%swap3A_483, %swap3A_484] {strides = array<i32>} : memref<128x128xf32, #tpu.memory_space<vmem>>, vector<16xf32>,
        tpu.vector_store %arg7[%swap3A_483, %swap3A_484], %add3A_480 {strides = array<i32>} : memref<128x128xf32, #tpu.memory_space<vmem>>, vector<16xf32>,
        %mul3A_486 = arith.constant 128 : i32
        %mul3A_487 = arith.muli %scan3A_459, %mul3A_486 : i32
        %add3A_488 = arith.constant 32 : i32
        %add3A_489 = arith.addi %mul3A_487, %add3A_488 : i32
        %get3A_490 = arith.index_cast %add3A_489 : i32 to index
        %get3A_491 = tpu.vector_load %arg6[%get3A_490] {strides = array<i32>} : memref<4224xf32, #tpu.memory_space<vmem>>, vector<16xf32>,
        %add3A_492 = arith.addf %get3A_491, %get3A_205 : vector<16xf32>
        %add3A_493 = arith.addf %add3A_492, %get3A_159 : vector<16xf32>
        %add3A_494 = arith.constant 0 : i32
        %add3A_495 = arith.addi %add3A_494, %scan3A_459 : i32
        %swap3A_496 = arith.index_cast %add3A_495 : i32 to index
        %swap3A_497 = arith.constant 32 : index
        %swap3A_498 = tpu.vector_load %arg7[%swap3A_496, %swap3A_497] {strides = array<i32>} : memref<128x128xf32, #tpu.memory_space<vmem>>, vector<16xf32>,
        tpu.vector_store %arg7[%swap3A_496, %swap3A_497], %add3A_493 {strides = array<i32>} : memref<128x128xf32, #tpu.memory_space<vmem>>, vector<16xf32>,
        %mul3A_499 = arith.constant 128 : i32
        %mul3A_500 = arith.muli %scan3A_459, %mul3A_499 : i32
        %add3A_501 = arith.constant 48 : i32
        %add3A_502 = arith.addi %mul3A_500, %add3A_501 : i32
        %get3A_503 = arith.index_cast %add3A_502 : i32 to index
        %get3A_504 = tpu.vector_load %arg6[%get3A_503] {strides = array<i32>} : memref<4224xf32, #tpu.memory_space<vmem>>, vector<16xf32>,
        %add3A_505 = arith.addf %get3A_504, %get3A_207 : vector<16xf32>
        %add3A_506 = arith.addf %add3A_505, %get3A_167 : vector<16xf32>
        %add3A_507 = arith.constant 0 : i32
        %add3A_508 = arith.addi %add3A_507, %scan3A_459 : i32
        %swap3A_509 = arith.index_cast %add3A_508 : i32 to index
        %swap3A_510 = arith.constant 48 : index
        %swap3A_511 = tpu.vector_load %arg7[%swap3A_509, %swap3A_510] {strides = array<i32>} : memref<128x128xf32, #tpu.memory_space<vmem>>, vector<16xf32>,
        tpu.vector_store %arg7[%swap3A_509, %swap3A_510], %add3A_506 {strides = array<i32>} : memref<128x128xf32, #tpu.memory_space<vmem>>, vector<16xf32>,
        %mul3A_512 = arith.constant 128 : i32
        %mul3A_513 = arith.muli %scan3A_459, %mul3A_512 : i32
        %add3A_514 = arith.constant 64 : i32
        %add3A_515 = arith.addi %mul3A_513, %add3A_514 : i32
        %get3A_516 = arith.index_cast %add3A_515 : i32 to index
        %get3A_517 = tpu.vector_load %arg6[%get3A_516] {strides = array<i32>} : memref<4224xf32, #tpu.memory_space<vmem>>, vector<16xf32>,
        %add3A_518 = arith.addf %get3A_517, %get3A_209 : vector<16xf32>
        %add3A_519 = arith.addf %add3A_518, %get3A_175 : vector<16xf32>
        %add3A_520 = arith.constant 0 : i32
        %add3A_521 = arith.addi %add3A_520, %scan3A_459 : i32
        %swap3A_522 = arith.index_cast %add3A_521 : i32 to index
        %swap3A_523 = arith.constant 64 : index
        %swap3A_524 = tpu.vector_load %arg7[%swap3A_522, %swap3A_523] {strides = array<i32>} : memref<128x128xf32, #tpu.memory_space<vmem>>, vector<16xf32>,
        tpu.vector_store %arg7[%swap3A_522, %swap3A_523], %add3A_519 {strides = array<i32>} : memref<128x128xf32, #tpu.memory_space<vmem>>, vector<16xf32>,
        %mul3A_525 = arith.constant 128 : i32
        %mul3A_526 = arith.muli %scan3A_459, %mul3A_525 : i32
        %add3A_527 = arith.constant 80 : i32
        %add3A_528 = arith.addi %mul3A_526, %add3A_527 : i32
        %get3A_529 = arith.index_cast %add3A_528 : i32 to index
        %get3A_530 = tpu.vector_load %arg6[%get3A_529] {strides = array<i32>} : memref<4224xf32, #tpu.memory_space<vmem>>, vector<16xf32>,
        %add3A_531 = arith.addf %get3A_530, %get3A_211 : vector<16xf32>
        %add3A_532 = arith.addf %add3A_531, %get3A_183 : vector<16xf32>
        %add3A_533 = arith.constant 0 : i32
        %add3A_534 = arith.addi %add3A_533, %scan3A_459 : i32
        %swap3A_535 = arith.index_cast %add3A_534 : i32 to index
        %swap3A_536 = arith.constant 80 : index
        %swap3A_537 = tpu.vector_load %arg7[%swap3A_535, %swap3A_536] {strides = array<i32>} : memref<128x128xf32, #tpu.memory_space<vmem>>, vector<16xf32>,
        tpu.vector_store %arg7[%swap3A_535, %swap3A_536], %add3A_532 {strides = array<i32>} : memref<128x128xf32, #tpu.memory_space<vmem>>, vector<16xf32>,
        %mul3A_538 = arith.constant 128 : i32
        %mul3A_539 = arith.muli %scan3A_459, %mul3A_538 : i32
        %add3A_540 = arith.constant 96 : i32
        %add3A_541 = arith.addi %mul3A_539, %add3A_540 : i32
        %get3A_542 = arith.index_cast %add3A_541 : i32 to index
        %get3A_543 = tpu.vector_load %arg6[%get3A_542] {strides = array<i32>} : memref<4224xf32, #tpu.memory_space<vmem>>, vector<16xf32>,
        %add3A_544 = arith.addf %get3A_543, %get3A_213 : vector<16xf32>
        %add3A_545 = arith.addf %add3A_544, %get3A_191 : vector<16xf32>
        %add3A_546 = arith.constant 0 : i32
        %add3A_547 = arith.addi %add3A_546, %scan3A_459 : i32
        %swap3A_548 = arith.index_cast %add3A_547 : i32 to index
        %swap3A_549 = arith.constant 96 : index
        %swap3A_550 = tpu.vector_load %arg7[%swap3A_548, %swap3A_549] {strides = array<i32>} : memref<128x128xf32, #tpu.memory_space<vmem>>, vector<16xf32>,
        tpu.vector_store %arg7[%swap3A_548, %swap3A_549], %add3A_545 {strides = array<i32>} : memref<128x128xf32, #tpu.memory_space<vmem>>, vector<16xf32>,
        %mul3A_551 = arith.constant 128 : i32
        %mul3A_552 = arith.muli %scan3A_459, %mul3A_551 : i32
        %add3A_553 = arith.constant 112 : i32
        %add3A_554 = arith.addi %mul3A_552, %add3A_553 : i32
        %get3A_555 = arith.index_cast %add3A_554 : i32 to index
        %get3A_556 = tpu.vector_load %arg6[%get3A_555] {strides = array<i32>} : memref<4224xf32, #tpu.memory_space<vmem>>, vector<16xf32>,
        %add3A_557 = arith.addf %get3A_556, %get3A_215 : vector<16xf32>
        %add3A_558 = arith.addf %add3A_557, %get3A_199 : vector<16xf32>
        %add3A_559 = arith.constant 0 : i32
        %add3A_560 = arith.addi %add3A_559, %scan3A_459 : i32
        %swap3A_561 = arith.index_cast %add3A_560 : i32 to index
        %swap3A_562 = arith.constant 112 : index
        %swap3A_563 = tpu.vector_load %arg7[%swap3A_561, %swap3A_562] {strides = array<i32>} : memref<128x128xf32, #tpu.memory_space<vmem>>, vector<16xf32>,
        tpu.vector_store %arg7[%swap3A_561, %swap3A_562], %add3A_558 {strides = array<i32>} : memref<128x128xf32, #tpu.memory_space<vmem>>, vector<16xf32>,
        %scan3A_564 = arith.constant 0 : i32
        scf.yield %scan3A_564 : i32
      }
      %scan3A_222 = arith.constant 11 : i32
      %get3A_223 = arith.constant 1536 : index
      %get3A_224 = tpu.vector_load %arg6[%get3A_223] {strides = array<i32>} : memref<4224xf32, #tpu.memory_space<vmem>>, vector<16xf32>,
      %get3A_225 = arith.constant 1552 : index
      %get3A_226 = tpu.vector_load %arg6[%get3A_225] {strides = array<i32>} : memref<4224xf32, #tpu.memory_space<vmem>>, vector<16xf32>,
      %get3A_227 = arith.constant 1568 : index
      %get3A_228 = tpu.vector_load %arg6[%get3A_227] {strides = array<i32>} : memref<4224xf32, #tpu.memory_space<vmem>>, vector<16xf32>,
      %get3A_229 = arith.constant 1584 : index
      %get3A_230 = tpu.vector_load %arg6[%get3A_229] {strides = array<i32>} : memref<4224xf32, #tpu.memory_space<vmem>>, vector<16xf32>,
      %get3A_231 = arith.constant 1600 : index
      %get3A_232 = tpu.vector_load %arg6[%get3A_231] {strides = array<i32>} : memref<4224xf32, #tpu.memory_space<vmem>>, vector<16xf32>,
      %get3A_233 = arith.constant 1616 : index
      %get3A_234 = tpu.vector_load %arg6[%get3A_233] {strides = array<i32>} : memref<4224xf32, #tpu.memory_space<vmem>>, vector<16xf32>,
      %get3A_235 = arith.constant 1632 : index
      %get3A_236 = tpu.vector_load %arg6[%get3A_235] {strides = array<i32>} : memref<4224xf32, #tpu.memory_space<vmem>>, vector<16xf32>,
      %get3A_237 = arith.constant 1648 : index
      %get3A_238 = tpu.vector_load %arg6[%get3A_237] {strides = array<i32>} : memref<4224xf32, #tpu.memory_space<vmem>>, vector<16xf32>,
      %scan3A_239 = arith.constant 0 : i32
      %scan3A_240 = arith.constant 0 : i32
      %scan3A_241 = arith.constant 11 : i32
      %scan3A_242 = arith.addi %scan3A_240, %scan3A_241 : i32
      %scan3A_243 = arith.constant 1 : i32
      %scan3A_244 = scf.for %scan3A_459 = %scan3A_240 to %scan3A_242 step %scan3A_243 iter_args(%scan3A_460 = %scan3A_239) -> (i32)  : i32 {
        %mul3A_461 = arith.constant 128 : i32
        %mul3A_462 = arith.muli %scan3A_459, %mul3A_461 : i32
        %add3A_463 = arith.constant 0 : i32
        %add3A_464 = arith.addi %mul3A_462, %add3A_463 : i32
        %get3A_465 = arith.index_cast %add3A_464 : i32 to index
        %get3A_466 = tpu.vector_load %arg6[%get3A_465] {strides = array<i32>} : memref<4224xf32, #tpu.memory_space<vmem>>, vector<16xf32>,
        %add3A_467 = arith.addf %get3A_466, %get3A_224 : vector<16xf32>
        %add3A_468 = arith.addf %add3A_467, %get3A_143 : vector<16xf32>
        %add3A_469 = arith.constant 11 : i32
        %add3A_470 = arith.addi %add3A_469, %scan3A_459 : i32
        %swap3A = arith.index_cast %add3A_470 : i32 to index
        %swap3A_471 = arith.constant 0 : index
        %swap3A_472 = tpu.vector_load %arg7[%swap3A, %swap3A_471] {strides = array<i32>} : memref<128x128xf32, #tpu.memory_space<vmem>>, vector<16xf32>,
        tpu.vector_store %arg7[%swap3A, %swap3A_471], %add3A_468 {strides = array<i32>} : memref<128x128xf32, #tpu.memory_space<vmem>>, vector<16xf32>,
        %mul3A_473 = arith.constant 128 : i32
        %mul3A_474 = arith.muli %scan3A_459, %mul3A_473 : i32
        %add3A_475 = arith.constant 16 : i32
        %add3A_476 = arith.addi %mul3A_474, %add3A_475 : i32
        %get3A_477 = arith.index_cast %add3A_476 : i32 to index
        %get3A_478 = tpu.vector_load %arg6[%get3A_477] {strides = array<i32>} : memref<4224xf32, #tpu.memory_space<vmem>>, vector<16xf32>,
        %add3A_479 = arith.addf %get3A_478, %get3A_226 : vector<16xf32>
        %add3A_480 = arith.addf %add3A_479, %get3A_151 : vector<16xf32>
        %add3A_481 = arith.constant 11 : i32
        %add3A_482 = arith.addi %add3A_481, %scan3A_459 : i32
        %swap3A_483 = arith.index_cast %add3A_482 : i32 to index
        %swap3A_484 = arith.constant 16 : index
        %swap3A_485 = tpu.vector_load %arg7[%swap3A_483, %swap3A_484] {strides = array<i32>} : memref<128x128xf32, #tpu.memory_space<vmem>>, vector<16xf32>,
        tpu.vector_store %arg7[%swap3A_483, %swap3A_484], %add3A_480 {strides = array<i32>} : memref<128x128xf32, #tpu.memory_space<vmem>>, vector<16xf32>,
        %mul3A_486 = arith.constant 128 : i32
        %mul3A_487 = arith.muli %scan3A_459, %mul3A_486 : i32
        %add3A_488 = arith.constant 32 : i32
        %add3A_489 = arith.addi %mul3A_487, %add3A_488 : i32
        %get3A_490 = arith.index_cast %add3A_489 : i32 to index
        %get3A_491 = tpu.vector_load %arg6[%get3A_490] {strides = array<i32>} : memref<4224xf32, #tpu.memory_space<vmem>>, vector<16xf32>,
        %add3A_492 = arith.addf %get3A_491, %get3A_228 : vector<16xf32>
        %add3A_493 = arith.addf %add3A_492, %get3A_159 : vector<16xf32>
        %add3A_494 = arith.constant 11 : i32
        %add3A_495 = arith.addi %add3A_494, %scan3A_459 : i32
        %swap3A_496 = arith.index_cast %add3A_495 : i32 to index
        %swap3A_497 = arith.constant 32 : index
        %swap3A_498 = tpu.vector_load %arg7[%swap3A_496, %swap3A_497] {strides = array<i32>} : memref<128x128xf32, #tpu.memory_space<vmem>>, vector<16xf32>,
        tpu.vector_store %arg7[%swap3A_496, %swap3A_497], %add3A_493 {strides = array<i32>} : memref<128x128xf32, #tpu.memory_space<vmem>>, vector<16xf32>,
        %mul3A_499 = arith.constant 128 : i32
        %mul3A_500 = arith.muli %scan3A_459, %mul3A_499 : i32
        %add3A_501 = arith.constant 48 : i32
        %add3A_502 = arith.addi %mul3A_500, %add3A_501 : i32
        %get3A_503 = arith.index_cast %add3A_502 : i32 to index
        %get3A_504 = tpu.vector_load %arg6[%get3A_503] {strides = array<i32>} : memref<4224xf32, #tpu.memory_space<vmem>>, vector<16xf32>,
        %add3A_505 = arith.addf %get3A_504, %get3A_230 : vector<16xf32>
        %add3A_506 = arith.addf %add3A_505, %get3A_167 : vector<16xf32>
        %add3A_507 = arith.constant 11 : i32
        %add3A_508 = arith.addi %add3A_507, %scan3A_459 : i32
        %swap3A_509 = arith.index_cast %add3A_508 : i32 to index
        %swap3A_510 = arith.constant 48 : index
        %swap3A_511 = tpu.vector_load %arg7[%swap3A_509, %swap3A_510] {strides = array<i32>} : memref<128x128xf32, #tpu.memory_space<vmem>>, vector<16xf32>,
        tpu.vector_store %arg7[%swap3A_509, %swap3A_510], %add3A_506 {strides = array<i32>} : memref<128x128xf32, #tpu.memory_space<vmem>>, vector<16xf32>,
        %mul3A_512 = arith.constant 128 : i32
        %mul3A_513 = arith.muli %scan3A_459, %mul3A_512 : i32
        %add3A_514 = arith.constant 64 : i32
        %add3A_515 = arith.addi %mul3A_513, %add3A_514 : i32
        %get3A_516 = arith.index_cast %add3A_515 : i32 to index
        %get3A_517 = tpu.vector_load %arg6[%get3A_516] {strides = array<i32>} : memref<4224xf32, #tpu.memory_space<vmem>>, vector<16xf32>,
        %add3A_518 = arith.addf %get3A_517, %get3A_232 : vector<16xf32>
        %add3A_519 = arith.addf %add3A_518, %get3A_175 : vector<16xf32>
        %add3A_520 = arith.constant 11 : i32
        %add3A_521 = arith.addi %add3A_520, %scan3A_459 : i32
        %swap3A_522 = arith.index_cast %add3A_521 : i32 to index
        %swap3A_523 = arith.constant 64 : index
        %swap3A_524 = tpu.vector_load %arg7[%swap3A_522, %swap3A_523] {strides = array<i32>} : memref<128x128xf32, #tpu.memory_space<vmem>>, vector<16xf32>,
        tpu.vector_store %arg7[%swap3A_522, %swap3A_523], %add3A_519 {strides = array<i32>} : memref<128x128xf32, #tpu.memory_space<vmem>>, vector<16xf32>,
        %mul3A_525 = arith.constant 128 : i32
        %mul3A_526 = arith.muli %scan3A_459, %mul3A_525 : i32
        %add3A_527 = arith.constant 80 : i32
        %add3A_528 = arith.addi %mul3A_526, %add3A_527 : i32
        %get3A_529 = arith.index_cast %add3A_528 : i32 to index
        %get3A_530 = tpu.vector_load %arg6[%get3A_529] {strides = array<i32>} : memref<4224xf32, #tpu.memory_space<vmem>>, vector<16xf32>,
        %add3A_531 = arith.addf %get3A_530, %get3A_234 : vector<16xf32>
        %add3A_532 = arith.addf %add3A_531, %get3A_183 : vector<16xf32>
        %add3A_533 = arith.constant 11 : i32
        %add3A_534 = arith.addi %add3A_533, %scan3A_459 : i32
        %swap3A_535 = arith.index_cast %add3A_534 : i32 to index
        %swap3A_536 = arith.constant 80 : index
        %swap3A_537 = tpu.vector_load %arg7[%swap3A_535, %swap3A_536] {strides = array<i32>} : memref<128x128xf32, #tpu.memory_space<vmem>>, vector<16xf32>,
        tpu.vector_store %arg7[%swap3A_535, %swap3A_536], %add3A_532 {strides = array<i32>} : memref<128x128xf32, #tpu.memory_space<vmem>>, vector<16xf32>,
        %mul3A_538 = arith.constant 128 : i32
        %mul3A_539 = arith.muli %scan3A_459, %mul3A_538 : i32
        %add3A_540 = arith.constant 96 : i32
        %add3A_541 = arith.addi %mul3A_539, %add3A_540 : i32
        %get3A_542 = arith.index_cast %add3A_541 : i32 to index
        %get3A_543 = tpu.vector_load %arg6[%get3A_542] {strides = array<i32>} : memref<4224xf32, #tpu.memory_space<vmem>>, vector<16xf32>,
        %add3A_544 = arith.addf %get3A_543, %get3A_236 : vector<16xf32>
        %add3A_545 = arith.addf %add3A_544, %get3A_191 : vector<16xf32>
        %add3A_546 = arith.constant 11 : i32
        %add3A_547 = arith.addi %add3A_546, %scan3A_459 : i32
        %swap3A_548 = arith.index_cast %add3A_547 : i32 to index
        %swap3A_549 = arith.constant 96 : index
        %swap3A_550 = tpu.vector_load %arg7[%swap3A_548, %swap3A_549] {strides = array<i32>} : memref<128x128xf32, #tpu.memory_space<vmem>>, vector<16xf32>,
        tpu.vector_store %arg7[%swap3A_548, %swap3A_549], %add3A_545 {strides = array<i32>} : memref<128x128xf32, #tpu.memory_space<vmem>>, vector<16xf32>,
        %mul3A_551 = arith.constant 128 : i32
        %mul3A_552 = arith.muli %scan3A_459, %mul3A_551 : i32
        %add3A_553 = arith.constant 112 : i32
        %add3A_554 = arith.addi %mul3A_552, %add3A_553 : i32
        %get3A_555 = arith.index_cast %add3A_554 : i32 to index
        %get3A_556 = tpu.vector_load %arg6[%get3A_555] {strides = array<i32>} : memref<4224xf32, #tpu.memory_space<vmem>>, vector<16xf32>,
        %add3A_557 = arith.addf %get3A_556, %get3A_238 : vector<16xf32>
        %add3A_558 = arith.addf %add3A_557, %get3A_199 : vector<16xf32>
        %add3A_559 = arith.constant 11 : i32
        %add3A_560 = arith.addi %add3A_559, %scan3A_459 : i32
        %swap3A_561 = arith.index_cast %add3A_560 : i32 to index
        %swap3A_562 = arith.constant 112 : index
        %swap3A_563 = tpu.vector_load %arg7[%swap3A_561, %swap3A_562] {strides = array<i32>} : memref<128x128xf32, #tpu.memory_space<vmem>>, vector<16xf32>,
        tpu.vector_store %arg7[%swap3A_561, %swap3A_562], %add3A_558 {strides = array<i32>} : memref<128x128xf32, #tpu.memory_space<vmem>>, vector<16xf32>,
        %scan3A_564 = arith.constant 0 : i32
        scf.yield %scan3A_564 : i32
      }
      %scan3A_245 = arith.constant 11 : i32
      %get3A_246 = arith.constant 1664 : index
      %get3A_247 = tpu.vector_load %arg6[%get3A_246] {strides = array<i32>} : memref<4224xf32, #tpu.memory_space<vmem>>, vector<16xf32>,
      %get3A_248 = arith.constant 1680 : index
      %get3A_249 = tpu.vector_load %arg6[%get3A_248] {strides = array<i32>} : memref<4224xf32, #tpu.memory_space<vmem>>, vector<16xf32>,
      %get3A_250 = arith.constant 1696 : index
      %get3A_251 = tpu.vector_load %arg6[%get3A_250] {strides = array<i32>} : memref<4224xf32, #tpu.memory_space<vmem>>, vector<16xf32>,
      %get3A_252 = arith.constant 1712 : index
      %get3A_253 = tpu.vector_load %arg6[%get3A_252] {strides = array<i32>} : memref<4224xf32, #tpu.memory_space<vmem>>, vector<16xf32>,
      %get3A_254 = arith.constant 1728 : index
      %get3A_255 = tpu.vector_load %arg6[%get3A_254] {strides = array<i32>} : memref<4224xf32, #tpu.memory_space<vmem>>, vector<16xf32>,
      %get3A_256 = arith.constant 1744 : index
      %get3A_257 = tpu.vector_load %arg6[%get3A_256] {strides = array<i32>} : memref<4224xf32, #tpu.memory_space<vmem>>, vector<16xf32>,
      %get3A_258 = arith.constant 1760 : index
      %get3A_259 = tpu.vector_load %arg6[%get3A_258] {strides = array<i32>} : memref<4224xf32, #tpu.memory_space<vmem>>, vector<16xf32>,
      %get3A_260 = arith.constant 1776 : index
      %get3A_261 = tpu.vector_load %arg6[%get3A_260] {strides = array<i32>} : memref<4224xf32, #tpu.memory_space<vmem>>, vector<16xf32>,
      %scan3A_262 = arith.constant 0 : i32
      %scan3A_263 = arith.constant 0 : i32
      %scan3A_264 = arith.constant 11 : i32
      %scan3A_265 = arith.addi %scan3A_263, %scan3A_264 : i32
      %scan3A_266 = arith.constant 1 : i32
      %scan3A_267 = scf.for %scan3A_459 = %scan3A_263 to %scan3A_265 step %scan3A_266 iter_args(%scan3A_460 = %scan3A_262) -> (i32)  : i32 {
        %mul3A_461 = arith.constant 128 : i32
        %mul3A_462 = arith.muli %scan3A_459, %mul3A_461 : i32
        %add3A_463 = arith.constant 0 : i32
        %add3A_464 = arith.addi %mul3A_462, %add3A_463 : i32
        %get3A_465 = arith.index_cast %add3A_464 : i32 to index
        %get3A_466 = tpu.vector_load %arg6[%get3A_465] {strides = array<i32>} : memref<4224xf32, #tpu.memory_space<vmem>>, vector<16xf32>,
        %add3A_467 = arith.addf %get3A_466, %get3A_247 : vector<16xf32>
        %add3A_468 = arith.addf %add3A_467, %get3A_143 : vector<16xf32>
        %add3A_469 = arith.constant 22 : i32
        %add3A_470 = arith.addi %add3A_469, %scan3A_459 : i32
        %swap3A = arith.index_cast %add3A_470 : i32 to index
        %swap3A_471 = arith.constant 0 : index
        %swap3A_472 = tpu.vector_load %arg7[%swap3A, %swap3A_471] {strides = array<i32>} : memref<128x128xf32, #tpu.memory_space<vmem>>, vector<16xf32>,
        tpu.vector_store %arg7[%swap3A, %swap3A_471], %add3A_468 {strides = array<i32>} : memref<128x128xf32, #tpu.memory_space<vmem>>, vector<16xf32>,
        %mul3A_473 = arith.constant 128 : i32
        %mul3A_474 = arith.muli %scan3A_459, %mul3A_473 : i32
        %add3A_475 = arith.constant 16 : i32
        %add3A_476 = arith.addi %mul3A_474, %add3A_475 : i32
        %get3A_477 = arith.index_cast %add3A_476 : i32 to index
        %get3A_478 = tpu.vector_load %arg6[%get3A_477] {strides = array<i32>} : memref<4224xf32, #tpu.memory_space<vmem>>, vector<16xf32>,
        %add3A_479 = arith.addf %get3A_478, %get3A_249 : vector<16xf32>
        %add3A_480 = arith.addf %add3A_479, %get3A_151 : vector<16xf32>
        %add3A_481 = arith.constant 22 : i32
        %add3A_482 = arith.addi %add3A_481, %scan3A_459 : i32
        %swap3A_483 = arith.index_cast %add3A_482 : i32 to index
        %swap3A_484 = arith.constant 16 : index
        %swap3A_485 = tpu.vector_load %arg7[%swap3A_483, %swap3A_484] {strides = array<i32>} : memref<128x128xf32, #tpu.memory_space<vmem>>, vector<16xf32>,
        tpu.vector_store %arg7[%swap3A_483, %swap3A_484], %add3A_480 {strides = array<i32>} : memref<128x128xf32, #tpu.memory_space<vmem>>, vector<16xf32>,
        %mul3A_486 = arith.constant 128 : i32
        %mul3A_487 = arith.muli %scan3A_459, %mul3A_486 : i32
        %add3A_488 = arith.constant 32 : i32
        %add3A_489 = arith.addi %mul3A_487, %add3A_488 : i32
        %get3A_490 = arith.index_cast %add3A_489 : i32 to index
        %get3A_491 = tpu.vector_load %arg6[%get3A_490] {strides = array<i32>} : memref<4224xf32, #tpu.memory_space<vmem>>, vector<16xf32>,
        %add3A_492 = arith.addf %get3A_491, %get3A_251 : vector<16xf32>
        %add3A_493 = arith.addf %add3A_492, %get3A_159 : vector<16xf32>
        %add3A_494 = arith.constant 22 : i32
        %add3A_495 = arith.addi %add3A_494, %scan3A_459 : i32
        %swap3A_496 = arith.index_cast %add3A_495 : i32 to index
        %swap3A_497 = arith.constant 32 : index
        %swap3A_498 = tpu.vector_load %arg7[%swap3A_496, %swap3A_497] {strides = array<i32>} : memref<128x128xf32, #tpu.memory_space<vmem>>, vector<16xf32>,
        tpu.vector_store %arg7[%swap3A_496, %swap3A_497], %add3A_493 {strides = array<i32>} : memref<128x128xf32, #tpu.memory_space<vmem>>, vector<16xf32>,
        %mul3A_499 = arith.constant 128 : i32
        %mul3A_500 = arith.muli %scan3A_459, %mul3A_499 : i32
        %add3A_501 = arith.constant 48 : i32
        %add3A_502 = arith.addi %mul3A_500, %add3A_501 : i32
        %get3A_503 = arith.index_cast %add3A_502 : i32 to index
        %get3A_504 = tpu.vector_load %arg6[%get3A_503] {strides = array<i32>} : memref<4224xf32, #tpu.memory_space<vmem>>, vector<16xf32>,
        %add3A_505 = arith.addf %get3A_504, %get3A_253 : vector<16xf32>
        %add3A_506 = arith.addf %add3A_505, %get3A_167 : vector<16xf32>
        %add3A_507 = arith.constant 22 : i32
        %add3A_508 = arith.addi %add3A_507, %scan3A_459 : i32
        %swap3A_509 = arith.index_cast %add3A_508 : i32 to index
        %swap3A_510 = arith.constant 48 : index
        %swap3A_511 = tpu.vector_load %arg7[%swap3A_509, %swap3A_510] {strides = array<i32>} : memref<128x128xf32, #tpu.memory_space<vmem>>, vector<16xf32>,
        tpu.vector_store %arg7[%swap3A_509, %swap3A_510], %add3A_506 {strides = array<i32>} : memref<128x128xf32, #tpu.memory_space<vmem>>, vector<16xf32>,
        %mul3A_512 = arith.constant 128 : i32
        %mul3A_513 = arith.muli %scan3A_459, %mul3A_512 : i32
        %add3A_514 = arith.constant 64 : i32
        %add3A_515 = arith.addi %mul3A_513, %add3A_514 : i32
        %get3A_516 = arith.index_cast %add3A_515 : i32 to index
        %get3A_517 = tpu.vector_load %arg6[%get3A_516] {strides = array<i32>} : memref<4224xf32, #tpu.memory_space<vmem>>, vector<16xf32>,
        %add3A_518 = arith.addf %get3A_517, %get3A_255 : vector<16xf32>
        %add3A_519 = arith.addf %add3A_518, %get3A_175 : vector<16xf32>
        %add3A_520 = arith.constant 22 : i32
        %add3A_521 = arith.addi %add3A_520, %scan3A_459 : i32
        %swap3A_522 = arith.index_cast %add3A_521 : i32 to index
        %swap3A_523 = arith.constant 64 : index
        %swap3A_524 = tpu.vector_load %arg7[%swap3A_522, %swap3A_523] {strides = array<i32>} : memref<128x128xf32, #tpu.memory_space<vmem>>, vector<16xf32>,
        tpu.vector_store %arg7[%swap3A_522, %swap3A_523], %add3A_519 {strides = array<i32>} : memref<128x128xf32, #tpu.memory_space<vmem>>, vector<16xf32>,
        %mul3A_525 = arith.constant 128 : i32
        %mul3A_526 = arith.muli %scan3A_459, %mul3A_525 : i32
        %add3A_527 = arith.constant 80 : i32
        %add3A_528 = arith.addi %mul3A_526, %add3A_527 : i32
        %get3A_529 = arith.index_cast %add3A_528 : i32 to index
        %get3A_530 = tpu.vector_load %arg6[%get3A_529] {strides = array<i32>} : memref<4224xf32, #tpu.memory_space<vmem>>, vector<16xf32>,
        %add3A_531 = arith.addf %get3A_530, %get3A_257 : vector<16xf32>
        %add3A_532 = arith.addf %add3A_531, %get3A_183 : vector<16xf32>
        %add3A_533 = arith.constant 22 : i32
        %add3A_534 = arith.addi %add3A_533, %scan3A_459 : i32
        %swap3A_535 = arith.index_cast %add3A_534 : i32 to index
        %swap3A_536 = arith.constant 80 : index
        %swap3A_537 = tpu.vector_load %arg7[%swap3A_535, %swap3A_536] {strides = array<i32>} : memref<128x128xf32, #tpu.memory_space<vmem>>, vector<16xf32>,
        tpu.vector_store %arg7[%swap3A_535, %swap3A_536], %add3A_532 {strides = array<i32>} : memref<128x128xf32, #tpu.memory_space<vmem>>, vector<16xf32>,
        %mul3A_538 = arith.constant 128 : i32
        %mul3A_539 = arith.muli %scan3A_459, %mul3A_538 : i32
        %add3A_540 = arith.constant 96 : i32
        %add3A_541 = arith.addi %mul3A_539, %add3A_540 : i32
        %get3A_542 = arith.index_cast %add3A_541 : i32 to index
        %get3A_543 = tpu.vector_load %arg6[%get3A_542] {strides = array<i32>} : memref<4224xf32, #tpu.memory_space<vmem>>, vector<16xf32>,
        %add3A_544 = arith.addf %get3A_543, %get3A_259 : vector<16xf32>
        %add3A_545 = arith.addf %add3A_544, %get3A_191 : vector<16xf32>
        %add3A_546 = arith.constant 22 : i32
        %add3A_547 = arith.addi %add3A_546, %scan3A_459 : i32
        %swap3A_548 = arith.index_cast %add3A_547 : i32 to index
        %swap3A_549 = arith.constant 96 : index
        %swap3A_550 = tpu.vector_load %arg7[%swap3A_548, %swap3A_549] {strides = array<i32>} : memref<128x128xf32, #tpu.memory_space<vmem>>, vector<16xf32>,
        tpu.vector_store %arg7[%swap3A_548, %swap3A_549], %add3A_545 {strides = array<i32>} : memref<128x128xf32, #tpu.memory_space<vmem>>, vector<16xf32>,
        %mul3A_551 = arith.constant 128 : i32
        %mul3A_552 = arith.muli %scan3A_459, %mul3A_551 : i32
        %add3A_553 = arith.constant 112 : i32
        %add3A_554 = arith.addi %mul3A_552, %add3A_553 : i32
        %get3A_555 = arith.index_cast %add3A_554 : i32 to index
        %get3A_556 = tpu.vector_load %arg6[%get3A_555] {strides = array<i32>} : memref<4224xf32, #tpu.memory_space<vmem>>, vector<16xf32>,
        %add3A_557 = arith.addf %get3A_556, %get3A_261 : vector<16xf32>
        %add3A_558 = arith.addf %add3A_557, %get3A_199 : vector<16xf32>
        %add3A_559 = arith.constant 22 : i32
        %add3A_560 = arith.addi %add3A_559, %scan3A_459 : i32
        %swap3A_561 = arith.index_cast %add3A_560 : i32 to index
        %swap3A_562 = arith.constant 112 : index
        %swap3A_563 = tpu.vector_load %arg7[%swap3A_561, %swap3A_562] {strides = array<i32>} : memref<128x128xf32, #tpu.memory_space<vmem>>, vector<16xf32>,
        tpu.vector_store %arg7[%swap3A_561, %swap3A_562], %add3A_558 {strides = array<i32>} : memref<128x128xf32, #tpu.memory_space<vmem>>, vector<16xf32>,
        %scan3A_564 = arith.constant 0 : i32
        scf.yield %scan3A_564 : i32
      }
      %scan3A_268 = arith.constant 11 : i32
      %get3A_269 = arith.constant 1792 : index
      %get3A_270 = tpu.vector_load %arg6[%get3A_269] {strides = array<i32>} : memref<4224xf32, #tpu.memory_space<vmem>>, vector<16xf32>,
      %get3A_271 = arith.constant 1808 : index
      %get3A_272 = tpu.vector_load %arg6[%get3A_271] {strides = array<i32>} : memref<4224xf32, #tpu.memory_space<vmem>>, vector<16xf32>,
      %get3A_273 = arith.constant 1824 : index
      %get3A_274 = tpu.vector_load %arg6[%get3A_273] {strides = array<i32>} : memref<4224xf32, #tpu.memory_space<vmem>>, vector<16xf32>,
      %get3A_275 = arith.constant 1840 : index
      %get3A_276 = tpu.vector_load %arg6[%get3A_275] {strides = array<i32>} : memref<4224xf32, #tpu.memory_space<vmem>>, vector<16xf32>,
      %get3A_277 = arith.constant 1856 : index
      %get3A_278 = tpu.vector_load %arg6[%get3A_277] {strides = array<i32>} : memref<4224xf32, #tpu.memory_space<vmem>>, vector<16xf32>,
      %get3A_279 = arith.constant 1872 : index
      %get3A_280 = tpu.vector_load %arg6[%get3A_279] {strides = array<i32>} : memref<4224xf32, #tpu.memory_space<vmem>>, vector<16xf32>,
      %get3A_281 = arith.constant 1888 : index
      %get3A_282 = tpu.vector_load %arg6[%get3A_281] {strides = array<i32>} : memref<4224xf32, #tpu.memory_space<vmem>>, vector<16xf32>,
      %get3A_283 = arith.constant 1904 : index
      %get3A_284 = tpu.vector_load %arg6[%get3A_283] {strides = array<i32>} : memref<4224xf32, #tpu.memory_space<vmem>>, vector<16xf32>,
      %scan3A_285 = arith.constant 0 : i32
      %scan3A_286 = arith.constant 0 : i32
      %scan3A_287 = arith.constant 11 : i32
      %scan3A_288 = arith.addi %scan3A_286, %scan3A_287 : i32
      %scan3A_289 = arith.constant 1 : i32
      %scan3A_290 = scf.for %scan3A_459 = %scan3A_286 to %scan3A_288 step %scan3A_289 iter_args(%scan3A_460 = %scan3A_285) -> (i32)  : i32 {
        %mul3A_461 = arith.constant 128 : i32
        %mul3A_462 = arith.muli %scan3A_459, %mul3A_461 : i32
        %add3A_463 = arith.constant 0 : i32
        %add3A_464 = arith.addi %mul3A_462, %add3A_463 : i32
        %get3A_465 = arith.index_cast %add3A_464 : i32 to index
        %get3A_466 = tpu.vector_load %arg6[%get3A_465] {strides = array<i32>} : memref<4224xf32, #tpu.memory_space<vmem>>, vector<16xf32>,
        %add3A_467 = arith.addf %get3A_466, %get3A_270 : vector<16xf32>
        %add3A_468 = arith.addf %add3A_467, %get3A_143 : vector<16xf32>
        %add3A_469 = arith.constant 33 : i32
        %add3A_470 = arith.addi %add3A_469, %scan3A_459 : i32
        %swap3A = arith.index_cast %add3A_470 : i32 to index
        %swap3A_471 = arith.constant 0 : index
        %swap3A_472 = tpu.vector_load %arg7[%swap3A, %swap3A_471] {strides = array<i32>} : memref<128x128xf32, #tpu.memory_space<vmem>>, vector<16xf32>,
        tpu.vector_store %arg7[%swap3A, %swap3A_471], %add3A_468 {strides = array<i32>} : memref<128x128xf32, #tpu.memory_space<vmem>>, vector<16xf32>,
        %mul3A_473 = arith.constant 128 : i32
        %mul3A_474 = arith.muli %scan3A_459, %mul3A_473 : i32
        %add3A_475 = arith.constant 16 : i32
        %add3A_476 = arith.addi %mul3A_474, %add3A_475 : i32
        %get3A_477 = arith.index_cast %add3A_476 : i32 to index
        %get3A_478 = tpu.vector_load %arg6[%get3A_477] {strides = array<i32>} : memref<4224xf32, #tpu.memory_space<vmem>>, vector<16xf32>,
        %add3A_479 = arith.addf %get3A_478, %get3A_272 : vector<16xf32>
        %add3A_480 = arith.addf %add3A_479, %get3A_151 : vector<16xf32>
        %add3A_481 = arith.constant 33 : i32
        %add3A_482 = arith.addi %add3A_481, %scan3A_459 : i32
        %swap3A_483 = arith.index_cast %add3A_482 : i32 to index
        %swap3A_484 = arith.constant 16 : index
        %swap3A_485 = tpu.vector_load %arg7[%swap3A_483, %swap3A_484] {strides = array<i32>} : memref<128x128xf32, #tpu.memory_space<vmem>>, vector<16xf32>,
        tpu.vector_store %arg7[%swap3A_483, %swap3A_484], %add3A_480 {strides = array<i32>} : memref<128x128xf32, #tpu.memory_space<vmem>>, vector<16xf32>,
        %mul3A_486 = arith.constant 128 : i32
        %mul3A_487 = arith.muli %scan3A_459, %mul3A_486 : i32
        %add3A_488 = arith.constant 32 : i32
        %add3A_489 = arith.addi %mul3A_487, %add3A_488 : i32
        %get3A_490 = arith.index_cast %add3A_489 : i32 to index
        %get3A_491 = tpu.vector_load %arg6[%get3A_490] {strides = array<i32>} : memref<4224xf32, #tpu.memory_space<vmem>>, vector<16xf32>,
        %add3A_492 = arith.addf %get3A_491, %get3A_274 : vector<16xf32>
        %add3A_493 = arith.addf %add3A_492, %get3A_159 : vector<16xf32>
        %add3A_494 = arith.constant 33 : i32
        %add3A_495 = arith.addi %add3A_494, %scan3A_459 : i32
        %swap3A_496 = arith.index_cast %add3A_495 : i32 to index
        %swap3A_497 = arith.constant 32 : index
        %swap3A_498 = tpu.vector_load %arg7[%swap3A_496, %swap3A_497] {strides = array<i32>} : memref<128x128xf32, #tpu.memory_space<vmem>>, vector<16xf32>,
        tpu.vector_store %arg7[%swap3A_496, %swap3A_497], %add3A_493 {strides = array<i32>} : memref<128x128xf32, #tpu.memory_space<vmem>>, vector<16xf32>,
        %mul3A_499 = arith.constant 128 : i32
        %mul3A_500 = arith.muli %scan3A_459, %mul3A_499 : i32
        %add3A_501 = arith.constant 48 : i32
        %add3A_502 = arith.addi %mul3A_500, %add3A_501 : i32
        %get3A_503 = arith.index_cast %add3A_502 : i32 to index
        %get3A_504 = tpu.vector_load %arg6[%get3A_503] {strides = array<i32>} : memref<4224xf32, #tpu.memory_space<vmem>>, vector<16xf32>,
        %add3A_505 = arith.addf %get3A_504, %get3A_276 : vector<16xf32>
        %add3A_506 = arith.addf %add3A_505, %get3A_167 : vector<16xf32>
        %add3A_507 = arith.constant 33 : i32
        %add3A_508 = arith.addi %add3A_507, %scan3A_459 : i32
        %swap3A_509 = arith.index_cast %add3A_508 : i32 to index
        %swap3A_510 = arith.constant 48 : index
        %swap3A_511 = tpu.vector_load %arg7[%swap3A_509, %swap3A_510] {strides = array<i32>} : memref<128x128xf32, #tpu.memory_space<vmem>>, vector<16xf32>,
        tpu.vector_store %arg7[%swap3A_509, %swap3A_510], %add3A_506 {strides = array<i32>} : memref<128x128xf32, #tpu.memory_space<vmem>>, vector<16xf32>,
        %mul3A_512 = arith.constant 128 : i32
        %mul3A_513 = arith.muli %scan3A_459, %mul3A_512 : i32
        %add3A_514 = arith.constant 64 : i32
        %add3A_515 = arith.addi %mul3A_513, %add3A_514 : i32
        %get3A_516 = arith.index_cast %add3A_515 : i32 to index
        %get3A_517 = tpu.vector_load %arg6[%get3A_516] {strides = array<i32>} : memref<4224xf32, #tpu.memory_space<vmem>>, vector<16xf32>,
        %add3A_518 = arith.addf %get3A_517, %get3A_278 : vector<16xf32>
        %add3A_519 = arith.addf %add3A_518, %get3A_175 : vector<16xf32>
        %add3A_520 = arith.constant 33 : i32
        %add3A_521 = arith.addi %add3A_520, %scan3A_459 : i32
        %swap3A_522 = arith.index_cast %add3A_521 : i32 to index
        %swap3A_523 = arith.constant 64 : index
        %swap3A_524 = tpu.vector_load %arg7[%swap3A_522, %swap3A_523] {strides = array<i32>} : memref<128x128xf32, #tpu.memory_space<vmem>>, vector<16xf32>,
        tpu.vector_store %arg7[%swap3A_522, %swap3A_523], %add3A_519 {strides = array<i32>} : memref<128x128xf32, #tpu.memory_space<vmem>>, vector<16xf32>,
        %mul3A_525 = arith.constant 128 : i32
        %mul3A_526 = arith.muli %scan3A_459, %mul3A_525 : i32
        %add3A_527 = arith.constant 80 : i32
        %add3A_528 = arith.addi %mul3A_526, %add3A_527 : i32
        %get3A_529 = arith.index_cast %add3A_528 : i32 to index
        %get3A_530 = tpu.vector_load %arg6[%get3A_529] {strides = array<i32>} : memref<4224xf32, #tpu.memory_space<vmem>>, vector<16xf32>,
        %add3A_531 = arith.addf %get3A_530, %get3A_280 : vector<16xf32>
        %add3A_532 = arith.addf %add3A_531, %get3A_183 : vector<16xf32>
        %add3A_533 = arith.constant 33 : i32
        %add3A_534 = arith.addi %add3A_533, %scan3A_459 : i32
        %swap3A_535 = arith.index_cast %add3A_534 : i32 to index
        %swap3A_536 = arith.constant 80 : index
        %swap3A_537 = tpu.vector_load %arg7[%swap3A_535, %swap3A_536] {strides = array<i32>} : memref<128x128xf32, #tpu.memory_space<vmem>>, vector<16xf32>,
        tpu.vector_store %arg7[%swap3A_535, %swap3A_536], %add3A_532 {strides = array<i32>} : memref<128x128xf32, #tpu.memory_space<vmem>>, vector<16xf32>,
        %mul3A_538 = arith.constant 128 : i32
        %mul3A_539 = arith.muli %scan3A_459, %mul3A_538 : i32
        %add3A_540 = arith.constant 96 : i32
        %add3A_541 = arith.addi %mul3A_539, %add3A_540 : i32
        %get3A_542 = arith.index_cast %add3A_541 : i32 to index
        %get3A_543 = tpu.vector_load %arg6[%get3A_542] {strides = array<i32>} : memref<4224xf32, #tpu.memory_space<vmem>>, vector<16xf32>,
        %add3A_544 = arith.addf %get3A_543, %get3A_282 : vector<16xf32>
        %add3A_545 = arith.addf %add3A_544, %get3A_191 : vector<16xf32>
        %add3A_546 = arith.constant 33 : i32
        %add3A_547 = arith.addi %add3A_546, %scan3A_459 : i32
        %swap3A_548 = arith.index_cast %add3A_547 : i32 to index
        %swap3A_549 = arith.constant 96 : index
        %swap3A_550 = tpu.vector_load %arg7[%swap3A_548, %swap3A_549] {strides = array<i32>} : memref<128x128xf32, #tpu.memory_space<vmem>>, vector<16xf32>,
        tpu.vector_store %arg7[%swap3A_548, %swap3A_549], %add3A_545 {strides = array<i32>} : memref<128x128xf32, #tpu.memory_space<vmem>>, vector<16xf32>,
        %mul3A_551 = arith.constant 128 : i32
        %mul3A_552 = arith.muli %scan3A_459, %mul3A_551 : i32
        %add3A_553 = arith.constant 112 : i32
        %add3A_554 = arith.addi %mul3A_552, %add3A_553 : i32
        %get3A_555 = arith.index_cast %add3A_554 : i32 to index
        %get3A_556 = tpu.vector_load %arg6[%get3A_555] {strides = array<i32>} : memref<4224xf32, #tpu.memory_space<vmem>>, vector<16xf32>,
        %add3A_557 = arith.addf %get3A_556, %get3A_284 : vector<16xf32>
        %add3A_558 = arith.addf %add3A_557, %get3A_199 : vector<16xf32>
        %add3A_559 = arith.constant 33 : i32
        %add3A_560 = arith.addi %add3A_559, %scan3A_459 : i32
        %swap3A_561 = arith.index_cast %add3A_560 : i32 to index
        %swap3A_562 = arith.constant 112 : index
        %swap3A_563 = tpu.vector_load %arg7[%swap3A_561, %swap3A_562] {strides = array<i32>} : memref<128x128xf32, #tpu.memory_space<vmem>>, vector<16xf32>,
        tpu.vector_store %arg7[%swap3A_561, %swap3A_562], %add3A_558 {strides = array<i32>} : memref<128x128xf32, #tpu.memory_space<vmem>>, vector<16xf32>,
        %scan3A_564 = arith.constant 0 : i32
        scf.yield %scan3A_564 : i32
      }
      %scan3A_291 = arith.constant 11 : i32
      %get3A_292 = arith.constant 1920 : index
      %get3A_293 = tpu.vector_load %arg6[%get3A_292] {strides = array<i32>} : memref<4224xf32, #tpu.memory_space<vmem>>, vector<16xf32>,
      %get3A_294 = arith.constant 1936 : index
      %get3A_295 = tpu.vector_load %arg6[%get3A_294] {strides = array<i32>} : memref<4224xf32, #tpu.memory_space<vmem>>, vector<16xf32>,
      %get3A_296 = arith.constant 1952 : index
      %get3A_297 = tpu.vector_load %arg6[%get3A_296] {strides = array<i32>} : memref<4224xf32, #tpu.memory_space<vmem>>, vector<16xf32>,
      %get3A_298 = arith.constant 1968 : index
      %get3A_299 = tpu.vector_load %arg6[%get3A_298] {strides = array<i32>} : memref<4224xf32, #tpu.memory_space<vmem>>, vector<16xf32>,
      %get3A_300 = arith.constant 1984 : index
      %get3A_301 = tpu.vector_load %arg6[%get3A_300] {strides = array<i32>} : memref<4224xf32, #tpu.memory_space<vmem>>, vector<16xf32>,
      %get3A_302 = arith.constant 2000 : index
      %get3A_303 = tpu.vector_load %arg6[%get3A_302] {strides = array<i32>} : memref<4224xf32, #tpu.memory_space<vmem>>, vector<16xf32>,
      %get3A_304 = arith.constant 2016 : index
      %get3A_305 = tpu.vector_load %arg6[%get3A_304] {strides = array<i32>} : memref<4224xf32, #tpu.memory_space<vmem>>, vector<16xf32>,
      %get3A_306 = arith.constant 2032 : index
      %get3A_307 = tpu.vector_load %arg6[%get3A_306] {strides = array<i32>} : memref<4224xf32, #tpu.memory_space<vmem>>, vector<16xf32>,
      %scan3A_308 = arith.constant 0 : i32
      %scan3A_309 = arith.constant 0 : i32
      %scan3A_310 = arith.constant 11 : i32
      %scan3A_311 = arith.addi %scan3A_309, %scan3A_310 : i32
      %scan3A_312 = arith.constant 1 : i32
      %scan3A_313 = scf.for %scan3A_459 = %scan3A_309 to %scan3A_311 step %scan3A_312 iter_args(%scan3A_460 = %scan3A_308) -> (i32)  : i32 {
        %mul3A_461 = arith.constant 128 : i32
        %mul3A_462 = arith.muli %scan3A_459, %mul3A_461 : i32
        %add3A_463 = arith.constant 0 : i32
        %add3A_464 = arith.addi %mul3A_462, %add3A_463 : i32
        %get3A_465 = arith.index_cast %add3A_464 : i32 to index
        %get3A_466 = tpu.vector_load %arg6[%get3A_465] {strides = array<i32>} : memref<4224xf32, #tpu.memory_space<vmem>>, vector<16xf32>,
        %add3A_467 = arith.addf %get3A_466, %get3A_293 : vector<16xf32>
        %add3A_468 = arith.addf %add3A_467, %get3A_143 : vector<16xf32>
        %add3A_469 = arith.constant 44 : i32
        %add3A_470 = arith.addi %add3A_469, %scan3A_459 : i32
        %swap3A = arith.index_cast %add3A_470 : i32 to index
        %swap3A_471 = arith.constant 0 : index
        %swap3A_472 = tpu.vector_load %arg7[%swap3A, %swap3A_471] {strides = array<i32>} : memref<128x128xf32, #tpu.memory_space<vmem>>, vector<16xf32>,
        tpu.vector_store %arg7[%swap3A, %swap3A_471], %add3A_468 {strides = array<i32>} : memref<128x128xf32, #tpu.memory_space<vmem>>, vector<16xf32>,
        %mul3A_473 = arith.constant 128 : i32
        %mul3A_474 = arith.muli %scan3A_459, %mul3A_473 : i32
        %add3A_475 = arith.constant 16 : i32
        %add3A_476 = arith.addi %mul3A_474, %add3A_475 : i32
        %get3A_477 = arith.index_cast %add3A_476 : i32 to index
        %get3A_478 = tpu.vector_load %arg6[%get3A_477] {strides = array<i32>} : memref<4224xf32, #tpu.memory_space<vmem>>, vector<16xf32>,
        %add3A_479 = arith.addf %get3A_478, %get3A_295 : vector<16xf32>
        %add3A_480 = arith.addf %add3A_479, %get3A_151 : vector<16xf32>
        %add3A_481 = arith.constant 44 : i32
        %add3A_482 = arith.addi %add3A_481, %scan3A_459 : i32
        %swap3A_483 = arith.index_cast %add3A_482 : i32 to index
        %swap3A_484 = arith.constant 16 : index
        %swap3A_485 = tpu.vector_load %arg7[%swap3A_483, %swap3A_484] {strides = array<i32>} : memref<128x128xf32, #tpu.memory_space<vmem>>, vector<16xf32>,
        tpu.vector_store %arg7[%swap3A_483, %swap3A_484], %add3A_480 {strides = array<i32>} : memref<128x128xf32, #tpu.memory_space<vmem>>, vector<16xf32>,
        %mul3A_486 = arith.constant 128 : i32
        %mul3A_487 = arith.muli %scan3A_459, %mul3A_486 : i32
        %add3A_488 = arith.constant 32 : i32
        %add3A_489 = arith.addi %mul3A_487, %add3A_488 : i32
        %get3A_490 = arith.index_cast %add3A_489 : i32 to index
        %get3A_491 = tpu.vector_load %arg6[%get3A_490] {strides = array<i32>} : memref<4224xf32, #tpu.memory_space<vmem>>, vector<16xf32>,
        %add3A_492 = arith.addf %get3A_491, %get3A_297 : vector<16xf32>
        %add3A_493 = arith.addf %add3A_492, %get3A_159 : vector<16xf32>
        %add3A_494 = arith.constant 44 : i32
        %add3A_495 = arith.addi %add3A_494, %scan3A_459 : i32
        %swap3A_496 = arith.index_cast %add3A_495 : i32 to index
        %swap3A_497 = arith.constant 32 : index
        %swap3A_498 = tpu.vector_load %arg7[%swap3A_496, %swap3A_497] {strides = array<i32>} : memref<128x128xf32, #tpu.memory_space<vmem>>, vector<16xf32>,
        tpu.vector_store %arg7[%swap3A_496, %swap3A_497], %add3A_493 {strides = array<i32>} : memref<128x128xf32, #tpu.memory_space<vmem>>, vector<16xf32>,
        %mul3A_499 = arith.constant 128 : i32
        %mul3A_500 = arith.muli %scan3A_459, %mul3A_499 : i32
        %add3A_501 = arith.constant 48 : i32
        %add3A_502 = arith.addi %mul3A_500, %add3A_501 : i32
        %get3A_503 = arith.index_cast %add3A_502 : i32 to index
        %get3A_504 = tpu.vector_load %arg6[%get3A_503] {strides = array<i32>} : memref<4224xf32, #tpu.memory_space<vmem>>, vector<16xf32>,
        %add3A_505 = arith.addf %get3A_504, %get3A_299 : vector<16xf32>
        %add3A_506 = arith.addf %add3A_505, %get3A_167 : vector<16xf32>
        %add3A_507 = arith.constant 44 : i32
        %add3A_508 = arith.addi %add3A_507, %scan3A_459 : i32
        %swap3A_509 = arith.index_cast %add3A_508 : i32 to index
        %swap3A_510 = arith.constant 48 : index
        %swap3A_511 = tpu.vector_load %arg7[%swap3A_509, %swap3A_510] {strides = array<i32>} : memref<128x128xf32, #tpu.memory_space<vmem>>, vector<16xf32>,
        tpu.vector_store %arg7[%swap3A_509, %swap3A_510], %add3A_506 {strides = array<i32>} : memref<128x128xf32, #tpu.memory_space<vmem>>, vector<16xf32>,
        %mul3A_512 = arith.constant 128 : i32
        %mul3A_513 = arith.muli %scan3A_459, %mul3A_512 : i32
        %add3A_514 = arith.constant 64 : i32
        %add3A_515 = arith.addi %mul3A_513, %add3A_514 : i32
        %get3A_516 = arith.index_cast %add3A_515 : i32 to index
        %get3A_517 = tpu.vector_load %arg6[%get3A_516] {strides = array<i32>} : memref<4224xf32, #tpu.memory_space<vmem>>, vector<16xf32>,
        %add3A_518 = arith.addf %get3A_517, %get3A_301 : vector<16xf32>
        %add3A_519 = arith.addf %add3A_518, %get3A_175 : vector<16xf32>
        %add3A_520 = arith.constant 44 : i32
        %add3A_521 = arith.addi %add3A_520, %scan3A_459 : i32
        %swap3A_522 = arith.index_cast %add3A_521 : i32 to index
        %swap3A_523 = arith.constant 64 : index
        %swap3A_524 = tpu.vector_load %arg7[%swap3A_522, %swap3A_523] {strides = array<i32>} : memref<128x128xf32, #tpu.memory_space<vmem>>, vector<16xf32>,
        tpu.vector_store %arg7[%swap3A_522, %swap3A_523], %add3A_519 {strides = array<i32>} : memref<128x128xf32, #tpu.memory_space<vmem>>, vector<16xf32>,
        %mul3A_525 = arith.constant 128 : i32
        %mul3A_526 = arith.muli %scan3A_459, %mul3A_525 : i32
        %add3A_527 = arith.constant 80 : i32
        %add3A_528 = arith.addi %mul3A_526, %add3A_527 : i32
        %get3A_529 = arith.index_cast %add3A_528 : i32 to index
        %get3A_530 = tpu.vector_load %arg6[%get3A_529] {strides = array<i32>} : memref<4224xf32, #tpu.memory_space<vmem>>, vector<16xf32>,
        %add3A_531 = arith.addf %get3A_530, %get3A_303 : vector<16xf32>
        %add3A_532 = arith.addf %add3A_531, %get3A_183 : vector<16xf32>
        %add3A_533 = arith.constant 44 : i32
        %add3A_534 = arith.addi %add3A_533, %scan3A_459 : i32
        %swap3A_535 = arith.index_cast %add3A_534 : i32 to index
        %swap3A_536 = arith.constant 80 : index
        %swap3A_537 = tpu.vector_load %arg7[%swap3A_535, %swap3A_536] {strides = array<i32>} : memref<128x128xf32, #tpu.memory_space<vmem>>, vector<16xf32>,
        tpu.vector_store %arg7[%swap3A_535, %swap3A_536], %add3A_532 {strides = array<i32>} : memref<128x128xf32, #tpu.memory_space<vmem>>, vector<16xf32>,
        %mul3A_538 = arith.constant 128 : i32
        %mul3A_539 = arith.muli %scan3A_459, %mul3A_538 : i32
        %add3A_540 = arith.constant 96 : i32
        %add3A_541 = arith.addi %mul3A_539, %add3A_540 : i32
        %get3A_542 = arith.index_cast %add3A_541 : i32 to index
        %get3A_543 = tpu.vector_load %arg6[%get3A_542] {strides = array<i32>} : memref<4224xf32, #tpu.memory_space<vmem>>, vector<16xf32>,
        %add3A_544 = arith.addf %get3A_543, %get3A_305 : vector<16xf32>
        %add3A_545 = arith.addf %add3A_544, %get3A_191 : vector<16xf32>
        %add3A_546 = arith.constant 44 : i32
        %add3A_547 = arith.addi %add3A_546, %scan3A_459 : i32
        %swap3A_548 = arith.index_cast %add3A_547 : i32 to index
        %swap3A_549 = arith.constant 96 : index
        %swap3A_550 = tpu.vector_load %arg7[%swap3A_548, %swap3A_549] {strides = array<i32>} : memref<128x128xf32, #tpu.memory_space<vmem>>, vector<16xf32>,
        tpu.vector_store %arg7[%swap3A_548, %swap3A_549], %add3A_545 {strides = array<i32>} : memref<128x128xf32, #tpu.memory_space<vmem>>, vector<16xf32>,
        %mul3A_551 = arith.constant 128 : i32
        %mul3A_552 = arith.muli %scan3A_459, %mul3A_551 : i32
        %add3A_553 = arith.constant 112 : i32
        %add3A_554 = arith.addi %mul3A_552, %add3A_553 : i32
        %get3A_555 = arith.index_cast %add3A_554 : i32 to index
        %get3A_556 = tpu.vector_load %arg6[%get3A_555] {strides = array<i32>} : memref<4224xf32, #tpu.memory_space<vmem>>, vector<16xf32>,
        %add3A_557 = arith.addf %get3A_556, %get3A_307 : vector<16xf32>
        %add3A_558 = arith.addf %add3A_557, %get3A_199 : vector<16xf32>
        %add3A_559 = arith.constant 44 : i32
        %add3A_560 = arith.addi %add3A_559, %scan3A_459 : i32
        %swap3A_561 = arith.index_cast %add3A_560 : i32 to index
        %swap3A_562 = arith.constant 112 : index
        %swap3A_563 = tpu.vector_load %arg7[%swap3A_561, %swap3A_562] {strides = array<i32>} : memref<128x128xf32, #tpu.memory_space<vmem>>, vector<16xf32>,
        tpu.vector_store %arg7[%swap3A_561, %swap3A_562], %add3A_558 {strides = array<i32>} : memref<128x128xf32, #tpu.memory_space<vmem>>, vector<16xf32>,
        %scan3A_564 = arith.constant 0 : i32
        scf.yield %scan3A_564 : i32
      }
      %scan3A_314 = arith.constant 11 : i32
      %get3A_315 = arith.constant 2048 : index
      %get3A_316 = tpu.vector_load %arg6[%get3A_315] {strides = array<i32>} : memref<4224xf32, #tpu.memory_space<vmem>>, vector<16xf32>,
      %get3A_317 = arith.constant 2064 : index
      %get3A_318 = tpu.vector_load %arg6[%get3A_317] {strides = array<i32>} : memref<4224xf32, #tpu.memory_space<vmem>>, vector<16xf32>,
      %get3A_319 = arith.constant 2080 : index
      %get3A_320 = tpu.vector_load %arg6[%get3A_319] {strides = array<i32>} : memref<4224xf32, #tpu.memory_space<vmem>>, vector<16xf32>,
      %get3A_321 = arith.constant 2096 : index
      %get3A_322 = tpu.vector_load %arg6[%get3A_321] {strides = array<i32>} : memref<4224xf32, #tpu.memory_space<vmem>>, vector<16xf32>,
      %get3A_323 = arith.constant 2112 : index
      %get3A_324 = tpu.vector_load %arg6[%get3A_323] {strides = array<i32>} : memref<4224xf32, #tpu.memory_space<vmem>>, vector<16xf32>,
      %get3A_325 = arith.constant 2128 : index
      %get3A_326 = tpu.vector_load %arg6[%get3A_325] {strides = array<i32>} : memref<4224xf32, #tpu.memory_space<vmem>>, vector<16xf32>,
      %get3A_327 = arith.constant 2144 : index
      %get3A_328 = tpu.vector_load %arg6[%get3A_327] {strides = array<i32>} : memref<4224xf32, #tpu.memory_space<vmem>>, vector<16xf32>,
      %get3A_329 = arith.constant 2160 : index
      %get3A_330 = tpu.vector_load %arg6[%get3A_329] {strides = array<i32>} : memref<4224xf32, #tpu.memory_space<vmem>>, vector<16xf32>,
      %scan3A_331 = arith.constant 0 : i32
      %scan3A_332 = arith.constant 0 : i32
      %scan3A_333 = arith.constant 11 : i32
      %scan3A_334 = arith.addi %scan3A_332, %scan3A_333 : i32
      %scan3A_335 = arith.constant 1 : i32
      %scan3A_336 = scf.for %scan3A_459 = %scan3A_332 to %scan3A_334 step %scan3A_335 iter_args(%scan3A_460 = %scan3A_331) -> (i32)  : i32 {
        %mul3A_461 = arith.constant 128 : i32
        %mul3A_462 = arith.muli %scan3A_459, %mul3A_461 : i32
        %add3A_463 = arith.constant 0 : i32
        %add3A_464 = arith.addi %mul3A_462, %add3A_463 : i32
        %get3A_465 = arith.index_cast %add3A_464 : i32 to index
        %get3A_466 = tpu.vector_load %arg6[%get3A_465] {strides = array<i32>} : memref<4224xf32, #tpu.memory_space<vmem>>, vector<16xf32>,
        %add3A_467 = arith.addf %get3A_466, %get3A_316 : vector<16xf32>
        %add3A_468 = arith.addf %add3A_467, %get3A_143 : vector<16xf32>
        %add3A_469 = arith.constant 55 : i32
        %add3A_470 = arith.addi %add3A_469, %scan3A_459 : i32
        %swap3A = arith.index_cast %add3A_470 : i32 to index
        %swap3A_471 = arith.constant 0 : index
        %swap3A_472 = tpu.vector_load %arg7[%swap3A, %swap3A_471] {strides = array<i32>} : memref<128x128xf32, #tpu.memory_space<vmem>>, vector<16xf32>,
        tpu.vector_store %arg7[%swap3A, %swap3A_471], %add3A_468 {strides = array<i32>} : memref<128x128xf32, #tpu.memory_space<vmem>>, vector<16xf32>,
        %mul3A_473 = arith.constant 128 : i32
        %mul3A_474 = arith.muli %scan3A_459, %mul3A_473 : i32
        %add3A_475 = arith.constant 16 : i32
        %add3A_476 = arith.addi %mul3A_474, %add3A_475 : i32
        %get3A_477 = arith.index_cast %add3A_476 : i32 to index
        %get3A_478 = tpu.vector_load %arg6[%get3A_477] {strides = array<i32>} : memref<4224xf32, #tpu.memory_space<vmem>>, vector<16xf32>,
        %add3A_479 = arith.addf %get3A_478, %get3A_318 : vector<16xf32>
        %add3A_480 = arith.addf %add3A_479, %get3A_151 : vector<16xf32>
        %add3A_481 = arith.constant 55 : i32
        %add3A_482 = arith.addi %add3A_481, %scan3A_459 : i32
        %swap3A_483 = arith.index_cast %add3A_482 : i32 to index
        %swap3A_484 = arith.constant 16 : index
        %swap3A_485 = tpu.vector_load %arg7[%swap3A_483, %swap3A_484] {strides = array<i32>} : memref<128x128xf32, #tpu.memory_space<vmem>>, vector<16xf32>,
        tpu.vector_store %arg7[%swap3A_483, %swap3A_484], %add3A_480 {strides = array<i32>} : memref<128x128xf32, #tpu.memory_space<vmem>>, vector<16xf32>,
        %mul3A_486 = arith.constant 128 : i32
        %mul3A_487 = arith.muli %scan3A_459, %mul3A_486 : i32
        %add3A_488 = arith.constant 32 : i32
        %add3A_489 = arith.addi %mul3A_487, %add3A_488 : i32
        %get3A_490 = arith.index_cast %add3A_489 : i32 to index
        %get3A_491 = tpu.vector_load %arg6[%get3A_490] {strides = array<i32>} : memref<4224xf32, #tpu.memory_space<vmem>>, vector<16xf32>,
        %add3A_492 = arith.addf %get3A_491, %get3A_320 : vector<16xf32>
        %add3A_493 = arith.addf %add3A_492, %get3A_159 : vector<16xf32>
        %add3A_494 = arith.constant 55 : i32
        %add3A_495 = arith.addi %add3A_494, %scan3A_459 : i32
        %swap3A_496 = arith.index_cast %add3A_495 : i32 to index
        %swap3A_497 = arith.constant 32 : index
        %swap3A_498 = tpu.vector_load %arg7[%swap3A_496, %swap3A_497] {strides = array<i32>} : memref<128x128xf32, #tpu.memory_space<vmem>>, vector<16xf32>,
        tpu.vector_store %arg7[%swap3A_496, %swap3A_497], %add3A_493 {strides = array<i32>} : memref<128x128xf32, #tpu.memory_space<vmem>>, vector<16xf32>,
        %mul3A_499 = arith.constant 128 : i32
        %mul3A_500 = arith.muli %scan3A_459, %mul3A_499 : i32
        %add3A_501 = arith.constant 48 : i32
        %add3A_502 = arith.addi %mul3A_500, %add3A_501 : i32
        %get3A_503 = arith.index_cast %add3A_502 : i32 to index
        %get3A_504 = tpu.vector_load %arg6[%get3A_503] {strides = array<i32>} : memref<4224xf32, #tpu.memory_space<vmem>>, vector<16xf32>,
        %add3A_505 = arith.addf %get3A_504, %get3A_322 : vector<16xf32>
        %add3A_506 = arith.addf %add3A_505, %get3A_167 : vector<16xf32>
        %add3A_507 = arith.constant 55 : i32
        %add3A_508 = arith.addi %add3A_507, %scan3A_459 : i32
        %swap3A_509 = arith.index_cast %add3A_508 : i32 to index
        %swap3A_510 = arith.constant 48 : index
        %swap3A_511 = tpu.vector_load %arg7[%swap3A_509, %swap3A_510] {strides = array<i32>} : memref<128x128xf32, #tpu.memory_space<vmem>>, vector<16xf32>,
        tpu.vector_store %arg7[%swap3A_509, %swap3A_510], %add3A_506 {strides = array<i32>} : memref<128x128xf32, #tpu.memory_space<vmem>>, vector<16xf32>,
        %mul3A_512 = arith.constant 128 : i32
        %mul3A_513 = arith.muli %scan3A_459, %mul3A_512 : i32
        %add3A_514 = arith.constant 64 : i32
        %add3A_515 = arith.addi %mul3A_513, %add3A_514 : i32
        %get3A_516 = arith.index_cast %add3A_515 : i32 to index
        %get3A_517 = tpu.vector_load %arg6[%get3A_516] {strides = array<i32>} : memref<4224xf32, #tpu.memory_space<vmem>>, vector<16xf32>,
        %add3A_518 = arith.addf %get3A_517, %get3A_324 : vector<16xf32>
        %add3A_519 = arith.addf %add3A_518, %get3A_175 : vector<16xf32>
        %add3A_520 = arith.constant 55 : i32
        %add3A_521 = arith.addi %add3A_520, %scan3A_459 : i32
        %swap3A_522 = arith.index_cast %add3A_521 : i32 to index
        %swap3A_523 = arith.constant 64 : index
        %swap3A_524 = tpu.vector_load %arg7[%swap3A_522, %swap3A_523] {strides = array<i32>} : memref<128x128xf32, #tpu.memory_space<vmem>>, vector<16xf32>,
        tpu.vector_store %arg7[%swap3A_522, %swap3A_523], %add3A_519 {strides = array<i32>} : memref<128x128xf32, #tpu.memory_space<vmem>>, vector<16xf32>,
        %mul3A_525 = arith.constant 128 : i32
        %mul3A_526 = arith.muli %scan3A_459, %mul3A_525 : i32
        %add3A_527 = arith.constant 80 : i32
        %add3A_528 = arith.addi %mul3A_526, %add3A_527 : i32
        %get3A_529 = arith.index_cast %add3A_528 : i32 to index
        %get3A_530 = tpu.vector_load %arg6[%get3A_529] {strides = array<i32>} : memref<4224xf32, #tpu.memory_space<vmem>>, vector<16xf32>,
        %add3A_531 = arith.addf %get3A_530, %get3A_326 : vector<16xf32>
        %add3A_532 = arith.addf %add3A_531, %get3A_183 : vector<16xf32>
        %add3A_533 = arith.constant 55 : i32
        %add3A_534 = arith.addi %add3A_533, %scan3A_459 : i32
        %swap3A_535 = arith.index_cast %add3A_534 : i32 to index
        %swap3A_536 = arith.constant 80 : index
        %swap3A_537 = tpu.vector_load %arg7[%swap3A_535, %swap3A_536] {strides = array<i32>} : memref<128x128xf32, #tpu.memory_space<vmem>>, vector<16xf32>,
        tpu.vector_store %arg7[%swap3A_535, %swap3A_536], %add3A_532 {strides = array<i32>} : memref<128x128xf32, #tpu.memory_space<vmem>>, vector<16xf32>,
        %mul3A_538 = arith.constant 128 : i32
        %mul3A_539 = arith.muli %scan3A_459, %mul3A_538 : i32
        %add3A_540 = arith.constant 96 : i32
        %add3A_541 = arith.addi %mul3A_539, %add3A_540 : i32
        %get3A_542 = arith.index_cast %add3A_541 : i32 to index
        %get3A_543 = tpu.vector_load %arg6[%get3A_542] {strides = array<i32>} : memref<4224xf32, #tpu.memory_space<vmem>>, vector<16xf32>,
        %add3A_544 = arith.addf %get3A_543, %get3A_328 : vector<16xf32>
        %add3A_545 = arith.addf %add3A_544, %get3A_191 : vector<16xf32>
        %add3A_546 = arith.constant 55 : i32
        %add3A_547 = arith.addi %add3A_546, %scan3A_459 : i32
        %swap3A_548 = arith.index_cast %add3A_547 : i32 to index
        %swap3A_549 = arith.constant 96 : index
        %swap3A_550 = tpu.vector_load %arg7[%swap3A_548, %swap3A_549] {strides = array<i32>} : memref<128x128xf32, #tpu.memory_space<vmem>>, vector<16xf32>,
        tpu.vector_store %arg7[%swap3A_548, %swap3A_549], %add3A_545 {strides = array<i32>} : memref<128x128xf32, #tpu.memory_space<vmem>>, vector<16xf32>,
        %mul3A_551 = arith.constant 128 : i32
        %mul3A_552 = arith.muli %scan3A_459, %mul3A_551 : i32
        %add3A_553 = arith.constant 112 : i32
        %add3A_554 = arith.addi %mul3A_552, %add3A_553 : i32
        %get3A_555 = arith.index_cast %add3A_554 : i32 to index
        %get3A_556 = tpu.vector_load %arg6[%get3A_555] {strides = array<i32>} : memref<4224xf32, #tpu.memory_space<vmem>>, vector<16xf32>,
        %add3A_557 = arith.addf %get3A_556, %get3A_330 : vector<16xf32>
        %add3A_558 = arith.addf %add3A_557, %get3A_199 : vector<16xf32>
        %add3A_559 = arith.constant 55 : i32
        %add3A_560 = arith.addi %add3A_559, %scan3A_459 : i32
        %swap3A_561 = arith.index_cast %add3A_560 : i32 to index
        %swap3A_562 = arith.constant 112 : index
        %swap3A_563 = tpu.vector_load %arg7[%swap3A_561, %swap3A_562] {strides = array<i32>} : memref<128x128xf32, #tpu.memory_space<vmem>>, vector<16xf32>,
        tpu.vector_store %arg7[%swap3A_561, %swap3A_562], %add3A_558 {strides = array<i32>} : memref<128x128xf32, #tpu.memory_space<vmem>>, vector<16xf32>,
        %scan3A_564 = arith.constant 0 : i32
        scf.yield %scan3A_564 : i32
      }
      %scan3A_337 = arith.constant 11 : i32
      %get3A_338 = arith.constant 2176 : index
      %get3A_339 = tpu.vector_load %arg6[%get3A_338] {strides = array<i32>} : memref<4224xf32, #tpu.memory_space<vmem>>, vector<16xf32>,
      %get3A_340 = arith.constant 2192 : index
      %get3A_341 = tpu.vector_load %arg6[%get3A_340] {strides = array<i32>} : memref<4224xf32, #tpu.memory_space<vmem>>, vector<16xf32>,
      %get3A_342 = arith.constant 2208 : index
      %get3A_343 = tpu.vector_load %arg6[%get3A_342] {strides = array<i32>} : memref<4224xf32, #tpu.memory_space<vmem>>, vector<16xf32>,
      %get3A_344 = arith.constant 2224 : index
      %get3A_345 = tpu.vector_load %arg6[%get3A_344] {strides = array<i32>} : memref<4224xf32, #tpu.memory_space<vmem>>, vector<16xf32>,
      %get3A_346 = arith.constant 2240 : index
      %get3A_347 = tpu.vector_load %arg6[%get3A_346] {strides = array<i32>} : memref<4224xf32, #tpu.memory_space<vmem>>, vector<16xf32>,
      %get3A_348 = arith.constant 2256 : index
      %get3A_349 = tpu.vector_load %arg6[%get3A_348] {strides = array<i32>} : memref<4224xf32, #tpu.memory_space<vmem>>, vector<16xf32>,
      %get3A_350 = arith.constant 2272 : index
      %get3A_351 = tpu.vector_load %arg6[%get3A_350] {strides = array<i32>} : memref<4224xf32, #tpu.memory_space<vmem>>, vector<16xf32>,
      %get3A_352 = arith.constant 2288 : index
      %get3A_353 = tpu.vector_load %arg6[%get3A_352] {strides = array<i32>} : memref<4224xf32, #tpu.memory_space<vmem>>, vector<16xf32>,
      %scan3A_354 = arith.constant 0 : i32
      %scan3A_355 = arith.constant 0 : i32
      %scan3A_356 = arith.constant 11 : i32
      %scan3A_357 = arith.addi %scan3A_355, %scan3A_356 : i32
      %scan3A_358 = arith.constant 1 : i32
      %scan3A_359 = scf.for %scan3A_459 = %scan3A_355 to %scan3A_357 step %scan3A_358 iter_args(%scan3A_460 = %scan3A_354) -> (i32)  : i32 {
        %mul3A_461 = arith.constant 128 : i32
        %mul3A_462 = arith.muli %scan3A_459, %mul3A_461 : i32
        %add3A_463 = arith.constant 0 : i32
        %add3A_464 = arith.addi %mul3A_462, %add3A_463 : i32
        %get3A_465 = arith.index_cast %add3A_464 : i32 to index
        %get3A_466 = tpu.vector_load %arg6[%get3A_465] {strides = array<i32>} : memref<4224xf32, #tpu.memory_space<vmem>>, vector<16xf32>,
        %add3A_467 = arith.addf %get3A_466, %get3A_339 : vector<16xf32>
        %add3A_468 = arith.addf %add3A_467, %get3A_143 : vector<16xf32>
        %add3A_469 = arith.constant 66 : i32
        %add3A_470 = arith.addi %add3A_469, %scan3A_459 : i32
        %swap3A = arith.index_cast %add3A_470 : i32 to index
        %swap3A_471 = arith.constant 0 : index
        %swap3A_472 = tpu.vector_load %arg7[%swap3A, %swap3A_471] {strides = array<i32>} : memref<128x128xf32, #tpu.memory_space<vmem>>, vector<16xf32>,
        tpu.vector_store %arg7[%swap3A, %swap3A_471], %add3A_468 {strides = array<i32>} : memref<128x128xf32, #tpu.memory_space<vmem>>, vector<16xf32>,
        %mul3A_473 = arith.constant 128 : i32
        %mul3A_474 = arith.muli %scan3A_459, %mul3A_473 : i32
        %add3A_475 = arith.constant 16 : i32
        %add3A_476 = arith.addi %mul3A_474, %add3A_475 : i32
        %get3A_477 = arith.index_cast %add3A_476 : i32 to index
        %get3A_478 = tpu.vector_load %arg6[%get3A_477] {strides = array<i32>} : memref<4224xf32, #tpu.memory_space<vmem>>, vector<16xf32>,
        %add3A_479 = arith.addf %get3A_478, %get3A_341 : vector<16xf32>
        %add3A_480 = arith.addf %add3A_479, %get3A_151 : vector<16xf32>
        %add3A_481 = arith.constant 66 : i32
        %add3A_482 = arith.addi %add3A_481, %scan3A_459 : i32
        %swap3A_483 = arith.index_cast %add3A_482 : i32 to index
        %swap3A_484 = arith.constant 16 : index
        %swap3A_485 = tpu.vector_load %arg7[%swap3A_483, %swap3A_484] {strides = array<i32>} : memref<128x128xf32, #tpu.memory_space<vmem>>, vector<16xf32>,
        tpu.vector_store %arg7[%swap3A_483, %swap3A_484], %add3A_480 {strides = array<i32>} : memref<128x128xf32, #tpu.memory_space<vmem>>, vector<16xf32>,
        %mul3A_486 = arith.constant 128 : i32
        %mul3A_487 = arith.muli %scan3A_459, %mul3A_486 : i32
        %add3A_488 = arith.constant 32 : i32
        %add3A_489 = arith.addi %mul3A_487, %add3A_488 : i32
        %get3A_490 = arith.index_cast %add3A_489 : i32 to index
        %get3A_491 = tpu.vector_load %arg6[%get3A_490] {strides = array<i32>} : memref<4224xf32, #tpu.memory_space<vmem>>, vector<16xf32>,
        %add3A_492 = arith.addf %get3A_491, %get3A_343 : vector<16xf32>
        %add3A_493 = arith.addf %add3A_492, %get3A_159 : vector<16xf32>
        %add3A_494 = arith.constant 66 : i32
        %add3A_495 = arith.addi %add3A_494, %scan3A_459 : i32
        %swap3A_496 = arith.index_cast %add3A_495 : i32 to index
        %swap3A_497 = arith.constant 32 : index
        %swap3A_498 = tpu.vector_load %arg7[%swap3A_496, %swap3A_497] {strides = array<i32>} : memref<128x128xf32, #tpu.memory_space<vmem>>, vector<16xf32>,
        tpu.vector_store %arg7[%swap3A_496, %swap3A_497], %add3A_493 {strides = array<i32>} : memref<128x128xf32, #tpu.memory_space<vmem>>, vector<16xf32>,
        %mul3A_499 = arith.constant 128 : i32
        %mul3A_500 = arith.muli %scan3A_459, %mul3A_499 : i32
        %add3A_501 = arith.constant 48 : i32
        %add3A_502 = arith.addi %mul3A_500, %add3A_501 : i32
        %get3A_503 = arith.index_cast %add3A_502 : i32 to index
        %get3A_504 = tpu.vector_load %arg6[%get3A_503] {strides = array<i32>} : memref<4224xf32, #tpu.memory_space<vmem>>, vector<16xf32>,
        %add3A_505 = arith.addf %get3A_504, %get3A_345 : vector<16xf32>
        %add3A_506 = arith.addf %add3A_505, %get3A_167 : vector<16xf32>
        %add3A_507 = arith.constant 66 : i32
        %add3A_508 = arith.addi %add3A_507, %scan3A_459 : i32
        %swap3A_509 = arith.index_cast %add3A_508 : i32 to index
        %swap3A_510 = arith.constant 48 : index
        %swap3A_511 = tpu.vector_load %arg7[%swap3A_509, %swap3A_510] {strides = array<i32>} : memref<128x128xf32, #tpu.memory_space<vmem>>, vector<16xf32>,
        tpu.vector_store %arg7[%swap3A_509, %swap3A_510], %add3A_506 {strides = array<i32>} : memref<128x128xf32, #tpu.memory_space<vmem>>, vector<16xf32>,
        %mul3A_512 = arith.constant 128 : i32
        %mul3A_513 = arith.muli %scan3A_459, %mul3A_512 : i32
        %add3A_514 = arith.constant 64 : i32
        %add3A_515 = arith.addi %mul3A_513, %add3A_514 : i32
        %get3A_516 = arith.index_cast %add3A_515 : i32 to index
        %get3A_517 = tpu.vector_load %arg6[%get3A_516] {strides = array<i32>} : memref<4224xf32, #tpu.memory_space<vmem>>, vector<16xf32>,
        %add3A_518 = arith.addf %get3A_517, %get3A_347 : vector<16xf32>
        %add3A_519 = arith.addf %add3A_518, %get3A_175 : vector<16xf32>
        %add3A_520 = arith.constant 66 : i32
        %add3A_521 = arith.addi %add3A_520, %scan3A_459 : i32
        %swap3A_522 = arith.index_cast %add3A_521 : i32 to index
        %swap3A_523 = arith.constant 64 : index
        %swap3A_524 = tpu.vector_load %arg7[%swap3A_522, %swap3A_523] {strides = array<i32>} : memref<128x128xf32, #tpu.memory_space<vmem>>, vector<16xf32>,
        tpu.vector_store %arg7[%swap3A_522, %swap3A_523], %add3A_519 {strides = array<i32>} : memref<128x128xf32, #tpu.memory_space<vmem>>, vector<16xf32>,
        %mul3A_525 = arith.constant 128 : i32
        %mul3A_526 = arith.muli %scan3A_459, %mul3A_525 : i32
        %add3A_527 = arith.constant 80 : i32
        %add3A_528 = arith.addi %mul3A_526, %add3A_527 : i32
        %get3A_529 = arith.index_cast %add3A_528 : i32 to index
        %get3A_530 = tpu.vector_load %arg6[%get3A_529] {strides = array<i32>} : memref<4224xf32, #tpu.memory_space<vmem>>, vector<16xf32>,
        %add3A_531 = arith.addf %get3A_530, %get3A_349 : vector<16xf32>
        %add3A_532 = arith.addf %add3A_531, %get3A_183 : vector<16xf32>
        %add3A_533 = arith.constant 66 : i32
        %add3A_534 = arith.addi %add3A_533, %scan3A_459 : i32
        %swap3A_535 = arith.index_cast %add3A_534 : i32 to index
        %swap3A_536 = arith.constant 80 : index
        %swap3A_537 = tpu.vector_load %arg7[%swap3A_535, %swap3A_536] {strides = array<i32>} : memref<128x128xf32, #tpu.memory_space<vmem>>, vector<16xf32>,
        tpu.vector_store %arg7[%swap3A_535, %swap3A_536], %add3A_532 {strides = array<i32>} : memref<128x128xf32, #tpu.memory_space<vmem>>, vector<16xf32>,
        %mul3A_538 = arith.constant 128 : i32
        %mul3A_539 = arith.muli %scan3A_459, %mul3A_538 : i32
        %add3A_540 = arith.constant 96 : i32
        %add3A_541 = arith.addi %mul3A_539, %add3A_540 : i32
        %get3A_542 = arith.index_cast %add3A_541 : i32 to index
        %get3A_543 = tpu.vector_load %arg6[%get3A_542] {strides = array<i32>} : memref<4224xf32, #tpu.memory_space<vmem>>, vector<16xf32>,
        %add3A_544 = arith.addf %get3A_543, %get3A_351 : vector<16xf32>
        %add3A_545 = arith.addf %add3A_544, %get3A_191 : vector<16xf32>
        %add3A_546 = arith.constant 66 : i32
        %add3A_547 = arith.addi %add3A_546, %scan3A_459 : i32
        %swap3A_548 = arith.index_cast %add3A_547 : i32 to index
        %swap3A_549 = arith.constant 96 : index
        %swap3A_550 = tpu.vector_load %arg7[%swap3A_548, %swap3A_549] {strides = array<i32>} : memref<128x128xf32, #tpu.memory_space<vmem>>, vector<16xf32>,
        tpu.vector_store %arg7[%swap3A_548, %swap3A_549], %add3A_545 {strides = array<i32>} : memref<128x128xf32, #tpu.memory_space<vmem>>, vector<16xf32>,
        %mul3A_551 = arith.constant 128 : i32
        %mul3A_552 = arith.muli %scan3A_459, %mul3A_551 : i32
        %add3A_553 = arith.constant 112 : i32
        %add3A_554 = arith.addi %mul3A_552, %add3A_553 : i32
        %get3A_555 = arith.index_cast %add3A_554 : i32 to index
        %get3A_556 = tpu.vector_load %arg6[%get3A_555] {strides = array<i32>} : memref<4224xf32, #tpu.memory_space<vmem>>, vector<16xf32>,
        %add3A_557 = arith.addf %get3A_556, %get3A_353 : vector<16xf32>
        %add3A_558 = arith.addf %add3A_557, %get3A_199 : vector<16xf32>
        %add3A_559 = arith.constant 66 : i32
        %add3A_560 = arith.addi %add3A_559, %scan3A_459 : i32
        %swap3A_561 = arith.index_cast %add3A_560 : i32 to index
        %swap3A_562 = arith.constant 112 : index
        %swap3A_563 = tpu.vector_load %arg7[%swap3A_561, %swap3A_562] {strides = array<i32>} : memref<128x128xf32, #tpu.memory_space<vmem>>, vector<16xf32>,
        tpu.vector_store %arg7[%swap3A_561, %swap3A_562], %add3A_558 {strides = array<i32>} : memref<128x128xf32, #tpu.memory_space<vmem>>, vector<16xf32>,
        %scan3A_564 = arith.constant 0 : i32
        scf.yield %scan3A_564 : i32
      }
      %scan3A_360 = arith.constant 11 : i32
      %get3A_361 = arith.constant 2304 : index
      %get3A_362 = tpu.vector_load %arg6[%get3A_361] {strides = array<i32>} : memref<4224xf32, #tpu.memory_space<vmem>>, vector<16xf32>,
      %get3A_363 = arith.constant 2320 : index
      %get3A_364 = tpu.vector_load %arg6[%get3A_363] {strides = array<i32>} : memref<4224xf32, #tpu.memory_space<vmem>>, vector<16xf32>,
      %get3A_365 = arith.constant 2336 : index
      %get3A_366 = tpu.vector_load %arg6[%get3A_365] {strides = array<i32>} : memref<4224xf32, #tpu.memory_space<vmem>>, vector<16xf32>,
      %get3A_367 = arith.constant 2352 : index
      %get3A_368 = tpu.vector_load %arg6[%get3A_367] {strides = array<i32>} : memref<4224xf32, #tpu.memory_space<vmem>>, vector<16xf32>,
      %get3A_369 = arith.constant 2368 : index
      %get3A_370 = tpu.vector_load %arg6[%get3A_369] {strides = array<i32>} : memref<4224xf32, #tpu.memory_space<vmem>>, vector<16xf32>,
      %get3A_371 = arith.constant 2384 : index
      %get3A_372 = tpu.vector_load %arg6[%get3A_371] {strides = array<i32>} : memref<4224xf32, #tpu.memory_space<vmem>>, vector<16xf32>,
      %get3A_373 = arith.constant 2400 : index
      %get3A_374 = tpu.vector_load %arg6[%get3A_373] {strides = array<i32>} : memref<4224xf32, #tpu.memory_space<vmem>>, vector<16xf32>,
      %get3A_375 = arith.constant 2416 : index
      %get3A_376 = tpu.vector_load %arg6[%get3A_375] {strides = array<i32>} : memref<4224xf32, #tpu.memory_space<vmem>>, vector<16xf32>,
      %scan3A_377 = arith.constant 0 : i32
      %scan3A_378 = arith.constant 0 : i32
      %scan3A_379 = arith.constant 11 : i32
      %scan3A_380 = arith.addi %scan3A_378, %scan3A_379 : i32
      %scan3A_381 = arith.constant 1 : i32
      %scan3A_382 = scf.for %scan3A_459 = %scan3A_378 to %scan3A_380 step %scan3A_381 iter_args(%scan3A_460 = %scan3A_377) -> (i32)  : i32 {
        %mul3A_461 = arith.constant 128 : i32
        %mul3A_462 = arith.muli %scan3A_459, %mul3A_461 : i32
        %add3A_463 = arith.constant 0 : i32
        %add3A_464 = arith.addi %mul3A_462, %add3A_463 : i32
        %get3A_465 = arith.index_cast %add3A_464 : i32 to index
        %get3A_466 = tpu.vector_load %arg6[%get3A_465] {strides = array<i32>} : memref<4224xf32, #tpu.memory_space<vmem>>, vector<16xf32>,
        %add3A_467 = arith.addf %get3A_466, %get3A_362 : vector<16xf32>
        %add3A_468 = arith.addf %add3A_467, %get3A_143 : vector<16xf32>
        %add3A_469 = arith.constant 77 : i32
        %add3A_470 = arith.addi %add3A_469, %scan3A_459 : i32
        %swap3A = arith.index_cast %add3A_470 : i32 to index
        %swap3A_471 = arith.constant 0 : index
        %swap3A_472 = tpu.vector_load %arg7[%swap3A, %swap3A_471] {strides = array<i32>} : memref<128x128xf32, #tpu.memory_space<vmem>>, vector<16xf32>,
        tpu.vector_store %arg7[%swap3A, %swap3A_471], %add3A_468 {strides = array<i32>} : memref<128x128xf32, #tpu.memory_space<vmem>>, vector<16xf32>,
        %mul3A_473 = arith.constant 128 : i32
        %mul3A_474 = arith.muli %scan3A_459, %mul3A_473 : i32
        %add3A_475 = arith.constant 16 : i32
        %add3A_476 = arith.addi %mul3A_474, %add3A_475 : i32
        %get3A_477 = arith.index_cast %add3A_476 : i32 to index
        %get3A_478 = tpu.vector_load %arg6[%get3A_477] {strides = array<i32>} : memref<4224xf32, #tpu.memory_space<vmem>>, vector<16xf32>,
        %add3A_479 = arith.addf %get3A_478, %get3A_364 : vector<16xf32>
        %add3A_480 = arith.addf %add3A_479, %get3A_151 : vector<16xf32>
        %add3A_481 = arith.constant 77 : i32
        %add3A_482 = arith.addi %add3A_481, %scan3A_459 : i32
        %swap3A_483 = arith.index_cast %add3A_482 : i32 to index
        %swap3A_484 = arith.constant 16 : index
        %swap3A_485 = tpu.vector_load %arg7[%swap3A_483, %swap3A_484] {strides = array<i32>} : memref<128x128xf32, #tpu.memory_space<vmem>>, vector<16xf32>,
        tpu.vector_store %arg7[%swap3A_483, %swap3A_484], %add3A_480 {strides = array<i32>} : memref<128x128xf32, #tpu.memory_space<vmem>>, vector<16xf32>,
        %mul3A_486 = arith.constant 128 : i32
        %mul3A_487 = arith.muli %scan3A_459, %mul3A_486 : i32
        %add3A_488 = arith.constant 32 : i32
        %add3A_489 = arith.addi %mul3A_487, %add3A_488 : i32
        %get3A_490 = arith.index_cast %add3A_489 : i32 to index
        %get3A_491 = tpu.vector_load %arg6[%get3A_490] {strides = array<i32>} : memref<4224xf32, #tpu.memory_space<vmem>>, vector<16xf32>,
        %add3A_492 = arith.addf %get3A_491, %get3A_366 : vector<16xf32>
        %add3A_493 = arith.addf %add3A_492, %get3A_159 : vector<16xf32>
        %add3A_494 = arith.constant 77 : i32
        %add3A_495 = arith.addi %add3A_494, %scan3A_459 : i32
        %swap3A_496 = arith.index_cast %add3A_495 : i32 to index
        %swap3A_497 = arith.constant 32 : index
        %swap3A_498 = tpu.vector_load %arg7[%swap3A_496, %swap3A_497] {strides = array<i32>} : memref<128x128xf32, #tpu.memory_space<vmem>>, vector<16xf32>,
        tpu.vector_store %arg7[%swap3A_496, %swap3A_497], %add3A_493 {strides = array<i32>} : memref<128x128xf32, #tpu.memory_space<vmem>>, vector<16xf32>,
        %mul3A_499 = arith.constant 128 : i32
        %mul3A_500 = arith.muli %scan3A_459, %mul3A_499 : i32
        %add3A_501 = arith.constant 48 : i32
        %add3A_502 = arith.addi %mul3A_500, %add3A_501 : i32
        %get3A_503 = arith.index_cast %add3A_502 : i32 to index
        %get3A_504 = tpu.vector_load %arg6[%get3A_503] {strides = array<i32>} : memref<4224xf32, #tpu.memory_space<vmem>>, vector<16xf32>,
        %add3A_505 = arith.addf %get3A_504, %get3A_368 : vector<16xf32>
        %add3A_506 = arith.addf %add3A_505, %get3A_167 : vector<16xf32>
        %add3A_507 = arith.constant 77 : i32
        %add3A_508 = arith.addi %add3A_507, %scan3A_459 : i32
        %swap3A_509 = arith.index_cast %add3A_508 : i32 to index
        %swap3A_510 = arith.constant 48 : index
        %swap3A_511 = tpu.vector_load %arg7[%swap3A_509, %swap3A_510] {strides = array<i32>} : memref<128x128xf32, #tpu.memory_space<vmem>>, vector<16xf32>,
        tpu.vector_store %arg7[%swap3A_509, %swap3A_510], %add3A_506 {strides = array<i32>} : memref<128x128xf32, #tpu.memory_space<vmem>>, vector<16xf32>,
        %mul3A_512 = arith.constant 128 : i32
        %mul3A_513 = arith.muli %scan3A_459, %mul3A_512 : i32
        %add3A_514 = arith.constant 64 : i32
        %add3A_515 = arith.addi %mul3A_513, %add3A_514 : i32
        %get3A_516 = arith.index_cast %add3A_515 : i32 to index
        %get3A_517 = tpu.vector_load %arg6[%get3A_516] {strides = array<i32>} : memref<4224xf32, #tpu.memory_space<vmem>>, vector<16xf32>,
        %add3A_518 = arith.addf %get3A_517, %get3A_370 : vector<16xf32>
        %add3A_519 = arith.addf %add3A_518, %get3A_175 : vector<16xf32>
        %add3A_520 = arith.constant 77 : i32
        %add3A_521 = arith.addi %add3A_520, %scan3A_459 : i32
        %swap3A_522 = arith.index_cast %add3A_521 : i32 to index
        %swap3A_523 = arith.constant 64 : index
        %swap3A_524 = tpu.vector_load %arg7[%swap3A_522, %swap3A_523] {strides = array<i32>} : memref<128x128xf32, #tpu.memory_space<vmem>>, vector<16xf32>,
        tpu.vector_store %arg7[%swap3A_522, %swap3A_523], %add3A_519 {strides = array<i32>} : memref<128x128xf32, #tpu.memory_space<vmem>>, vector<16xf32>,
        %mul3A_525 = arith.constant 128 : i32
        %mul3A_526 = arith.muli %scan3A_459, %mul3A_525 : i32
        %add3A_527 = arith.constant 80 : i32
        %add3A_528 = arith.addi %mul3A_526, %add3A_527 : i32
        %get3A_529 = arith.index_cast %add3A_528 : i32 to index
        %get3A_530 = tpu.vector_load %arg6[%get3A_529] {strides = array<i32>} : memref<4224xf32, #tpu.memory_space<vmem>>, vector<16xf32>,
        %add3A_531 = arith.addf %get3A_530, %get3A_372 : vector<16xf32>
        %add3A_532 = arith.addf %add3A_531, %get3A_183 : vector<16xf32>
        %add3A_533 = arith.constant 77 : i32
        %add3A_534 = arith.addi %add3A_533, %scan3A_459 : i32
        %swap3A_535 = arith.index_cast %add3A_534 : i32 to index
        %swap3A_536 = arith.constant 80 : index
        %swap3A_537 = tpu.vector_load %arg7[%swap3A_535, %swap3A_536] {strides = array<i32>} : memref<128x128xf32, #tpu.memory_space<vmem>>, vector<16xf32>,
        tpu.vector_store %arg7[%swap3A_535, %swap3A_536], %add3A_532 {strides = array<i32>} : memref<128x128xf32, #tpu.memory_space<vmem>>, vector<16xf32>,
        %mul3A_538 = arith.constant 128 : i32
        %mul3A_539 = arith.muli %scan3A_459, %mul3A_538 : i32
        %add3A_540 = arith.constant 96 : i32
        %add3A_541 = arith.addi %mul3A_539, %add3A_540 : i32
        %get3A_542 = arith.index_cast %add3A_541 : i32 to index
        %get3A_543 = tpu.vector_load %arg6[%get3A_542] {strides = array<i32>} : memref<4224xf32, #tpu.memory_space<vmem>>, vector<16xf32>,
        %add3A_544 = arith.addf %get3A_543, %get3A_374 : vector<16xf32>
        %add3A_545 = arith.addf %add3A_544, %get3A_191 : vector<16xf32>
        %add3A_546 = arith.constant 77 : i32
        %add3A_547 = arith.addi %add3A_546, %scan3A_459 : i32
        %swap3A_548 = arith.index_cast %add3A_547 : i32 to index
        %swap3A_549 = arith.constant 96 : index
        %swap3A_550 = tpu.vector_load %arg7[%swap3A_548, %swap3A_549] {strides = array<i32>} : memref<128x128xf32, #tpu.memory_space<vmem>>, vector<16xf32>,
        tpu.vector_store %arg7[%swap3A_548, %swap3A_549], %add3A_545 {strides = array<i32>} : memref<128x128xf32, #tpu.memory_space<vmem>>, vector<16xf32>,
        %mul3A_551 = arith.constant 128 : i32
        %mul3A_552 = arith.muli %scan3A_459, %mul3A_551 : i32
        %add3A_553 = arith.constant 112 : i32
        %add3A_554 = arith.addi %mul3A_552, %add3A_553 : i32
        %get3A_555 = arith.index_cast %add3A_554 : i32 to index
        %get3A_556 = tpu.vector_load %arg6[%get3A_555] {strides = array<i32>} : memref<4224xf32, #tpu.memory_space<vmem>>, vector<16xf32>,
        %add3A_557 = arith.addf %get3A_556, %get3A_376 : vector<16xf32>
        %add3A_558 = arith.addf %add3A_557, %get3A_199 : vector<16xf32>
        %add3A_559 = arith.constant 77 : i32
        %add3A_560 = arith.addi %add3A_559, %scan3A_459 : i32
        %swap3A_561 = arith.index_cast %add3A_560 : i32 to index
        %swap3A_562 = arith.constant 112 : index
        %swap3A_563 = tpu.vector_load %arg7[%swap3A_561, %swap3A_562] {strides = array<i32>} : memref<128x128xf32, #tpu.memory_space<vmem>>, vector<16xf32>,
        tpu.vector_store %arg7[%swap3A_561, %swap3A_562], %add3A_558 {strides = array<i32>} : memref<128x128xf32, #tpu.memory_space<vmem>>, vector<16xf32>,
        %scan3A_564 = arith.constant 0 : i32
        scf.yield %scan3A_564 : i32
      }
      %scan3A_383 = arith.constant 11 : i32
      %get3A_384 = arith.constant 2432 : index
      %get3A_385 = tpu.vector_load %arg6[%get3A_384] {strides = array<i32>} : memref<4224xf32, #tpu.memory_space<vmem>>, vector<16xf32>,
      %get3A_386 = arith.constant 2448 : index
      %get3A_387 = tpu.vector_load %arg6[%get3A_386] {strides = array<i32>} : memref<4224xf32, #tpu.memory_space<vmem>>, vector<16xf32>,
      %get3A_388 = arith.constant 2464 : index
      %get3A_389 = tpu.vector_load %arg6[%get3A_388] {strides = array<i32>} : memref<4224xf32, #tpu.memory_space<vmem>>, vector<16xf32>,
      %get3A_390 = arith.constant 2480 : index
      %get3A_391 = tpu.vector_load %arg6[%get3A_390] {strides = array<i32>} : memref<4224xf32, #tpu.memory_space<vmem>>, vector<16xf32>,
      %get3A_392 = arith.constant 2496 : index
      %get3A_393 = tpu.vector_load %arg6[%get3A_392] {strides = array<i32>} : memref<4224xf32, #tpu.memory_space<vmem>>, vector<16xf32>,
      %get3A_394 = arith.constant 2512 : index
      %get3A_395 = tpu.vector_load %arg6[%get3A_394] {strides = array<i32>} : memref<4224xf32, #tpu.memory_space<vmem>>, vector<16xf32>,
      %get3A_396 = arith.constant 2528 : index
      %get3A_397 = tpu.vector_load %arg6[%get3A_396] {strides = array<i32>} : memref<4224xf32, #tpu.memory_space<vmem>>, vector<16xf32>,
      %get3A_398 = arith.constant 2544 : index
      %get3A_399 = tpu.vector_load %arg6[%get3A_398] {strides = array<i32>} : memref<4224xf32, #tpu.memory_space<vmem>>, vector<16xf32>,
      %scan3A_400 = arith.constant 0 : i32
      %scan3A_401 = arith.constant 0 : i32
      %scan3A_402 = arith.constant 11 : i32
      %scan3A_403 = arith.addi %scan3A_401, %scan3A_402 : i32
      %scan3A_404 = arith.constant 1 : i32
      %scan3A_405 = scf.for %scan3A_459 = %scan3A_401 to %scan3A_403 step %scan3A_404 iter_args(%scan3A_460 = %scan3A_400) -> (i32)  : i32 {
        %mul3A_461 = arith.constant 128 : i32
        %mul3A_462 = arith.muli %scan3A_459, %mul3A_461 : i32
        %add3A_463 = arith.constant 0 : i32
        %add3A_464 = arith.addi %mul3A_462, %add3A_463 : i32
        %get3A_465 = arith.index_cast %add3A_464 : i32 to index
        %get3A_466 = tpu.vector_load %arg6[%get3A_465] {strides = array<i32>} : memref<4224xf32, #tpu.memory_space<vmem>>, vector<16xf32>,
        %add3A_467 = arith.addf %get3A_466, %get3A_385 : vector<16xf32>
        %add3A_468 = arith.addf %add3A_467, %get3A_143 : vector<16xf32>
        %add3A_469 = arith.constant 88 : i32
        %add3A_470 = arith.addi %add3A_469, %scan3A_459 : i32
        %swap3A = arith.index_cast %add3A_470 : i32 to index
        %swap3A_471 = arith.constant 0 : index
        %swap3A_472 = tpu.vector_load %arg7[%swap3A, %swap3A_471] {strides = array<i32>} : memref<128x128xf32, #tpu.memory_space<vmem>>, vector<16xf32>,
        tpu.vector_store %arg7[%swap3A, %swap3A_471], %add3A_468 {strides = array<i32>} : memref<128x128xf32, #tpu.memory_space<vmem>>, vector<16xf32>,
        %mul3A_473 = arith.constant 128 : i32
        %mul3A_474 = arith.muli %scan3A_459, %mul3A_473 : i32
        %add3A_475 = arith.constant 16 : i32
        %add3A_476 = arith.addi %mul3A_474, %add3A_475 : i32
        %get3A_477 = arith.index_cast %add3A_476 : i32 to index
        %get3A_478 = tpu.vector_load %arg6[%get3A_477] {strides = array<i32>} : memref<4224xf32, #tpu.memory_space<vmem>>, vector<16xf32>,
        %add3A_479 = arith.addf %get3A_478, %get3A_387 : vector<16xf32>
        %add3A_480 = arith.addf %add3A_479, %get3A_151 : vector<16xf32>
        %add3A_481 = arith.constant 88 : i32
        %add3A_482 = arith.addi %add3A_481, %scan3A_459 : i32
        %swap3A_483 = arith.index_cast %add3A_482 : i32 to index
        %swap3A_484 = arith.constant 16 : index
        %swap3A_485 = tpu.vector_load %arg7[%swap3A_483, %swap3A_484] {strides = array<i32>} : memref<128x128xf32, #tpu.memory_space<vmem>>, vector<16xf32>,
        tpu.vector_store %arg7[%swap3A_483, %swap3A_484], %add3A_480 {strides = array<i32>} : memref<128x128xf32, #tpu.memory_space<vmem>>, vector<16xf32>,
        %mul3A_486 = arith.constant 128 : i32
        %mul3A_487 = arith.muli %scan3A_459, %mul3A_486 : i32
        %add3A_488 = arith.constant 32 : i32
        %add3A_489 = arith.addi %mul3A_487, %add3A_488 : i32
        %get3A_490 = arith.index_cast %add3A_489 : i32 to index
        %get3A_491 = tpu.vector_load %arg6[%get3A_490] {strides = array<i32>} : memref<4224xf32, #tpu.memory_space<vmem>>, vector<16xf32>,
        %add3A_492 = arith.addf %get3A_491, %get3A_389 : vector<16xf32>
        %add3A_493 = arith.addf %add3A_492, %get3A_159 : vector<16xf32>
        %add3A_494 = arith.constant 88 : i32
        %add3A_495 = arith.addi %add3A_494, %scan3A_459 : i32
        %swap3A_496 = arith.index_cast %add3A_495 : i32 to index
        %swap3A_497 = arith.constant 32 : index
        %swap3A_498 = tpu.vector_load %arg7[%swap3A_496, %swap3A_497] {strides = array<i32>} : memref<128x128xf32, #tpu.memory_space<vmem>>, vector<16xf32>,
        tpu.vector_store %arg7[%swap3A_496, %swap3A_497], %add3A_493 {strides = array<i32>} : memref<128x128xf32, #tpu.memory_space<vmem>>, vector<16xf32>,
        %mul3A_499 = arith.constant 128 : i32
        %mul3A_500 = arith.muli %scan3A_459, %mul3A_499 : i32
        %add3A_501 = arith.constant 48 : i32
        %add3A_502 = arith.addi %mul3A_500, %add3A_501 : i32
        %get3A_503 = arith.index_cast %add3A_502 : i32 to index
        %get3A_504 = tpu.vector_load %arg6[%get3A_503] {strides = array<i32>} : memref<4224xf32, #tpu.memory_space<vmem>>, vector<16xf32>,
        %add3A_505 = arith.addf %get3A_504, %get3A_391 : vector<16xf32>
        %add3A_506 = arith.addf %add3A_505, %get3A_167 : vector<16xf32>
        %add3A_507 = arith.constant 88 : i32
        %add3A_508 = arith.addi %add3A_507, %scan3A_459 : i32
        %swap3A_509 = arith.index_cast %add3A_508 : i32 to index
        %swap3A_510 = arith.constant 48 : index
        %swap3A_511 = tpu.vector_load %arg7[%swap3A_509, %swap3A_510] {strides = array<i32>} : memref<128x128xf32, #tpu.memory_space<vmem>>, vector<16xf32>,
        tpu.vector_store %arg7[%swap3A_509, %swap3A_510], %add3A_506 {strides = array<i32>} : memref<128x128xf32, #tpu.memory_space<vmem>>, vector<16xf32>,
        %mul3A_512 = arith.constant 128 : i32
        %mul3A_513 = arith.muli %scan3A_459, %mul3A_512 : i32
        %add3A_514 = arith.constant 64 : i32
        %add3A_515 = arith.addi %mul3A_513, %add3A_514 : i32
        %get3A_516 = arith.index_cast %add3A_515 : i32 to index
        %get3A_517 = tpu.vector_load %arg6[%get3A_516] {strides = array<i32>} : memref<4224xf32, #tpu.memory_space<vmem>>, vector<16xf32>,
        %add3A_518 = arith.addf %get3A_517, %get3A_393 : vector<16xf32>
        %add3A_519 = arith.addf %add3A_518, %get3A_175 : vector<16xf32>
        %add3A_520 = arith.constant 88 : i32
        %add3A_521 = arith.addi %add3A_520, %scan3A_459 : i32
        %swap3A_522 = arith.index_cast %add3A_521 : i32 to index
        %swap3A_523 = arith.constant 64 : index
        %swap3A_524 = tpu.vector_load %arg7[%swap3A_522, %swap3A_523] {strides = array<i32>} : memref<128x128xf32, #tpu.memory_space<vmem>>, vector<16xf32>,
        tpu.vector_store %arg7[%swap3A_522, %swap3A_523], %add3A_519 {strides = array<i32>} : memref<128x128xf32, #tpu.memory_space<vmem>>, vector<16xf32>,
        %mul3A_525 = arith.constant 128 : i32
        %mul3A_526 = arith.muli %scan3A_459, %mul3A_525 : i32
        %add3A_527 = arith.constant 80 : i32
        %add3A_528 = arith.addi %mul3A_526, %add3A_527 : i32
        %get3A_529 = arith.index_cast %add3A_528 : i32 to index
        %get3A_530 = tpu.vector_load %arg6[%get3A_529] {strides = array<i32>} : memref<4224xf32, #tpu.memory_space<vmem>>, vector<16xf32>,
        %add3A_531 = arith.addf %get3A_530, %get3A_395 : vector<16xf32>
        %add3A_532 = arith.addf %add3A_531, %get3A_183 : vector<16xf32>
        %add3A_533 = arith.constant 88 : i32
        %add3A_534 = arith.addi %add3A_533, %scan3A_459 : i32
        %swap3A_535 = arith.index_cast %add3A_534 : i32 to index
        %swap3A_536 = arith.constant 80 : index
        %swap3A_537 = tpu.vector_load %arg7[%swap3A_535, %swap3A_536] {strides = array<i32>} : memref<128x128xf32, #tpu.memory_space<vmem>>, vector<16xf32>,
        tpu.vector_store %arg7[%swap3A_535, %swap3A_536], %add3A_532 {strides = array<i32>} : memref<128x128xf32, #tpu.memory_space<vmem>>, vector<16xf32>,
        %mul3A_538 = arith.constant 128 : i32
        %mul3A_539 = arith.muli %scan3A_459, %mul3A_538 : i32
        %add3A_540 = arith.constant 96 : i32
        %add3A_541 = arith.addi %mul3A_539, %add3A_540 : i32
        %get3A_542 = arith.index_cast %add3A_541 : i32 to index
        %get3A_543 = tpu.vector_load %arg6[%get3A_542] {strides = array<i32>} : memref<4224xf32, #tpu.memory_space<vmem>>, vector<16xf32>,
        %add3A_544 = arith.addf %get3A_543, %get3A_397 : vector<16xf32>
        %add3A_545 = arith.addf %add3A_544, %get3A_191 : vector<16xf32>
        %add3A_546 = arith.constant 88 : i32
        %add3A_547 = arith.addi %add3A_546, %scan3A_459 : i32
        %swap3A_548 = arith.index_cast %add3A_547 : i32 to index
        %swap3A_549 = arith.constant 96 : index
        %swap3A_550 = tpu.vector_load %arg7[%swap3A_548, %swap3A_549] {strides = array<i32>} : memref<128x128xf32, #tpu.memory_space<vmem>>, vector<16xf32>,
        tpu.vector_store %arg7[%swap3A_548, %swap3A_549], %add3A_545 {strides = array<i32>} : memref<128x128xf32, #tpu.memory_space<vmem>>, vector<16xf32>,
        %mul3A_551 = arith.constant 128 : i32
        %mul3A_552 = arith.muli %scan3A_459, %mul3A_551 : i32
        %add3A_553 = arith.constant 112 : i32
        %add3A_554 = arith.addi %mul3A_552, %add3A_553 : i32
        %get3A_555 = arith.index_cast %add3A_554 : i32 to index
        %get3A_556 = tpu.vector_load %arg6[%get3A_555] {strides = array<i32>} : memref<4224xf32, #tpu.memory_space<vmem>>, vector<16xf32>,
        %add3A_557 = arith.addf %get3A_556, %get3A_399 : vector<16xf32>
        %add3A_558 = arith.addf %add3A_557, %get3A_199 : vector<16xf32>
        %add3A_559 = arith.constant 88 : i32
        %add3A_560 = arith.addi %add3A_559, %scan3A_459 : i32
        %swap3A_561 = arith.index_cast %add3A_560 : i32 to index
        %swap3A_562 = arith.constant 112 : index
        %swap3A_563 = tpu.vector_load %arg7[%swap3A_561, %swap3A_562] {strides = array<i32>} : memref<128x128xf32, #tpu.memory_space<vmem>>, vector<16xf32>,
        tpu.vector_store %arg7[%swap3A_561, %swap3A_562], %add3A_558 {strides = array<i32>} : memref<128x128xf32, #tpu.memory_space<vmem>>, vector<16xf32>,
        %scan3A_564 = arith.constant 0 : i32
        scf.yield %scan3A_564 : i32
      }
      %scan3A_406 = arith.constant 11 : i32
      %get3A_407 = arith.constant 2560 : index
      %get3A_408 = tpu.vector_load %arg6[%get3A_407] {strides = array<i32>} : memref<4224xf32, #tpu.memory_space<vmem>>, vector<16xf32>,
      %get3A_409 = arith.constant 2576 : index
      %get3A_410 = tpu.vector_load %arg6[%get3A_409] {strides = array<i32>} : memref<4224xf32, #tpu.memory_space<vmem>>, vector<16xf32>,
      %get3A_411 = arith.constant 2592 : index
      %get3A_412 = tpu.vector_load %arg6[%get3A_411] {strides = array<i32>} : memref<4224xf32, #tpu.memory_space<vmem>>, vector<16xf32>,
      %get3A_413 = arith.constant 2608 : index
      %get3A_414 = tpu.vector_load %arg6[%get3A_413] {strides = array<i32>} : memref<4224xf32, #tpu.memory_space<vmem>>, vector<16xf32>,
      %get3A_415 = arith.constant 2624 : index
      %get3A_416 = tpu.vector_load %arg6[%get3A_415] {strides = array<i32>} : memref<4224xf32, #tpu.memory_space<vmem>>, vector<16xf32>,
      %get3A_417 = arith.constant 2640 : index
      %get3A_418 = tpu.vector_load %arg6[%get3A_417] {strides = array<i32>} : memref<4224xf32, #tpu.memory_space<vmem>>, vector<16xf32>,
      %get3A_419 = arith.constant 2656 : index
      %get3A_420 = tpu.vector_load %arg6[%get3A_419] {strides = array<i32>} : memref<4224xf32, #tpu.memory_space<vmem>>, vector<16xf32>,
      %get3A_421 = arith.constant 2672 : index
      %get3A_422 = tpu.vector_load %arg6[%get3A_421] {strides = array<i32>} : memref<4224xf32, #tpu.memory_space<vmem>>, vector<16xf32>,
      %scan3A_423 = arith.constant 0 : i32
      %scan3A_424 = arith.constant 0 : i32
      %scan3A_425 = arith.constant 11 : i32
      %scan3A_426 = arith.addi %scan3A_424, %scan3A_425 : i32
      %scan3A_427 = arith.constant 1 : i32
      %scan3A_428 = scf.for %scan3A_459 = %scan3A_424 to %scan3A_426 step %scan3A_427 iter_args(%scan3A_460 = %scan3A_423) -> (i32)  : i32 {
        %mul3A_461 = arith.constant 128 : i32
        %mul3A_462 = arith.muli %scan3A_459, %mul3A_461 : i32
        %add3A_463 = arith.constant 0 : i32
        %add3A_464 = arith.addi %mul3A_462, %add3A_463 : i32
        %get3A_465 = arith.index_cast %add3A_464 : i32 to index
        %get3A_466 = tpu.vector_load %arg6[%get3A_465] {strides = array<i32>} : memref<4224xf32, #tpu.memory_space<vmem>>, vector<16xf32>,
        %add3A_467 = arith.addf %get3A_466, %get3A_408 : vector<16xf32>
        %add3A_468 = arith.addf %add3A_467, %get3A_143 : vector<16xf32>
        %add3A_469 = arith.constant 99 : i32
        %add3A_470 = arith.addi %add3A_469, %scan3A_459 : i32
        %swap3A = arith.index_cast %add3A_470 : i32 to index
        %swap3A_471 = arith.constant 0 : index
        %swap3A_472 = tpu.vector_load %arg7[%swap3A, %swap3A_471] {strides = array<i32>} : memref<128x128xf32, #tpu.memory_space<vmem>>, vector<16xf32>,
        tpu.vector_store %arg7[%swap3A, %swap3A_471], %add3A_468 {strides = array<i32>} : memref<128x128xf32, #tpu.memory_space<vmem>>, vector<16xf32>,
        %mul3A_473 = arith.constant 128 : i32
        %mul3A_474 = arith.muli %scan3A_459, %mul3A_473 : i32
        %add3A_475 = arith.constant 16 : i32
        %add3A_476 = arith.addi %mul3A_474, %add3A_475 : i32
        %get3A_477 = arith.index_cast %add3A_476 : i32 to index
        %get3A_478 = tpu.vector_load %arg6[%get3A_477] {strides = array<i32>} : memref<4224xf32, #tpu.memory_space<vmem>>, vector<16xf32>,
        %add3A_479 = arith.addf %get3A_478, %get3A_410 : vector<16xf32>
        %add3A_480 = arith.addf %add3A_479, %get3A_151 : vector<16xf32>
        %add3A_481 = arith.constant 99 : i32
        %add3A_482 = arith.addi %add3A_481, %scan3A_459 : i32
        %swap3A_483 = arith.index_cast %add3A_482 : i32 to index
        %swap3A_484 = arith.constant 16 : index
        %swap3A_485 = tpu.vector_load %arg7[%swap3A_483, %swap3A_484] {strides = array<i32>} : memref<128x128xf32, #tpu.memory_space<vmem>>, vector<16xf32>,
        tpu.vector_store %arg7[%swap3A_483, %swap3A_484], %add3A_480 {strides = array<i32>} : memref<128x128xf32, #tpu.memory_space<vmem>>, vector<16xf32>,
        %mul3A_486 = arith.constant 128 : i32
        %mul3A_487 = arith.muli %scan3A_459, %mul3A_486 : i32
        %add3A_488 = arith.constant 32 : i32
        %add3A_489 = arith.addi %mul3A_487, %add3A_488 : i32
        %get3A_490 = arith.index_cast %add3A_489 : i32 to index
        %get3A_491 = tpu.vector_load %arg6[%get3A_490] {strides = array<i32>} : memref<4224xf32, #tpu.memory_space<vmem>>, vector<16xf32>,
        %add3A_492 = arith.addf %get3A_491, %get3A_412 : vector<16xf32>
        %add3A_493 = arith.addf %add3A_492, %get3A_159 : vector<16xf32>
        %add3A_494 = arith.constant 99 : i32
        %add3A_495 = arith.addi %add3A_494, %scan3A_459 : i32
        %swap3A_496 = arith.index_cast %add3A_495 : i32 to index
        %swap3A_497 = arith.constant 32 : index
        %swap3A_498 = tpu.vector_load %arg7[%swap3A_496, %swap3A_497] {strides = array<i32>} : memref<128x128xf32, #tpu.memory_space<vmem>>, vector<16xf32>,
        tpu.vector_store %arg7[%swap3A_496, %swap3A_497], %add3A_493 {strides = array<i32>} : memref<128x128xf32, #tpu.memory_space<vmem>>, vector<16xf32>,
        %mul3A_499 = arith.constant 128 : i32
        %mul3A_500 = arith.muli %scan3A_459, %mul3A_499 : i32
        %add3A_501 = arith.constant 48 : i32
        %add3A_502 = arith.addi %mul3A_500, %add3A_501 : i32
        %get3A_503 = arith.index_cast %add3A_502 : i32 to index
        %get3A_504 = tpu.vector_load %arg6[%get3A_503] {strides = array<i32>} : memref<4224xf32, #tpu.memory_space<vmem>>, vector<16xf32>,
        %add3A_505 = arith.addf %get3A_504, %get3A_414 : vector<16xf32>
        %add3A_506 = arith.addf %add3A_505, %get3A_167 : vector<16xf32>
        %add3A_507 = arith.constant 99 : i32
        %add3A_508 = arith.addi %add3A_507, %scan3A_459 : i32
        %swap3A_509 = arith.index_cast %add3A_508 : i32 to index
        %swap3A_510 = arith.constant 48 : index
        %swap3A_511 = tpu.vector_load %arg7[%swap3A_509, %swap3A_510] {strides = array<i32>} : memref<128x128xf32, #tpu.memory_space<vmem>>, vector<16xf32>,
        tpu.vector_store %arg7[%swap3A_509, %swap3A_510], %add3A_506 {strides = array<i32>} : memref<128x128xf32, #tpu.memory_space<vmem>>, vector<16xf32>,
        %mul3A_512 = arith.constant 128 : i32
        %mul3A_513 = arith.muli %scan3A_459, %mul3A_512 : i32
        %add3A_514 = arith.constant 64 : i32
        %add3A_515 = arith.addi %mul3A_513, %add3A_514 : i32
        %get3A_516 = arith.index_cast %add3A_515 : i32 to index
        %get3A_517 = tpu.vector_load %arg6[%get3A_516] {strides = array<i32>} : memref<4224xf32, #tpu.memory_space<vmem>>, vector<16xf32>,
        %add3A_518 = arith.addf %get3A_517, %get3A_416 : vector<16xf32>
        %add3A_519 = arith.addf %add3A_518, %get3A_175 : vector<16xf32>
        %add3A_520 = arith.constant 99 : i32
        %add3A_521 = arith.addi %add3A_520, %scan3A_459 : i32
        %swap3A_522 = arith.index_cast %add3A_521 : i32 to index
        %swap3A_523 = arith.constant 64 : index
        %swap3A_524 = tpu.vector_load %arg7[%swap3A_522, %swap3A_523] {strides = array<i32>} : memref<128x128xf32, #tpu.memory_space<vmem>>, vector<16xf32>,
        tpu.vector_store %arg7[%swap3A_522, %swap3A_523], %add3A_519 {strides = array<i32>} : memref<128x128xf32, #tpu.memory_space<vmem>>, vector<16xf32>,
        %mul3A_525 = arith.constant 128 : i32
        %mul3A_526 = arith.muli %scan3A_459, %mul3A_525 : i32
        %add3A_527 = arith.constant 80 : i32
        %add3A_528 = arith.addi %mul3A_526, %add3A_527 : i32
        %get3A_529 = arith.index_cast %add3A_528 : i32 to index
        %get3A_530 = tpu.vector_load %arg6[%get3A_529] {strides = array<i32>} : memref<4224xf32, #tpu.memory_space<vmem>>, vector<16xf32>,
        %add3A_531 = arith.addf %get3A_530, %get3A_418 : vector<16xf32>
        %add3A_532 = arith.addf %add3A_531, %get3A_183 : vector<16xf32>
        %add3A_533 = arith.constant 99 : i32
        %add3A_534 = arith.addi %add3A_533, %scan3A_459 : i32
        %swap3A_535 = arith.index_cast %add3A_534 : i32 to index
        %swap3A_536 = arith.constant 80 : index
        %swap3A_537 = tpu.vector_load %arg7[%swap3A_535, %swap3A_536] {strides = array<i32>} : memref<128x128xf32, #tpu.memory_space<vmem>>, vector<16xf32>,
        tpu.vector_store %arg7[%swap3A_535, %swap3A_536], %add3A_532 {strides = array<i32>} : memref<128x128xf32, #tpu.memory_space<vmem>>, vector<16xf32>,
        %mul3A_538 = arith.constant 128 : i32
        %mul3A_539 = arith.muli %scan3A_459, %mul3A_538 : i32
        %add3A_540 = arith.constant 96 : i32
        %add3A_541 = arith.addi %mul3A_539, %add3A_540 : i32
        %get3A_542 = arith.index_cast %add3A_541 : i32 to index
        %get3A_543 = tpu.vector_load %arg6[%get3A_542] {strides = array<i32>} : memref<4224xf32, #tpu.memory_space<vmem>>, vector<16xf32>,
        %add3A_544 = arith.addf %get3A_543, %get3A_420 : vector<16xf32>
        %add3A_545 = arith.addf %add3A_544, %get3A_191 : vector<16xf32>
        %add3A_546 = arith.constant 99 : i32
        %add3A_547 = arith.addi %add3A_546, %scan3A_459 : i32
        %swap3A_548 = arith.index_cast %add3A_547 : i32 to index
        %swap3A_549 = arith.constant 96 : index
        %swap3A_550 = tpu.vector_load %arg7[%swap3A_548, %swap3A_549] {strides = array<i32>} : memref<128x128xf32, #tpu.memory_space<vmem>>, vector<16xf32>,
        tpu.vector_store %arg7[%swap3A_548, %swap3A_549], %add3A_545 {strides = array<i32>} : memref<128x128xf32, #tpu.memory_space<vmem>>, vector<16xf32>,
        %mul3A_551 = arith.constant 128 : i32
        %mul3A_552 = arith.muli %scan3A_459, %mul3A_551 : i32
        %add3A_553 = arith.constant 112 : i32
        %add3A_554 = arith.addi %mul3A_552, %add3A_553 : i32
        %get3A_555 = arith.index_cast %add3A_554 : i32 to index
        %get3A_556 = tpu.vector_load %arg6[%get3A_555] {strides = array<i32>} : memref<4224xf32, #tpu.memory_space<vmem>>, vector<16xf32>,
        %add3A_557 = arith.addf %get3A_556, %get3A_422 : vector<16xf32>
        %add3A_558 = arith.addf %add3A_557, %get3A_199 : vector<16xf32>
        %add3A_559 = arith.constant 99 : i32
        %add3A_560 = arith.addi %add3A_559, %scan3A_459 : i32
        %swap3A_561 = arith.index_cast %add3A_560 : i32 to index
        %swap3A_562 = arith.constant 112 : index
        %swap3A_563 = tpu.vector_load %arg7[%swap3A_561, %swap3A_562] {strides = array<i32>} : memref<128x128xf32, #tpu.memory_space<vmem>>, vector<16xf32>,
        tpu.vector_store %arg7[%swap3A_561, %swap3A_562], %add3A_558 {strides = array<i32>} : memref<128x128xf32, #tpu.memory_space<vmem>>, vector<16xf32>,
        %scan3A_564 = arith.constant 0 : i32
        scf.yield %scan3A_564 : i32
      }
      %scan3A_429 = arith.constant 11 : i32
      %get3A_430 = arith.constant 2688 : index
      %get3A_431 = tpu.vector_load %arg6[%get3A_430] {strides = array<i32>} : memref<4224xf32, #tpu.memory_space<vmem>>, vector<16xf32>,
      %get3A_432 = arith.constant 2704 : index
      %get3A_433 = tpu.vector_load %arg6[%get3A_432] {strides = array<i32>} : memref<4224xf32, #tpu.memory_space<vmem>>, vector<16xf32>,
      %get3A_434 = arith.constant 2720 : index
      %get3A_435 = tpu.vector_load %arg6[%get3A_434] {strides = array<i32>} : memref<4224xf32, #tpu.memory_space<vmem>>, vector<16xf32>,
      %get3A_436 = arith.constant 2736 : index
      %get3A_437 = tpu.vector_load %arg6[%get3A_436] {strides = array<i32>} : memref<4224xf32, #tpu.memory_space<vmem>>, vector<16xf32>,
      %get3A_438 = arith.constant 2752 : index
      %get3A_439 = tpu.vector_load %arg6[%get3A_438] {strides = array<i32>} : memref<4224xf32, #tpu.memory_space<vmem>>, vector<16xf32>,
      %get3A_440 = arith.constant 2768 : index
      %get3A_441 = tpu.vector_load %arg6[%get3A_440] {strides = array<i32>} : memref<4224xf32, #tpu.memory_space<vmem>>, vector<16xf32>,
      %get3A_442 = arith.constant 2784 : index
      %get3A_443 = tpu.vector_load %arg6[%get3A_442] {strides = array<i32>} : memref<4224xf32, #tpu.memory_space<vmem>>, vector<16xf32>,
      %get3A_444 = arith.constant 2800 : index
      %get3A_445 = tpu.vector_load %arg6[%get3A_444] {strides = array<i32>} : memref<4224xf32, #tpu.memory_space<vmem>>, vector<16xf32>,
      %scan3A_446 = arith.constant 0 : i32
      %scan3A_447 = arith.constant 0 : i32
      %scan3A_448 = arith.constant 11 : i32
      %scan3A_449 = arith.addi %scan3A_447, %scan3A_448 : i32
      %scan3A_450 = arith.constant 1 : i32
      %scan3A_451 = scf.for %scan3A_459 = %scan3A_447 to %scan3A_449 step %scan3A_450 iter_args(%scan3A_460 = %scan3A_446) -> (i32)  : i32 {
        %mul3A_461 = arith.constant 128 : i32
        %mul3A_462 = arith.muli %scan3A_459, %mul3A_461 : i32
        %add3A_463 = arith.constant 0 : i32
        %add3A_464 = arith.addi %mul3A_462, %add3A_463 : i32
        %get3A_465 = arith.index_cast %add3A_464 : i32 to index
        %get3A_466 = tpu.vector_load %arg6[%get3A_465] {strides = array<i32>} : memref<4224xf32, #tpu.memory_space<vmem>>, vector<16xf32>,
        %add3A_467 = arith.addf %get3A_466, %get3A_431 : vector<16xf32>
        %add3A_468 = arith.addf %add3A_467, %get3A_143 : vector<16xf32>
        %add3A_469 = arith.constant 110 : i32
        %add3A_470 = arith.addi %add3A_469, %scan3A_459 : i32
        %swap3A = arith.index_cast %add3A_470 : i32 to index
        %swap3A_471 = arith.constant 0 : index
        %swap3A_472 = tpu.vector_load %arg7[%swap3A, %swap3A_471] {strides = array<i32>} : memref<128x128xf32, #tpu.memory_space<vmem>>, vector<16xf32>,
        tpu.vector_store %arg7[%swap3A, %swap3A_471], %add3A_468 {strides = array<i32>} : memref<128x128xf32, #tpu.memory_space<vmem>>, vector<16xf32>,
        %mul3A_473 = arith.constant 128 : i32
        %mul3A_474 = arith.muli %scan3A_459, %mul3A_473 : i32
        %add3A_475 = arith.constant 16 : i32
        %add3A_476 = arith.addi %mul3A_474, %add3A_475 : i32
        %get3A_477 = arith.index_cast %add3A_476 : i32 to index
        %get3A_478 = tpu.vector_load %arg6[%get3A_477] {strides = array<i32>} : memref<4224xf32, #tpu.memory_space<vmem>>, vector<16xf32>,
        %add3A_479 = arith.addf %get3A_478, %get3A_433 : vector<16xf32>
        %add3A_480 = arith.addf %add3A_479, %get3A_151 : vector<16xf32>
        %add3A_481 = arith.constant 110 : i32
        %add3A_482 = arith.addi %add3A_481, %scan3A_459 : i32
        %swap3A_483 = arith.index_cast %add3A_482 : i32 to index
        %swap3A_484 = arith.constant 16 : index
        %swap3A_485 = tpu.vector_load %arg7[%swap3A_483, %swap3A_484] {strides = array<i32>} : memref<128x128xf32, #tpu.memory_space<vmem>>, vector<16xf32>,
        tpu.vector_store %arg7[%swap3A_483, %swap3A_484], %add3A_480 {strides = array<i32>} : memref<128x128xf32, #tpu.memory_space<vmem>>, vector<16xf32>,
        %mul3A_486 = arith.constant 128 : i32
        %mul3A_487 = arith.muli %scan3A_459, %mul3A_486 : i32
        %add3A_488 = arith.constant 32 : i32
        %add3A_489 = arith.addi %mul3A_487, %add3A_488 : i32
        %get3A_490 = arith.index_cast %add3A_489 : i32 to index
        %get3A_491 = tpu.vector_load %arg6[%get3A_490] {strides = array<i32>} : memref<4224xf32, #tpu.memory_space<vmem>>, vector<16xf32>,
        %add3A_492 = arith.addf %get3A_491, %get3A_435 : vector<16xf32>
        %add3A_493 = arith.addf %add3A_492, %get3A_159 : vector<16xf32>
        %add3A_494 = arith.constant 110 : i32
        %add3A_495 = arith.addi %add3A_494, %scan3A_459 : i32
        %swap3A_496 = arith.index_cast %add3A_495 : i32 to index
        %swap3A_497 = arith.constant 32 : index
        %swap3A_498 = tpu.vector_load %arg7[%swap3A_496, %swap3A_497] {strides = array<i32>} : memref<128x128xf32, #tpu.memory_space<vmem>>, vector<16xf32>,
        tpu.vector_store %arg7[%swap3A_496, %swap3A_497], %add3A_493 {strides = array<i32>} : memref<128x128xf32, #tpu.memory_space<vmem>>, vector<16xf32>,
        %mul3A_499 = arith.constant 128 : i32
        %mul3A_500 = arith.muli %scan3A_459, %mul3A_499 : i32
        %add3A_501 = arith.constant 48 : i32
        %add3A_502 = arith.addi %mul3A_500, %add3A_501 : i32
        %get3A_503 = arith.index_cast %add3A_502 : i32 to index
        %get3A_504 = tpu.vector_load %arg6[%get3A_503] {strides = array<i32>} : memref<4224xf32, #tpu.memory_space<vmem>>, vector<16xf32>,
        %add3A_505 = arith.addf %get3A_504, %get3A_437 : vector<16xf32>
        %add3A_506 = arith.addf %add3A_505, %get3A_167 : vector<16xf32>
        %add3A_507 = arith.constant 110 : i32
        %add3A_508 = arith.addi %add3A_507, %scan3A_459 : i32
        %swap3A_509 = arith.index_cast %add3A_508 : i32 to index
        %swap3A_510 = arith.constant 48 : index
        %swap3A_511 = tpu.vector_load %arg7[%swap3A_509, %swap3A_510] {strides = array<i32>} : memref<128x128xf32, #tpu.memory_space<vmem>>, vector<16xf32>,
        tpu.vector_store %arg7[%swap3A_509, %swap3A_510], %add3A_506 {strides = array<i32>} : memref<128x128xf32, #tpu.memory_space<vmem>>, vector<16xf32>,
        %mul3A_512 = arith.constant 128 : i32
        %mul3A_513 = arith.muli %scan3A_459, %mul3A_512 : i32
        %add3A_514 = arith.constant 64 : i32
        %add3A_515 = arith.addi %mul3A_513, %add3A_514 : i32
        %get3A_516 = arith.index_cast %add3A_515 : i32 to index
        %get3A_517 = tpu.vector_load %arg6[%get3A_516] {strides = array<i32>} : memref<4224xf32, #tpu.memory_space<vmem>>, vector<16xf32>,
        %add3A_518 = arith.addf %get3A_517, %get3A_439 : vector<16xf32>
        %add3A_519 = arith.addf %add3A_518, %get3A_175 : vector<16xf32>
        %add3A_520 = arith.constant 110 : i32
        %add3A_521 = arith.addi %add3A_520, %scan3A_459 : i32
        %swap3A_522 = arith.index_cast %add3A_521 : i32 to index
        %swap3A_523 = arith.constant 64 : index
        %swap3A_524 = tpu.vector_load %arg7[%swap3A_522, %swap3A_523] {strides = array<i32>} : memref<128x128xf32, #tpu.memory_space<vmem>>, vector<16xf32>,
        tpu.vector_store %arg7[%swap3A_522, %swap3A_523], %add3A_519 {strides = array<i32>} : memref<128x128xf32, #tpu.memory_space<vmem>>, vector<16xf32>,
        %mul3A_525 = arith.constant 128 : i32
        %mul3A_526 = arith.muli %scan3A_459, %mul3A_525 : i32
        %add3A_527 = arith.constant 80 : i32
        %add3A_528 = arith.addi %mul3A_526, %add3A_527 : i32
        %get3A_529 = arith.index_cast %add3A_528 : i32 to index
        %get3A_530 = tpu.vector_load %arg6[%get3A_529] {strides = array<i32>} : memref<4224xf32, #tpu.memory_space<vmem>>, vector<16xf32>,
        %add3A_531 = arith.addf %get3A_530, %get3A_441 : vector<16xf32>
        %add3A_532 = arith.addf %add3A_531, %get3A_183 : vector<16xf32>
        %add3A_533 = arith.constant 110 : i32
        %add3A_534 = arith.addi %add3A_533, %scan3A_459 : i32
        %swap3A_535 = arith.index_cast %add3A_534 : i32 to index
        %swap3A_536 = arith.constant 80 : index
        %swap3A_537 = tpu.vector_load %arg7[%swap3A_535, %swap3A_536] {strides = array<i32>} : memref<128x128xf32, #tpu.memory_space<vmem>>, vector<16xf32>,
        tpu.vector_store %arg7[%swap3A_535, %swap3A_536], %add3A_532 {strides = array<i32>} : memref<128x128xf32, #tpu.memory_space<vmem>>, vector<16xf32>,
        %mul3A_538 = arith.constant 128 : i32
        %mul3A_539 = arith.muli %scan3A_459, %mul3A_538 : i32
        %add3A_540 = arith.constant 96 : i32
        %add3A_541 = arith.addi %mul3A_539, %add3A_540 : i32
        %get3A_542 = arith.index_cast %add3A_541 : i32 to index
        %get3A_543 = tpu.vector_load %arg6[%get3A_542] {strides = array<i32>} : memref<4224xf32, #tpu.memory_space<vmem>>, vector<16xf32>,
        %add3A_544 = arith.addf %get3A_543, %get3A_443 : vector<16xf32>
        %add3A_545 = arith.addf %add3A_544, %get3A_191 : vector<16xf32>
        %add3A_546 = arith.constant 110 : i32
        %add3A_547 = arith.addi %add3A_546, %scan3A_459 : i32
        %swap3A_548 = arith.index_cast %add3A_547 : i32 to index
        %swap3A_549 = arith.constant 96 : index
        %swap3A_550 = tpu.vector_load %arg7[%swap3A_548, %swap3A_549] {strides = array<i32>} : memref<128x128xf32, #tpu.memory_space<vmem>>, vector<16xf32>,
        tpu.vector_store %arg7[%swap3A_548, %swap3A_549], %add3A_545 {strides = array<i32>} : memref<128x128xf32, #tpu.memory_space<vmem>>, vector<16xf32>,
        %mul3A_551 = arith.constant 128 : i32
        %mul3A_552 = arith.muli %scan3A_459, %mul3A_551 : i32
        %add3A_553 = arith.constant 112 : i32
        %add3A_554 = arith.addi %mul3A_552, %add3A_553 : i32
        %get3A_555 = arith.index_cast %add3A_554 : i32 to index
        %get3A_556 = tpu.vector_load %arg6[%get3A_555] {strides = array<i32>} : memref<4224xf32, #tpu.memory_space<vmem>>, vector<16xf32>,
        %add3A_557 = arith.addf %get3A_556, %get3A_445 : vector<16xf32>
        %add3A_558 = arith.addf %add3A_557, %get3A_199 : vector<16xf32>
        %add3A_559 = arith.constant 110 : i32
        %add3A_560 = arith.addi %add3A_559, %scan3A_459 : i32
        %swap3A_561 = arith.index_cast %add3A_560 : i32 to index
        %swap3A_562 = arith.constant 112 : index
        %swap3A_563 = tpu.vector_load %arg7[%swap3A_561, %swap3A_562] {strides = array<i32>} : memref<128x128xf32, #tpu.memory_space<vmem>>, vector<16xf32>,
        tpu.vector_store %arg7[%swap3A_561, %swap3A_562], %add3A_558 {strides = array<i32>} : memref<128x128xf32, #tpu.memory_space<vmem>>, vector<16xf32>,
        %scan3A_564 = arith.constant 0 : i32
        scf.yield %scan3A_564 : i32
      }
      %scan3A_452 = arith.constant 11 : i32
      %mul3A_453 = arith.constant 128 : i32
      %mul3A_454 = arith.muli %arg1, %mul3A_453 : i32
      %dma_start3A_455 = arith.constant 0 : i32
      %dma_start3A_456 = tpu.memref_slice %arg9[%mul3A_454, %dma_start3A_455] : memref<1408x128xf32, #tpu.memory_space<vmem_shared>> -> memref<128x128xf32, #tpu.memory_space<vmem_shared>>
      %dma_start3A_457 = arith.constant 0 : i32
      %dma_start3A_458 = tpu.memref_slice %arg9[%mul3A_454, %dma_start3A_457] : memref<1408x128xf32, #tpu.memory_space<vmem_shared>> -> memref<128x128xf32, #tpu.memory_space<vmem_shared>>
      tpu.enqueue_dma source(%arg7 : memref<128x128xf32, #tpu.memory_space<vmem>>) target(%dma_start3A_458 : memref<128x128xf32, #tpu.memory_space<vmem_shared>>) target_semaphore(%arg19 : memref<!tpu.dma_semaphore, #tpu.memory_space<semaphore_mem>>)
    } else {
    }
    %mul3A_10 = arith.constant 3 : i32
    %mul3A_11 = arith.muli %mul3A_2, %mul3A_10 : i32
    %mul3A_12 = arith.constant 1024 : i32
    %mul3A_13 = arith.muli %mul3A_11, %mul3A_12 : i32
    %dma_wait3A = tpu.memref_slice %arg2[%mul3A_13] : memref<393216xi32, #tpu.memory_space<hbm>> -> memref<12288xi32, #tpu.memory_space<hbm>>
    %dma_wait3A_14 = tpu.memref_slice %arg2[%mul3A_13] : memref<393216xi32, #tpu.memory_space<hbm>> -> memref<12288xi32, #tpu.memory_space<hbm>>
    tpu.wait_dma2 semaphore(%arg18 : memref<!tpu.dma_semaphore, #tpu.memory_space<semaphore_mem>>) src(%dma_wait3A_14 : memref<12288xi32, #tpu.memory_space<hbm>>) dst(%arg5 : memref<12288xi32, #tpu.memory_space<vmem>>)
    %scan3A = arith.constant 0 : i32
    %scan3A_15 = arith.constant 0 : i32
    %scan3A_16 = arith.constant 256 : i32
    %scan3A_17 = arith.addi %scan3A_15, %scan3A_16 : i32
    %scan3A_18 = arith.constant 1 : i32
    %scan3A_19 = scf.for %scan3A_137 = %scan3A_15 to %scan3A_17 step %scan3A_18 iter_args(%scan3A_138 = %scan3A) -> (i32)  : i32 {
      %jit3A = arith.constant 64 : i32
      %div3A = arith.divsi %scan3A_137, %jit3A : i32
      %sign3A = arith.constant 0 : i32
      %sign3A_139 = arith.cmpi sgt, %scan3A_137, %sign3A : i32
      %sign3A_140 = arith.extui %sign3A_139 : i1 to i32
      %sign3A_141 = arith.constant 0 : i32
      %sign3A_142 = arith.cmpi slt, %scan3A_137, %sign3A_141 : i32
      %sign3A_143 = arith.extui %sign3A_142 : i1 to i32
      %sign3A_144 = arith.subi %sign3A_140, %sign3A_143 : i32
      %sign3A_145 = arith.constant 0 : i32
      %sign3A_146 = arith.cmpi sgt, %jit3A, %sign3A_145 : i32
      %sign3A_147 = arith.extui %sign3A_146 : i1 to i32
      %sign3A_148 = arith.constant 0 : i32
      %sign3A_149 = arith.cmpi slt, %jit3A, %sign3A_148 : i32
      %sign3A_150 = arith.extui %sign3A_149 : i1 to i32
      %sign3A_151 = arith.subi %sign3A_147, %sign3A_150 : i32
      %ne3A = arith.cmpi ne, %sign3A_144, %sign3A_151 : i32
      %rem3A = arith.remsi %scan3A_137, %jit3A : i32
      %ne3A_152 = arith.constant 0 : i32
      %ne3A_153 = arith.cmpi ne, %rem3A, %ne3A_152 : i32
      %and3A = arith.andi %ne3A, %ne3A_153 : i1
      %sub3A = arith.constant 1 : i32
      %sub3A_154 = arith.subi %div3A, %sub3A : i32
      %select_n3A = arith.select %and3A, %sub3A_154, %div3A : i32
      %jit3A_155 = arith.constant 64 : i32
      %eq3A = arith.constant 0 : i32
      %eq3A_156 = arith.cmpi eq, %jit3A_155, %eq3A : i32
      %jit3A_157 = arith.constant 1 : i32
      %select_n3A_158 = arith.select %eq3A_156, %jit3A_157, %jit3A_155 : i32
      %rem3A_159 = arith.remsi %scan3A_137, %select_n3A_158 : i32
      %ne3A_160 = arith.constant 0 : i32
      %ne3A_161 = arith.cmpi ne, %rem3A_159, %ne3A_160 : i32
      %lt3A_162 = arith.constant 0 : i32
      %lt3A_163 = arith.cmpi slt, %rem3A_159, %lt3A_162 : i32
      %lt3A_164 = arith.constant 0 : i32
      %lt3A_165 = arith.cmpi slt, %select_n3A_158, %lt3A_164 : i32
      %ne3A_166 = arith.xori %lt3A_163, %lt3A_165 : i1
      %and3A_167 = arith.andi %ne3A_166, %ne3A_161 : i1
      %add3A_168 = arith.addi %rem3A_159, %select_n3A_158 : i32
      %select_n3A_169 = arith.select %and3A_167, %add3A_168, %rem3A_159 : i32
      %mul3A_170 = arith.constant 3 : i32
      %mul3A_171 = arith.muli %select_n3A, %mul3A_170 : i32
      %mul3A_172 = arith.constant 1024 : i32
      %mul3A_173 = arith.muli %mul3A_171, %mul3A_172 : i32
      %mul3A_174 = arith.constant 16 : i32
      %mul3A_175 = arith.muli %select_n3A_169, %mul3A_174 : i32
      %add3A_176 = arith.addi %mul3A_173, %mul3A_175 : i32
      %get3A = arith.index_cast %add3A_176 : i32 to index
      %get3A_177 = tpu.vector_load %arg5[%get3A] {strides = array<i32>} : memref<12288xi32, #tpu.memory_space<vmem>>, vector<16xi32>,
      %add3A_178 = arith.constant 1024 : i32
      %add3A_179 = arith.addi %add3A_176, %add3A_178 : i32
      %get3A_180 = arith.index_cast %add3A_179 : i32 to index
      %get3A_181 = tpu.vector_load %arg5[%get3A_180] {strides = array<i32>} : memref<12288xi32, #tpu.memory_space<vmem>>, vector<16xi32>,
      %add3A_182 = arith.constant 2048 : i32
      %add3A_183 = arith.addi %add3A_176, %add3A_182 : i32
      %get3A_184 = arith.index_cast %add3A_183 : i32 to index
      %get3A_185 = tpu.vector_load %arg5[%get3A_184] {strides = array<i32>} : memref<12288xi32, #tpu.memory_space<vmem>>, vector<16xi32>,
      %mul3A_186 = arith.constant 11 : i32
      %mul3A_187 = vector.broadcast %mul3A_186 : i32 to vector<16xi32>
      %mul3A_188 = arith.muli %get3A_181, %mul3A_187 : vector<16xi32>
      %add3A_189 = arith.addi %get3A_177, %mul3A_188 : vector<16xi32>
      %mul3A_190 = arith.constant 128 : i32
      %mul3A_191 = vector.broadcast %mul3A_190 : i32 to vector<16xi32>
      %mul3A_192 = arith.muli %get3A_185, %mul3A_191 : vector<16xi32>
      %add3A_193 = arith.addi %add3A_189, %mul3A_192 : vector<16xi32>
      %mul3A_194 = arith.constant 1024 : i32
      %mul3A_195 = arith.muli %select_n3A, %mul3A_194 : i32
      %mul3A_196 = arith.constant 16 : i32
      %mul3A_197 = arith.muli %select_n3A_169, %mul3A_196 : i32
      %add3A_198 = arith.addi %mul3A_195, %mul3A_197 : i32
      %swap3A = arith.index_cast %add3A_198 : i32 to index
      %swap3A_199 = tpu.vector_load %arg8[%swap3A] {strides = array<i32>} : memref<4096xi32, #tpu.memory_space<vmem>>, vector<16xi32>,
      tpu.vector_store %arg8[%swap3A], %add3A_193 {strides = array<i32>} : memref<4096xi32, #tpu.memory_space<vmem>>, vector<16xi32>,
      %scan3A_200 = arith.constant 0 : i32
      scf.yield %scan3A_200 : i32
    }
    %scan3A_20 = arith.constant 256 : i32
    %lt3A_21 = arith.constant 11 : i32
    %lt3A_22 = arith.cmpi slt, %arg1, %lt3A_21 : i32
    %convert_element_type3A_23 = arith.extui %lt3A_22 : i1 to i32
    %cond3A_24 = arith.constant 0 : i32
    %cond3A_25 = arith.cmpi ne, %convert_element_type3A_23, %cond3A_24 : i32
    scf.if %cond3A_25 {
      %mul3A_137 = arith.constant 128 : i32
      %mul3A_138 = arith.muli %arg1, %mul3A_137 : i32
      %dma_wait3A_139 = arith.constant 0 : i32
      %dma_wait3A_140 = tpu.memref_slice %arg9[%mul3A_138, %dma_wait3A_139] : memref<1408x128xf32, #tpu.memory_space<vmem_shared>> -> memref<128x128xf32, #tpu.memory_space<vmem_shared>>
      %dma_wait3A_141 = arith.constant 0 : i32
      %dma_wait3A_142 = tpu.memref_slice %arg9[%mul3A_138, %dma_wait3A_141] : memref<1408x128xf32, #tpu.memory_space<vmem_shared>> -> memref<128x128xf32, #tpu.memory_space<vmem_shared>>
      tpu.wait_dma2 semaphore(%arg19 : memref<!tpu.dma_semaphore, #tpu.memory_space<semaphore_mem>>) src(%arg7 : memref<128x128xf32, #tpu.memory_space<vmem>>) dst(%dma_wait3A_142 : memref<128x128xf32, #tpu.memory_space<vmem_shared>>)
    } else {
    }
    %barrier3A = arith.constant 0 : index
    tpu.barrier barrier_id(%barrier3A)
    %dma_start3A_26 = arith.constant 0 : i32
    %dma_start3A_27 = tpu.memref_slice %arg8[%dma_start3A_26] : memref<4096xi32, #tpu.memory_space<vmem>> -> memref<64xi32, #tpu.memory_space<vmem>>
    %dma_start3A_28 = arith.constant 0 : i32
    %dma_start3A_29 = arith.constant 0 : i32
    %dma_start3A_30 = tpu.memref_slice %arg9[%dma_start3A_28, %dma_start3A_29] : memref<1408x128xf32, #tpu.memory_space<vmem_shared>> -> memref<1408x128xf32, #tpu.memory_space<vmem_shared>>
    tpu.enqueue_indirect_dma source(%dma_start3A_30 : memref<1408x128xf32, #tpu.memory_space<vmem_shared>>) target(%arg10 : memref<64x128xf32, #tpu.memory_space<vmem>>) offsets(%dma_start3A_27 : memref<64xi32, #tpu.memory_space<vmem>>) semaphore(%arg20 : memref<!tpu.dma_semaphore, #tpu.memory_space<semaphore_mem>>)
    %dma_start3A_31 = arith.constant 64 : i32
    %dma_start3A_32 = tpu.memref_slice %arg8[%dma_start3A_31] : memref<4096xi32, #tpu.memory_space<vmem>> -> memref<64xi32, #tpu.memory_space<vmem>>
    %dma_start3A_33 = arith.constant 0 : i32
    %dma_start3A_34 = arith.constant 0 : i32
    %dma_start3A_35 = tpu.memref_slice %arg9[%dma_start3A_33, %dma_start3A_34] : memref<1408x128xf32, #tpu.memory_space<vmem_shared>> -> memref<1408x128xf32, #tpu.memory_space<vmem_shared>>
    tpu.enqueue_indirect_dma source(%dma_start3A_35 : memref<1408x128xf32, #tpu.memory_space<vmem_shared>>) target(%arg11 : memref<64x128xf32, #tpu.memory_space<vmem>>) offsets(%dma_start3A_32 : memref<64xi32, #tpu.memory_space<vmem>>) semaphore(%arg21 : memref<!tpu.dma_semaphore, #tpu.memory_space<semaphore_mem>>)
    %dma_start3A_36 = arith.constant 128 : i32
    %dma_start3A_37 = tpu.memref_slice %arg8[%dma_start3A_36] : memref<4096xi32, #tpu.memory_space<vmem>> -> memref<64xi32, #tpu.memory_space<vmem>>
    %dma_start3A_38 = arith.constant 0 : i32
    %dma_start3A_39 = arith.constant 0 : i32
    %dma_start3A_40 = tpu.memref_slice %arg9[%dma_start3A_38, %dma_start3A_39] : memref<1408x128xf32, #tpu.memory_space<vmem_shared>> -> memref<1408x128xf32, #tpu.memory_space<vmem_shared>>
    tpu.enqueue_indirect_dma source(%dma_start3A_40 : memref<1408x128xf32, #tpu.memory_space<vmem_shared>>) target(%arg12 : memref<64x128xf32, #tpu.memory_space<vmem>>) offsets(%dma_start3A_37 : memref<64xi32, #tpu.memory_space<vmem>>) semaphore(%arg22 : memref<!tpu.dma_semaphore, #tpu.memory_space<semaphore_mem>>)
    %dma_start3A_41 = arith.constant 192 : i32
    %dma_start3A_42 = tpu.memref_slice %arg8[%dma_start3A_41] : memref<4096xi32, #tpu.memory_space<vmem>> -> memref<64xi32, #tpu.memory_space<vmem>>
    %dma_start3A_43 = arith.constant 0 : i32
    %dma_start3A_44 = arith.constant 0 : i32
    %dma_start3A_45 = tpu.memref_slice %arg9[%dma_start3A_43, %dma_start3A_44] : memref<1408x128xf32, #tpu.memory_space<vmem_shared>> -> memref<1408x128xf32, #tpu.memory_space<vmem_shared>>
    tpu.enqueue_indirect_dma source(%dma_start3A_45 : memref<1408x128xf32, #tpu.memory_space<vmem_shared>>) target(%arg13 : memref<64x128xf32, #tpu.memory_space<vmem>>) offsets(%dma_start3A_42 : memref<64xi32, #tpu.memory_space<vmem>>) semaphore(%arg23 : memref<!tpu.dma_semaphore, #tpu.memory_space<semaphore_mem>>)
    %dma_start3A_46 = arith.constant 256 : i32
    %dma_start3A_47 = tpu.memref_slice %arg8[%dma_start3A_46] : memref<4096xi32, #tpu.memory_space<vmem>> -> memref<64xi32, #tpu.memory_space<vmem>>
    %dma_start3A_48 = arith.constant 0 : i32
    %dma_start3A_49 = arith.constant 0 : i32
    %dma_start3A_50 = tpu.memref_slice %arg9[%dma_start3A_48, %dma_start3A_49] : memref<1408x128xf32, #tpu.memory_space<vmem_shared>> -> memref<1408x128xf32, #tpu.memory_space<vmem_shared>>
    tpu.enqueue_indirect_dma source(%dma_start3A_50 : memref<1408x128xf32, #tpu.memory_space<vmem_shared>>) target(%arg14 : memref<64x128xf32, #tpu.memory_space<vmem>>) offsets(%dma_start3A_47 : memref<64xi32, #tpu.memory_space<vmem>>) semaphore(%arg24 : memref<!tpu.dma_semaphore, #tpu.memory_space<semaphore_mem>>)
    %dma_start3A_51 = arith.constant 320 : i32
    %dma_start3A_52 = tpu.memref_slice %arg8[%dma_start3A_51] : memref<4096xi32, #tpu.memory_space<vmem>> -> memref<64xi32, #tpu.memory_space<vmem>>
    %dma_start3A_53 = arith.constant 0 : i32
    %dma_start3A_54 = arith.constant 0 : i32
    %dma_start3A_55 = tpu.memref_slice %arg9[%dma_start3A_53, %dma_start3A_54] : memref<1408x128xf32, #tpu.memory_space<vmem_shared>> -> memref<1408x128xf32, #tpu.memory_space<vmem_shared>>
    tpu.enqueue_indirect_dma source(%dma_start3A_55 : memref<1408x128xf32, #tpu.memory_space<vmem_shared>>) target(%arg15 : memref<64x128xf32, #tpu.memory_space<vmem>>) offsets(%dma_start3A_52 : memref<64xi32, #tpu.memory_space<vmem>>) semaphore(%arg25 : memref<!tpu.dma_semaphore, #tpu.memory_space<semaphore_mem>>)
    %dma_start3A_56 = arith.constant 384 : i32
    %dma_start3A_57 = tpu.memref_slice %arg8[%dma_start3A_56] : memref<4096xi32, #tpu.memory_space<vmem>> -> memref<64xi32, #tpu.memory_space<vmem>>
    %dma_start3A_58 = arith.constant 0 : i32
    %dma_start3A_59 = arith.constant 0 : i32
    %dma_start3A_60 = tpu.memref_slice %arg9[%dma_start3A_58, %dma_start3A_59] : memref<1408x128xf32, #tpu.memory_space<vmem_shared>> -> memref<1408x128xf32, #tpu.memory_space<vmem_shared>>
    tpu.enqueue_indirect_dma source(%dma_start3A_60 : memref<1408x128xf32, #tpu.memory_space<vmem_shared>>) target(%arg16 : memref<64x128xf32, #tpu.memory_space<vmem>>) offsets(%dma_start3A_57 : memref<64xi32, #tpu.memory_space<vmem>>) semaphore(%arg26 : memref<!tpu.dma_semaphore, #tpu.memory_space<semaphore_mem>>)
    %dma_start3A_61 = arith.constant 448 : i32
    %dma_start3A_62 = tpu.memref_slice %arg8[%dma_start3A_61] : memref<4096xi32, #tpu.memory_space<vmem>> -> memref<64xi32, #tpu.memory_space<vmem>>
    %dma_start3A_63 = arith.constant 0 : i32
    %dma_start3A_64 = arith.constant 0 : i32
    %dma_start3A_65 = tpu.memref_slice %arg9[%dma_start3A_63, %dma_start3A_64] : memref<1408x128xf32, #tpu.memory_space<vmem_shared>> -> memref<1408x128xf32, #tpu.memory_space<vmem_shared>>
    tpu.enqueue_indirect_dma source(%dma_start3A_65 : memref<1408x128xf32, #tpu.memory_space<vmem_shared>>) target(%arg17 : memref<64x128xf32, #tpu.memory_space<vmem>>) offsets(%dma_start3A_62 : memref<64xi32, #tpu.memory_space<vmem>>) semaphore(%arg27 : memref<!tpu.dma_semaphore, #tpu.memory_space<semaphore_mem>>)
    %scan3A_66 = arith.constant 0 : i32
    %scan3A_67 = arith.constant 0 : i32
    %scan3A_68 = arith.constant 8 : i32
    %scan3A_69 = arith.addi %scan3A_67, %scan3A_68 : i32
    %scan3A_70 = arith.constant 1 : i32
    %scan3A_71 = scf.for %scan3A_137 = %scan3A_67 to %scan3A_69 step %scan3A_70 iter_args(%scan3A_138 = %scan3A_66) -> (i32)  : i32 {
      %mul3A_139 = arith.constant 8 : i32
      %mul3A_140 = arith.muli %scan3A_137, %mul3A_139 : i32
      %add3A_141 = arith.constant 0 : i32
      %add3A_142 = arith.addi %mul3A_140, %add3A_141 : i32
      %mul3A_143 = arith.constant 64 : i32
      %mul3A_144 = arith.muli %add3A_142, %mul3A_143 : i32
      %dma_wait3A_145 = tpu.memref_slice %arg8[%mul3A_144] : memref<4096xi32, #tpu.memory_space<vmem>> -> memref<64xi32, #tpu.memory_space<vmem>>
      %dma_wait3A_146 = arith.constant 0 : i32
      %dma_wait3A_147 = arith.constant 0 : i32
      %dma_wait3A_148 = tpu.memref_slice %arg9[%dma_wait3A_146, %dma_wait3A_147] : memref<1408x128xf32, #tpu.memory_space<vmem_shared>> -> memref<1408x128xf32, #tpu.memory_space<vmem_shared>>
      tpu.wait_indirect_dma semaphore(%arg20 : memref<!tpu.dma_semaphore, #tpu.memory_space<semaphore_mem>>) src(%dma_wait3A_148 : memref<1408x128xf32, #tpu.memory_space<vmem_shared>>) dst(%arg10 : memref<64x128xf32, #tpu.memory_space<vmem>>)
      %mul3A_149 = arith.constant 1024 : i32
      %mul3A_150 = arith.muli %mul3A_2, %mul3A_149 : i32
      %mul3A_151 = arith.constant 64 : i32
      %mul3A_152 = arith.muli %add3A_142, %mul3A_151 : i32
      %add3A_153 = arith.addi %mul3A_150, %mul3A_152 : i32
      %dma_start3A_154 = arith.constant 0 : i32
      %dma_start3A_155 = tpu.memref_slice %arg4[%add3A_153, %dma_start3A_154] : memref<131072x128xf32, #tpu.memory_space<hbm>> -> memref<64x128xf32, #tpu.memory_space<hbm>>
      %dma_start3A_156 = arith.constant 0 : i32
      %dma_start3A_157 = tpu.memref_slice %arg4[%add3A_153, %dma_start3A_156] : memref<131072x128xf32, #tpu.memory_space<hbm>> -> memref<64x128xf32, #tpu.memory_space<hbm>>
      tpu.enqueue_dma source(%arg10 : memref<64x128xf32, #tpu.memory_space<vmem>>) target(%dma_start3A_157 : memref<64x128xf32, #tpu.memory_space<hbm>>) target_semaphore(%arg28 : memref<!tpu.dma_semaphore, #tpu.memory_space<semaphore_mem>>)
      %lt3A_158 = arith.constant 7 : i32
      %lt3A_159 = arith.cmpi slt, %scan3A_137, %lt3A_158 : i32
      %convert_element_type3A_160 = arith.extui %lt3A_159 : i1 to i32
      %cond3A_161 = arith.constant 0 : i32
      %cond3A_162 = arith.cmpi ne, %convert_element_type3A_160, %cond3A_161 : i32
      scf.if %cond3A_162 {
        %mul3A_332 = arith.constant 1024 : i32
        %mul3A_333 = arith.muli %mul3A_2, %mul3A_332 : i32
        %mul3A_334 = arith.constant 64 : i32
        %mul3A_335 = arith.muli %add3A_142, %mul3A_334 : i32
        %add3A_336 = arith.addi %mul3A_333, %mul3A_335 : i32
        %dma_wait3A_337 = arith.constant 0 : i32
        %dma_wait3A_338 = tpu.memref_slice %arg4[%add3A_336, %dma_wait3A_337] : memref<131072x128xf32, #tpu.memory_space<hbm>> -> memref<64x128xf32, #tpu.memory_space<hbm>>
        %dma_wait3A_339 = arith.constant 0 : i32
        %dma_wait3A_340 = tpu.memref_slice %arg4[%add3A_336, %dma_wait3A_339] : memref<131072x128xf32, #tpu.memory_space<hbm>> -> memref<64x128xf32, #tpu.memory_space<hbm>>
        tpu.wait_dma2 semaphore(%arg28 : memref<!tpu.dma_semaphore, #tpu.memory_space<semaphore_mem>>) src(%arg10 : memref<64x128xf32, #tpu.memory_space<vmem>>) dst(%dma_wait3A_340 : memref<64x128xf32, #tpu.memory_space<hbm>>)
        %add3A_341 = arith.constant 8 : i32
        %add3A_342 = arith.addi %add3A_142, %add3A_341 : i32
        %mul3A_343 = arith.constant 64 : i32
        %mul3A_344 = arith.muli %add3A_342, %mul3A_343 : i32
        %dma_start3A_345 = tpu.memref_slice %arg8[%mul3A_344] : memref<4096xi32, #tpu.memory_space<vmem>> -> memref<64xi32, #tpu.memory_space<vmem>>
        %dma_start3A_346 = arith.constant 0 : i32
        %dma_start3A_347 = arith.constant 0 : i32
        %dma_start3A_348 = tpu.memref_slice %arg9[%dma_start3A_346, %dma_start3A_347] : memref<1408x128xf32, #tpu.memory_space<vmem_shared>> -> memref<1408x128xf32, #tpu.memory_space<vmem_shared>>
        tpu.enqueue_indirect_dma source(%dma_start3A_348 : memref<1408x128xf32, #tpu.memory_space<vmem_shared>>) target(%arg10 : memref<64x128xf32, #tpu.memory_space<vmem>>) offsets(%dma_start3A_345 : memref<64xi32, #tpu.memory_space<vmem>>) semaphore(%arg20 : memref<!tpu.dma_semaphore, #tpu.memory_space<semaphore_mem>>)
      } else {
      }
      %mul3A_163 = arith.constant 8 : i32
      %mul3A_164 = arith.muli %scan3A_137, %mul3A_163 : i32
      %add3A_165 = arith.constant 1 : i32
      %add3A_166 = arith.addi %mul3A_164, %add3A_165 : i32
      %mul3A_167 = arith.constant 64 : i32
      %mul3A_168 = arith.muli %add3A_166, %mul3A_167 : i32
      %dma_wait3A_169 = tpu.memref_slice %arg8[%mul3A_168] : memref<4096xi32, #tpu.memory_space<vmem>> -> memref<64xi32, #tpu.memory_space<vmem>>
      %dma_wait3A_170 = arith.constant 0 : i32
      %dma_wait3A_171 = arith.constant 0 : i32
      %dma_wait3A_172 = tpu.memref_slice %arg9[%dma_wait3A_170, %dma_wait3A_171] : memref<1408x128xf32, #tpu.memory_space<vmem_shared>> -> memref<1408x128xf32, #tpu.memory_space<vmem_shared>>
      tpu.wait_indirect_dma semaphore(%arg21 : memref<!tpu.dma_semaphore, #tpu.memory_space<semaphore_mem>>) src(%dma_wait3A_172 : memref<1408x128xf32, #tpu.memory_space<vmem_shared>>) dst(%arg11 : memref<64x128xf32, #tpu.memory_space<vmem>>)
      %mul3A_173 = arith.constant 1024 : i32
      %mul3A_174 = arith.muli %mul3A_2, %mul3A_173 : i32
      %mul3A_175 = arith.constant 64 : i32
      %mul3A_176 = arith.muli %add3A_166, %mul3A_175 : i32
      %add3A_177 = arith.addi %mul3A_174, %mul3A_176 : i32
      %dma_start3A_178 = arith.constant 0 : i32
      %dma_start3A_179 = tpu.memref_slice %arg4[%add3A_177, %dma_start3A_178] : memref<131072x128xf32, #tpu.memory_space<hbm>> -> memref<64x128xf32, #tpu.memory_space<hbm>>
      %dma_start3A_180 = arith.constant 0 : i32
      %dma_start3A_181 = tpu.memref_slice %arg4[%add3A_177, %dma_start3A_180] : memref<131072x128xf32, #tpu.memory_space<hbm>> -> memref<64x128xf32, #tpu.memory_space<hbm>>
      tpu.enqueue_dma source(%arg11 : memref<64x128xf32, #tpu.memory_space<vmem>>) target(%dma_start3A_181 : memref<64x128xf32, #tpu.memory_space<hbm>>) target_semaphore(%arg29 : memref<!tpu.dma_semaphore, #tpu.memory_space<semaphore_mem>>)
      %lt3A_182 = arith.constant 7 : i32
      %lt3A_183 = arith.cmpi slt, %scan3A_137, %lt3A_182 : i32
      %convert_element_type3A_184 = arith.extui %lt3A_183 : i1 to i32
      %cond3A_185 = arith.constant 0 : i32
      %cond3A_186 = arith.cmpi ne, %convert_element_type3A_184, %cond3A_185 : i32
      scf.if %cond3A_186 {
        %mul3A_332 = arith.constant 1024 : i32
        %mul3A_333 = arith.muli %mul3A_2, %mul3A_332 : i32
        %mul3A_334 = arith.constant 64 : i32
        %mul3A_335 = arith.muli %add3A_166, %mul3A_334 : i32
        %add3A_336 = arith.addi %mul3A_333, %mul3A_335 : i32
        %dma_wait3A_337 = arith.constant 0 : i32
        %dma_wait3A_338 = tpu.memref_slice %arg4[%add3A_336, %dma_wait3A_337] : memref<131072x128xf32, #tpu.memory_space<hbm>> -> memref<64x128xf32, #tpu.memory_space<hbm>>
        %dma_wait3A_339 = arith.constant 0 : i32
        %dma_wait3A_340 = tpu.memref_slice %arg4[%add3A_336, %dma_wait3A_339] : memref<131072x128xf32, #tpu.memory_space<hbm>> -> memref<64x128xf32, #tpu.memory_space<hbm>>
        tpu.wait_dma2 semaphore(%arg29 : memref<!tpu.dma_semaphore, #tpu.memory_space<semaphore_mem>>) src(%arg11 : memref<64x128xf32, #tpu.memory_space<vmem>>) dst(%dma_wait3A_340 : memref<64x128xf32, #tpu.memory_space<hbm>>)
        %add3A_341 = arith.constant 8 : i32
        %add3A_342 = arith.addi %add3A_166, %add3A_341 : i32
        %mul3A_343 = arith.constant 64 : i32
        %mul3A_344 = arith.muli %add3A_342, %mul3A_343 : i32
        %dma_start3A_345 = tpu.memref_slice %arg8[%mul3A_344] : memref<4096xi32, #tpu.memory_space<vmem>> -> memref<64xi32, #tpu.memory_space<vmem>>
        %dma_start3A_346 = arith.constant 0 : i32
        %dma_start3A_347 = arith.constant 0 : i32
        %dma_start3A_348 = tpu.memref_slice %arg9[%dma_start3A_346, %dma_start3A_347] : memref<1408x128xf32, #tpu.memory_space<vmem_shared>> -> memref<1408x128xf32, #tpu.memory_space<vmem_shared>>
        tpu.enqueue_indirect_dma source(%dma_start3A_348 : memref<1408x128xf32, #tpu.memory_space<vmem_shared>>) target(%arg11 : memref<64x128xf32, #tpu.memory_space<vmem>>) offsets(%dma_start3A_345 : memref<64xi32, #tpu.memory_space<vmem>>) semaphore(%arg21 : memref<!tpu.dma_semaphore, #tpu.memory_space<semaphore_mem>>)
      } else {
      }
      %mul3A_187 = arith.constant 8 : i32
      %mul3A_188 = arith.muli %scan3A_137, %mul3A_187 : i32
      %add3A_189 = arith.constant 2 : i32
      %add3A_190 = arith.addi %mul3A_188, %add3A_189 : i32
      %mul3A_191 = arith.constant 64 : i32
      %mul3A_192 = arith.muli %add3A_190, %mul3A_191 : i32
      %dma_wait3A_193 = tpu.memref_slice %arg8[%mul3A_192] : memref<4096xi32, #tpu.memory_space<vmem>> -> memref<64xi32, #tpu.memory_space<vmem>>
      %dma_wait3A_194 = arith.constant 0 : i32
      %dma_wait3A_195 = arith.constant 0 : i32
      %dma_wait3A_196 = tpu.memref_slice %arg9[%dma_wait3A_194, %dma_wait3A_195] : memref<1408x128xf32, #tpu.memory_space<vmem_shared>> -> memref<1408x128xf32, #tpu.memory_space<vmem_shared>>
      tpu.wait_indirect_dma semaphore(%arg22 : memref<!tpu.dma_semaphore, #tpu.memory_space<semaphore_mem>>) src(%dma_wait3A_196 : memref<1408x128xf32, #tpu.memory_space<vmem_shared>>) dst(%arg12 : memref<64x128xf32, #tpu.memory_space<vmem>>)
      %mul3A_197 = arith.constant 1024 : i32
      %mul3A_198 = arith.muli %mul3A_2, %mul3A_197 : i32
      %mul3A_199 = arith.constant 64 : i32
      %mul3A_200 = arith.muli %add3A_190, %mul3A_199 : i32
      %add3A_201 = arith.addi %mul3A_198, %mul3A_200 : i32
      %dma_start3A_202 = arith.constant 0 : i32
      %dma_start3A_203 = tpu.memref_slice %arg4[%add3A_201, %dma_start3A_202] : memref<131072x128xf32, #tpu.memory_space<hbm>> -> memref<64x128xf32, #tpu.memory_space<hbm>>
      %dma_start3A_204 = arith.constant 0 : i32
      %dma_start3A_205 = tpu.memref_slice %arg4[%add3A_201, %dma_start3A_204] : memref<131072x128xf32, #tpu.memory_space<hbm>> -> memref<64x128xf32, #tpu.memory_space<hbm>>
      tpu.enqueue_dma source(%arg12 : memref<64x128xf32, #tpu.memory_space<vmem>>) target(%dma_start3A_205 : memref<64x128xf32, #tpu.memory_space<hbm>>) target_semaphore(%arg30 : memref<!tpu.dma_semaphore, #tpu.memory_space<semaphore_mem>>)
      %lt3A_206 = arith.constant 7 : i32
      %lt3A_207 = arith.cmpi slt, %scan3A_137, %lt3A_206 : i32
      %convert_element_type3A_208 = arith.extui %lt3A_207 : i1 to i32
      %cond3A_209 = arith.constant 0 : i32
      %cond3A_210 = arith.cmpi ne, %convert_element_type3A_208, %cond3A_209 : i32
      scf.if %cond3A_210 {
        %mul3A_332 = arith.constant 1024 : i32
        %mul3A_333 = arith.muli %mul3A_2, %mul3A_332 : i32
        %mul3A_334 = arith.constant 64 : i32
        %mul3A_335 = arith.muli %add3A_190, %mul3A_334 : i32
        %add3A_336 = arith.addi %mul3A_333, %mul3A_335 : i32
        %dma_wait3A_337 = arith.constant 0 : i32
        %dma_wait3A_338 = tpu.memref_slice %arg4[%add3A_336, %dma_wait3A_337] : memref<131072x128xf32, #tpu.memory_space<hbm>> -> memref<64x128xf32, #tpu.memory_space<hbm>>
        %dma_wait3A_339 = arith.constant 0 : i32
        %dma_wait3A_340 = tpu.memref_slice %arg4[%add3A_336, %dma_wait3A_339] : memref<131072x128xf32, #tpu.memory_space<hbm>> -> memref<64x128xf32, #tpu.memory_space<hbm>>
        tpu.wait_dma2 semaphore(%arg30 : memref<!tpu.dma_semaphore, #tpu.memory_space<semaphore_mem>>) src(%arg12 : memref<64x128xf32, #tpu.memory_space<vmem>>) dst(%dma_wait3A_340 : memref<64x128xf32, #tpu.memory_space<hbm>>)
        %add3A_341 = arith.constant 8 : i32
        %add3A_342 = arith.addi %add3A_190, %add3A_341 : i32
        %mul3A_343 = arith.constant 64 : i32
        %mul3A_344 = arith.muli %add3A_342, %mul3A_343 : i32
        %dma_start3A_345 = tpu.memref_slice %arg8[%mul3A_344] : memref<4096xi32, #tpu.memory_space<vmem>> -> memref<64xi32, #tpu.memory_space<vmem>>
        %dma_start3A_346 = arith.constant 0 : i32
        %dma_start3A_347 = arith.constant 0 : i32
        %dma_start3A_348 = tpu.memref_slice %arg9[%dma_start3A_346, %dma_start3A_347] : memref<1408x128xf32, #tpu.memory_space<vmem_shared>> -> memref<1408x128xf32, #tpu.memory_space<vmem_shared>>
        tpu.enqueue_indirect_dma source(%dma_start3A_348 : memref<1408x128xf32, #tpu.memory_space<vmem_shared>>) target(%arg12 : memref<64x128xf32, #tpu.memory_space<vmem>>) offsets(%dma_start3A_345 : memref<64xi32, #tpu.memory_space<vmem>>) semaphore(%arg22 : memref<!tpu.dma_semaphore, #tpu.memory_space<semaphore_mem>>)
      } else {
      }
      %mul3A_211 = arith.constant 8 : i32
      %mul3A_212 = arith.muli %scan3A_137, %mul3A_211 : i32
      %add3A_213 = arith.constant 3 : i32
      %add3A_214 = arith.addi %mul3A_212, %add3A_213 : i32
      %mul3A_215 = arith.constant 64 : i32
      %mul3A_216 = arith.muli %add3A_214, %mul3A_215 : i32
      %dma_wait3A_217 = tpu.memref_slice %arg8[%mul3A_216] : memref<4096xi32, #tpu.memory_space<vmem>> -> memref<64xi32, #tpu.memory_space<vmem>>
      %dma_wait3A_218 = arith.constant 0 : i32
      %dma_wait3A_219 = arith.constant 0 : i32
      %dma_wait3A_220 = tpu.memref_slice %arg9[%dma_wait3A_218, %dma_wait3A_219] : memref<1408x128xf32, #tpu.memory_space<vmem_shared>> -> memref<1408x128xf32, #tpu.memory_space<vmem_shared>>
      tpu.wait_indirect_dma semaphore(%arg23 : memref<!tpu.dma_semaphore, #tpu.memory_space<semaphore_mem>>) src(%dma_wait3A_220 : memref<1408x128xf32, #tpu.memory_space<vmem_shared>>) dst(%arg13 : memref<64x128xf32, #tpu.memory_space<vmem>>)
      %mul3A_221 = arith.constant 1024 : i32
      %mul3A_222 = arith.muli %mul3A_2, %mul3A_221 : i32
      %mul3A_223 = arith.constant 64 : i32
      %mul3A_224 = arith.muli %add3A_214, %mul3A_223 : i32
      %add3A_225 = arith.addi %mul3A_222, %mul3A_224 : i32
      %dma_start3A_226 = arith.constant 0 : i32
      %dma_start3A_227 = tpu.memref_slice %arg4[%add3A_225, %dma_start3A_226] : memref<131072x128xf32, #tpu.memory_space<hbm>> -> memref<64x128xf32, #tpu.memory_space<hbm>>
      %dma_start3A_228 = arith.constant 0 : i32
      %dma_start3A_229 = tpu.memref_slice %arg4[%add3A_225, %dma_start3A_228] : memref<131072x128xf32, #tpu.memory_space<hbm>> -> memref<64x128xf32, #tpu.memory_space<hbm>>
      tpu.enqueue_dma source(%arg13 : memref<64x128xf32, #tpu.memory_space<vmem>>) target(%dma_start3A_229 : memref<64x128xf32, #tpu.memory_space<hbm>>) target_semaphore(%arg31 : memref<!tpu.dma_semaphore, #tpu.memory_space<semaphore_mem>>)
      %lt3A_230 = arith.constant 7 : i32
      %lt3A_231 = arith.cmpi slt, %scan3A_137, %lt3A_230 : i32
      %convert_element_type3A_232 = arith.extui %lt3A_231 : i1 to i32
      %cond3A_233 = arith.constant 0 : i32
      %cond3A_234 = arith.cmpi ne, %convert_element_type3A_232, %cond3A_233 : i32
      scf.if %cond3A_234 {
        %mul3A_332 = arith.constant 1024 : i32
        %mul3A_333 = arith.muli %mul3A_2, %mul3A_332 : i32
        %mul3A_334 = arith.constant 64 : i32
        %mul3A_335 = arith.muli %add3A_214, %mul3A_334 : i32
        %add3A_336 = arith.addi %mul3A_333, %mul3A_335 : i32
        %dma_wait3A_337 = arith.constant 0 : i32
        %dma_wait3A_338 = tpu.memref_slice %arg4[%add3A_336, %dma_wait3A_337] : memref<131072x128xf32, #tpu.memory_space<hbm>> -> memref<64x128xf32, #tpu.memory_space<hbm>>
        %dma_wait3A_339 = arith.constant 0 : i32
        %dma_wait3A_340 = tpu.memref_slice %arg4[%add3A_336, %dma_wait3A_339] : memref<131072x128xf32, #tpu.memory_space<hbm>> -> memref<64x128xf32, #tpu.memory_space<hbm>>
        tpu.wait_dma2 semaphore(%arg31 : memref<!tpu.dma_semaphore, #tpu.memory_space<semaphore_mem>>) src(%arg13 : memref<64x128xf32, #tpu.memory_space<vmem>>) dst(%dma_wait3A_340 : memref<64x128xf32, #tpu.memory_space<hbm>>)
        %add3A_341 = arith.constant 8 : i32
        %add3A_342 = arith.addi %add3A_214, %add3A_341 : i32
        %mul3A_343 = arith.constant 64 : i32
        %mul3A_344 = arith.muli %add3A_342, %mul3A_343 : i32
        %dma_start3A_345 = tpu.memref_slice %arg8[%mul3A_344] : memref<4096xi32, #tpu.memory_space<vmem>> -> memref<64xi32, #tpu.memory_space<vmem>>
        %dma_start3A_346 = arith.constant 0 : i32
        %dma_start3A_347 = arith.constant 0 : i32
        %dma_start3A_348 = tpu.memref_slice %arg9[%dma_start3A_346, %dma_start3A_347] : memref<1408x128xf32, #tpu.memory_space<vmem_shared>> -> memref<1408x128xf32, #tpu.memory_space<vmem_shared>>
        tpu.enqueue_indirect_dma source(%dma_start3A_348 : memref<1408x128xf32, #tpu.memory_space<vmem_shared>>) target(%arg13 : memref<64x128xf32, #tpu.memory_space<vmem>>) offsets(%dma_start3A_345 : memref<64xi32, #tpu.memory_space<vmem>>) semaphore(%arg23 : memref<!tpu.dma_semaphore, #tpu.memory_space<semaphore_mem>>)
      } else {
      }
      %mul3A_235 = arith.constant 8 : i32
      %mul3A_236 = arith.muli %scan3A_137, %mul3A_235 : i32
      %add3A_237 = arith.constant 4 : i32
      %add3A_238 = arith.addi %mul3A_236, %add3A_237 : i32
      %mul3A_239 = arith.constant 64 : i32
      %mul3A_240 = arith.muli %add3A_238, %mul3A_239 : i32
      %dma_wait3A_241 = tpu.memref_slice %arg8[%mul3A_240] : memref<4096xi32, #tpu.memory_space<vmem>> -> memref<64xi32, #tpu.memory_space<vmem>>
      %dma_wait3A_242 = arith.constant 0 : i32
      %dma_wait3A_243 = arith.constant 0 : i32
      %dma_wait3A_244 = tpu.memref_slice %arg9[%dma_wait3A_242, %dma_wait3A_243] : memref<1408x128xf32, #tpu.memory_space<vmem_shared>> -> memref<1408x128xf32, #tpu.memory_space<vmem_shared>>
      tpu.wait_indirect_dma semaphore(%arg24 : memref<!tpu.dma_semaphore, #tpu.memory_space<semaphore_mem>>) src(%dma_wait3A_244 : memref<1408x128xf32, #tpu.memory_space<vmem_shared>>) dst(%arg14 : memref<64x128xf32, #tpu.memory_space<vmem>>)
      %mul3A_245 = arith.constant 1024 : i32
      %mul3A_246 = arith.muli %mul3A_2, %mul3A_245 : i32
      %mul3A_247 = arith.constant 64 : i32
      %mul3A_248 = arith.muli %add3A_238, %mul3A_247 : i32
      %add3A_249 = arith.addi %mul3A_246, %mul3A_248 : i32
      %dma_start3A_250 = arith.constant 0 : i32
      %dma_start3A_251 = tpu.memref_slice %arg4[%add3A_249, %dma_start3A_250] : memref<131072x128xf32, #tpu.memory_space<hbm>> -> memref<64x128xf32, #tpu.memory_space<hbm>>
      %dma_start3A_252 = arith.constant 0 : i32
      %dma_start3A_253 = tpu.memref_slice %arg4[%add3A_249, %dma_start3A_252] : memref<131072x128xf32, #tpu.memory_space<hbm>> -> memref<64x128xf32, #tpu.memory_space<hbm>>
      tpu.enqueue_dma source(%arg14 : memref<64x128xf32, #tpu.memory_space<vmem>>) target(%dma_start3A_253 : memref<64x128xf32, #tpu.memory_space<hbm>>) target_semaphore(%arg32 : memref<!tpu.dma_semaphore, #tpu.memory_space<semaphore_mem>>)
      %lt3A_254 = arith.constant 7 : i32
      %lt3A_255 = arith.cmpi slt, %scan3A_137, %lt3A_254 : i32
      %convert_element_type3A_256 = arith.extui %lt3A_255 : i1 to i32
      %cond3A_257 = arith.constant 0 : i32
      %cond3A_258 = arith.cmpi ne, %convert_element_type3A_256, %cond3A_257 : i32
      scf.if %cond3A_258 {
        %mul3A_332 = arith.constant 1024 : i32
        %mul3A_333 = arith.muli %mul3A_2, %mul3A_332 : i32
        %mul3A_334 = arith.constant 64 : i32
        %mul3A_335 = arith.muli %add3A_238, %mul3A_334 : i32
        %add3A_336 = arith.addi %mul3A_333, %mul3A_335 : i32
        %dma_wait3A_337 = arith.constant 0 : i32
        %dma_wait3A_338 = tpu.memref_slice %arg4[%add3A_336, %dma_wait3A_337] : memref<131072x128xf32, #tpu.memory_space<hbm>> -> memref<64x128xf32, #tpu.memory_space<hbm>>
        %dma_wait3A_339 = arith.constant 0 : i32
        %dma_wait3A_340 = tpu.memref_slice %arg4[%add3A_336, %dma_wait3A_339] : memref<131072x128xf32, #tpu.memory_space<hbm>> -> memref<64x128xf32, #tpu.memory_space<hbm>>
        tpu.wait_dma2 semaphore(%arg32 : memref<!tpu.dma_semaphore, #tpu.memory_space<semaphore_mem>>) src(%arg14 : memref<64x128xf32, #tpu.memory_space<vmem>>) dst(%dma_wait3A_340 : memref<64x128xf32, #tpu.memory_space<hbm>>)
        %add3A_341 = arith.constant 8 : i32
        %add3A_342 = arith.addi %add3A_238, %add3A_341 : i32
        %mul3A_343 = arith.constant 64 : i32
        %mul3A_344 = arith.muli %add3A_342, %mul3A_343 : i32
        %dma_start3A_345 = tpu.memref_slice %arg8[%mul3A_344] : memref<4096xi32, #tpu.memory_space<vmem>> -> memref<64xi32, #tpu.memory_space<vmem>>
        %dma_start3A_346 = arith.constant 0 : i32
        %dma_start3A_347 = arith.constant 0 : i32
        %dma_start3A_348 = tpu.memref_slice %arg9[%dma_start3A_346, %dma_start3A_347] : memref<1408x128xf32, #tpu.memory_space<vmem_shared>> -> memref<1408x128xf32, #tpu.memory_space<vmem_shared>>
        tpu.enqueue_indirect_dma source(%dma_start3A_348 : memref<1408x128xf32, #tpu.memory_space<vmem_shared>>) target(%arg14 : memref<64x128xf32, #tpu.memory_space<vmem>>) offsets(%dma_start3A_345 : memref<64xi32, #tpu.memory_space<vmem>>) semaphore(%arg24 : memref<!tpu.dma_semaphore, #tpu.memory_space<semaphore_mem>>)
      } else {
      }
      %mul3A_259 = arith.constant 8 : i32
      %mul3A_260 = arith.muli %scan3A_137, %mul3A_259 : i32
      %add3A_261 = arith.constant 5 : i32
      %add3A_262 = arith.addi %mul3A_260, %add3A_261 : i32
      %mul3A_263 = arith.constant 64 : i32
      %mul3A_264 = arith.muli %add3A_262, %mul3A_263 : i32
      %dma_wait3A_265 = tpu.memref_slice %arg8[%mul3A_264] : memref<4096xi32, #tpu.memory_space<vmem>> -> memref<64xi32, #tpu.memory_space<vmem>>
      %dma_wait3A_266 = arith.constant 0 : i32
      %dma_wait3A_267 = arith.constant 0 : i32
      %dma_wait3A_268 = tpu.memref_slice %arg9[%dma_wait3A_266, %dma_wait3A_267] : memref<1408x128xf32, #tpu.memory_space<vmem_shared>> -> memref<1408x128xf32, #tpu.memory_space<vmem_shared>>
      tpu.wait_indirect_dma semaphore(%arg25 : memref<!tpu.dma_semaphore, #tpu.memory_space<semaphore_mem>>) src(%dma_wait3A_268 : memref<1408x128xf32, #tpu.memory_space<vmem_shared>>) dst(%arg15 : memref<64x128xf32, #tpu.memory_space<vmem>>)
      %mul3A_269 = arith.constant 1024 : i32
      %mul3A_270 = arith.muli %mul3A_2, %mul3A_269 : i32
      %mul3A_271 = arith.constant 64 : i32
      %mul3A_272 = arith.muli %add3A_262, %mul3A_271 : i32
      %add3A_273 = arith.addi %mul3A_270, %mul3A_272 : i32
      %dma_start3A_274 = arith.constant 0 : i32
      %dma_start3A_275 = tpu.memref_slice %arg4[%add3A_273, %dma_start3A_274] : memref<131072x128xf32, #tpu.memory_space<hbm>> -> memref<64x128xf32, #tpu.memory_space<hbm>>
      %dma_start3A_276 = arith.constant 0 : i32
      %dma_start3A_277 = tpu.memref_slice %arg4[%add3A_273, %dma_start3A_276] : memref<131072x128xf32, #tpu.memory_space<hbm>> -> memref<64x128xf32, #tpu.memory_space<hbm>>
      tpu.enqueue_dma source(%arg15 : memref<64x128xf32, #tpu.memory_space<vmem>>) target(%dma_start3A_277 : memref<64x128xf32, #tpu.memory_space<hbm>>) target_semaphore(%arg33 : memref<!tpu.dma_semaphore, #tpu.memory_space<semaphore_mem>>)
      %lt3A_278 = arith.constant 7 : i32
      %lt3A_279 = arith.cmpi slt, %scan3A_137, %lt3A_278 : i32
      %convert_element_type3A_280 = arith.extui %lt3A_279 : i1 to i32
      %cond3A_281 = arith.constant 0 : i32
      %cond3A_282 = arith.cmpi ne, %convert_element_type3A_280, %cond3A_281 : i32
      scf.if %cond3A_282 {
        %mul3A_332 = arith.constant 1024 : i32
        %mul3A_333 = arith.muli %mul3A_2, %mul3A_332 : i32
        %mul3A_334 = arith.constant 64 : i32
        %mul3A_335 = arith.muli %add3A_262, %mul3A_334 : i32
        %add3A_336 = arith.addi %mul3A_333, %mul3A_335 : i32
        %dma_wait3A_337 = arith.constant 0 : i32
        %dma_wait3A_338 = tpu.memref_slice %arg4[%add3A_336, %dma_wait3A_337] : memref<131072x128xf32, #tpu.memory_space<hbm>> -> memref<64x128xf32, #tpu.memory_space<hbm>>
        %dma_wait3A_339 = arith.constant 0 : i32
        %dma_wait3A_340 = tpu.memref_slice %arg4[%add3A_336, %dma_wait3A_339] : memref<131072x128xf32, #tpu.memory_space<hbm>> -> memref<64x128xf32, #tpu.memory_space<hbm>>
        tpu.wait_dma2 semaphore(%arg33 : memref<!tpu.dma_semaphore, #tpu.memory_space<semaphore_mem>>) src(%arg15 : memref<64x128xf32, #tpu.memory_space<vmem>>) dst(%dma_wait3A_340 : memref<64x128xf32, #tpu.memory_space<hbm>>)
        %add3A_341 = arith.constant 8 : i32
        %add3A_342 = arith.addi %add3A_262, %add3A_341 : i32
        %mul3A_343 = arith.constant 64 : i32
        %mul3A_344 = arith.muli %add3A_342, %mul3A_343 : i32
        %dma_start3A_345 = tpu.memref_slice %arg8[%mul3A_344] : memref<4096xi32, #tpu.memory_space<vmem>> -> memref<64xi32, #tpu.memory_space<vmem>>
        %dma_start3A_346 = arith.constant 0 : i32
        %dma_start3A_347 = arith.constant 0 : i32
        %dma_start3A_348 = tpu.memref_slice %arg9[%dma_start3A_346, %dma_start3A_347] : memref<1408x128xf32, #tpu.memory_space<vmem_shared>> -> memref<1408x128xf32, #tpu.memory_space<vmem_shared>>
        tpu.enqueue_indirect_dma source(%dma_start3A_348 : memref<1408x128xf32, #tpu.memory_space<vmem_shared>>) target(%arg15 : memref<64x128xf32, #tpu.memory_space<vmem>>) offsets(%dma_start3A_345 : memref<64xi32, #tpu.memory_space<vmem>>) semaphore(%arg25 : memref<!tpu.dma_semaphore, #tpu.memory_space<semaphore_mem>>)
      } else {
      }
      %mul3A_283 = arith.constant 8 : i32
      %mul3A_284 = arith.muli %scan3A_137, %mul3A_283 : i32
      %add3A_285 = arith.constant 6 : i32
      %add3A_286 = arith.addi %mul3A_284, %add3A_285 : i32
      %mul3A_287 = arith.constant 64 : i32
      %mul3A_288 = arith.muli %add3A_286, %mul3A_287 : i32
      %dma_wait3A_289 = tpu.memref_slice %arg8[%mul3A_288] : memref<4096xi32, #tpu.memory_space<vmem>> -> memref<64xi32, #tpu.memory_space<vmem>>
      %dma_wait3A_290 = arith.constant 0 : i32
      %dma_wait3A_291 = arith.constant 0 : i32
      %dma_wait3A_292 = tpu.memref_slice %arg9[%dma_wait3A_290, %dma_wait3A_291] : memref<1408x128xf32, #tpu.memory_space<vmem_shared>> -> memref<1408x128xf32, #tpu.memory_space<vmem_shared>>
      tpu.wait_indirect_dma semaphore(%arg26 : memref<!tpu.dma_semaphore, #tpu.memory_space<semaphore_mem>>) src(%dma_wait3A_292 : memref<1408x128xf32, #tpu.memory_space<vmem_shared>>) dst(%arg16 : memref<64x128xf32, #tpu.memory_space<vmem>>)
      %mul3A_293 = arith.constant 1024 : i32
      %mul3A_294 = arith.muli %mul3A_2, %mul3A_293 : i32
      %mul3A_295 = arith.constant 64 : i32
      %mul3A_296 = arith.muli %add3A_286, %mul3A_295 : i32
      %add3A_297 = arith.addi %mul3A_294, %mul3A_296 : i32
      %dma_start3A_298 = arith.constant 0 : i32
      %dma_start3A_299 = tpu.memref_slice %arg4[%add3A_297, %dma_start3A_298] : memref<131072x128xf32, #tpu.memory_space<hbm>> -> memref<64x128xf32, #tpu.memory_space<hbm>>
      %dma_start3A_300 = arith.constant 0 : i32
      %dma_start3A_301 = tpu.memref_slice %arg4[%add3A_297, %dma_start3A_300] : memref<131072x128xf32, #tpu.memory_space<hbm>> -> memref<64x128xf32, #tpu.memory_space<hbm>>
      tpu.enqueue_dma source(%arg16 : memref<64x128xf32, #tpu.memory_space<vmem>>) target(%dma_start3A_301 : memref<64x128xf32, #tpu.memory_space<hbm>>) target_semaphore(%arg34 : memref<!tpu.dma_semaphore, #tpu.memory_space<semaphore_mem>>)
      %lt3A_302 = arith.constant 7 : i32
      %lt3A_303 = arith.cmpi slt, %scan3A_137, %lt3A_302 : i32
      %convert_element_type3A_304 = arith.extui %lt3A_303 : i1 to i32
      %cond3A_305 = arith.constant 0 : i32
      %cond3A_306 = arith.cmpi ne, %convert_element_type3A_304, %cond3A_305 : i32
      scf.if %cond3A_306 {
        %mul3A_332 = arith.constant 1024 : i32
        %mul3A_333 = arith.muli %mul3A_2, %mul3A_332 : i32
        %mul3A_334 = arith.constant 64 : i32
        %mul3A_335 = arith.muli %add3A_286, %mul3A_334 : i32
        %add3A_336 = arith.addi %mul3A_333, %mul3A_335 : i32
        %dma_wait3A_337 = arith.constant 0 : i32
        %dma_wait3A_338 = tpu.memref_slice %arg4[%add3A_336, %dma_wait3A_337] : memref<131072x128xf32, #tpu.memory_space<hbm>> -> memref<64x128xf32, #tpu.memory_space<hbm>>
        %dma_wait3A_339 = arith.constant 0 : i32
        %dma_wait3A_340 = tpu.memref_slice %arg4[%add3A_336, %dma_wait3A_339] : memref<131072x128xf32, #tpu.memory_space<hbm>> -> memref<64x128xf32, #tpu.memory_space<hbm>>
        tpu.wait_dma2 semaphore(%arg34 : memref<!tpu.dma_semaphore, #tpu.memory_space<semaphore_mem>>) src(%arg16 : memref<64x128xf32, #tpu.memory_space<vmem>>) dst(%dma_wait3A_340 : memref<64x128xf32, #tpu.memory_space<hbm>>)
        %add3A_341 = arith.constant 8 : i32
        %add3A_342 = arith.addi %add3A_286, %add3A_341 : i32
        %mul3A_343 = arith.constant 64 : i32
        %mul3A_344 = arith.muli %add3A_342, %mul3A_343 : i32
        %dma_start3A_345 = tpu.memref_slice %arg8[%mul3A_344] : memref<4096xi32, #tpu.memory_space<vmem>> -> memref<64xi32, #tpu.memory_space<vmem>>
        %dma_start3A_346 = arith.constant 0 : i32
        %dma_start3A_347 = arith.constant 0 : i32
        %dma_start3A_348 = tpu.memref_slice %arg9[%dma_start3A_346, %dma_start3A_347] : memref<1408x128xf32, #tpu.memory_space<vmem_shared>> -> memref<1408x128xf32, #tpu.memory_space<vmem_shared>>
        tpu.enqueue_indirect_dma source(%dma_start3A_348 : memref<1408x128xf32, #tpu.memory_space<vmem_shared>>) target(%arg16 : memref<64x128xf32, #tpu.memory_space<vmem>>) offsets(%dma_start3A_345 : memref<64xi32, #tpu.memory_space<vmem>>) semaphore(%arg26 : memref<!tpu.dma_semaphore, #tpu.memory_space<semaphore_mem>>)
      } else {
      }
      %mul3A_307 = arith.constant 8 : i32
      %mul3A_308 = arith.muli %scan3A_137, %mul3A_307 : i32
      %add3A_309 = arith.constant 7 : i32
      %add3A_310 = arith.addi %mul3A_308, %add3A_309 : i32
      %mul3A_311 = arith.constant 64 : i32
      %mul3A_312 = arith.muli %add3A_310, %mul3A_311 : i32
      %dma_wait3A_313 = tpu.memref_slice %arg8[%mul3A_312] : memref<4096xi32, #tpu.memory_space<vmem>> -> memref<64xi32, #tpu.memory_space<vmem>>
      %dma_wait3A_314 = arith.constant 0 : i32
      %dma_wait3A_315 = arith.constant 0 : i32
      %dma_wait3A_316 = tpu.memref_slice %arg9[%dma_wait3A_314, %dma_wait3A_315] : memref<1408x128xf32, #tpu.memory_space<vmem_shared>> -> memref<1408x128xf32, #tpu.memory_space<vmem_shared>>
      tpu.wait_indirect_dma semaphore(%arg27 : memref<!tpu.dma_semaphore, #tpu.memory_space<semaphore_mem>>) src(%dma_wait3A_316 : memref<1408x128xf32, #tpu.memory_space<vmem_shared>>) dst(%arg17 : memref<64x128xf32, #tpu.memory_space<vmem>>)
      %mul3A_317 = arith.constant 1024 : i32
      %mul3A_318 = arith.muli %mul3A_2, %mul3A_317 : i32
      %mul3A_319 = arith.constant 64 : i32
      %mul3A_320 = arith.muli %add3A_310, %mul3A_319 : i32
      %add3A_321 = arith.addi %mul3A_318, %mul3A_320 : i32
      %dma_start3A_322 = arith.constant 0 : i32
      %dma_start3A_323 = tpu.memref_slice %arg4[%add3A_321, %dma_start3A_322] : memref<131072x128xf32, #tpu.memory_space<hbm>> -> memref<64x128xf32, #tpu.memory_space<hbm>>
      %dma_start3A_324 = arith.constant 0 : i32
      %dma_start3A_325 = tpu.memref_slice %arg4[%add3A_321, %dma_start3A_324] : memref<131072x128xf32, #tpu.memory_space<hbm>> -> memref<64x128xf32, #tpu.memory_space<hbm>>
      tpu.enqueue_dma source(%arg17 : memref<64x128xf32, #tpu.memory_space<vmem>>) target(%dma_start3A_325 : memref<64x128xf32, #tpu.memory_space<hbm>>) target_semaphore(%arg35 : memref<!tpu.dma_semaphore, #tpu.memory_space<semaphore_mem>>)
      %lt3A_326 = arith.constant 7 : i32
      %lt3A_327 = arith.cmpi slt, %scan3A_137, %lt3A_326 : i32
      %convert_element_type3A_328 = arith.extui %lt3A_327 : i1 to i32
      %cond3A_329 = arith.constant 0 : i32
      %cond3A_330 = arith.cmpi ne, %convert_element_type3A_328, %cond3A_329 : i32
      scf.if %cond3A_330 {
        %mul3A_332 = arith.constant 1024 : i32
        %mul3A_333 = arith.muli %mul3A_2, %mul3A_332 : i32
        %mul3A_334 = arith.constant 64 : i32
        %mul3A_335 = arith.muli %add3A_310, %mul3A_334 : i32
        %add3A_336 = arith.addi %mul3A_333, %mul3A_335 : i32
        %dma_wait3A_337 = arith.constant 0 : i32
        %dma_wait3A_338 = tpu.memref_slice %arg4[%add3A_336, %dma_wait3A_337] : memref<131072x128xf32, #tpu.memory_space<hbm>> -> memref<64x128xf32, #tpu.memory_space<hbm>>
        %dma_wait3A_339 = arith.constant 0 : i32
        %dma_wait3A_340 = tpu.memref_slice %arg4[%add3A_336, %dma_wait3A_339] : memref<131072x128xf32, #tpu.memory_space<hbm>> -> memref<64x128xf32, #tpu.memory_space<hbm>>
        tpu.wait_dma2 semaphore(%arg35 : memref<!tpu.dma_semaphore, #tpu.memory_space<semaphore_mem>>) src(%arg17 : memref<64x128xf32, #tpu.memory_space<vmem>>) dst(%dma_wait3A_340 : memref<64x128xf32, #tpu.memory_space<hbm>>)
        %add3A_341 = arith.constant 8 : i32
        %add3A_342 = arith.addi %add3A_310, %add3A_341 : i32
        %mul3A_343 = arith.constant 64 : i32
        %mul3A_344 = arith.muli %add3A_342, %mul3A_343 : i32
        %dma_start3A_345 = tpu.memref_slice %arg8[%mul3A_344] : memref<4096xi32, #tpu.memory_space<vmem>> -> memref<64xi32, #tpu.memory_space<vmem>>
        %dma_start3A_346 = arith.constant 0 : i32
        %dma_start3A_347 = arith.constant 0 : i32
        %dma_start3A_348 = tpu.memref_slice %arg9[%dma_start3A_346, %dma_start3A_347] : memref<1408x128xf32, #tpu.memory_space<vmem_shared>> -> memref<1408x128xf32, #tpu.memory_space<vmem_shared>>
        tpu.enqueue_indirect_dma source(%dma_start3A_348 : memref<1408x128xf32, #tpu.memory_space<vmem_shared>>) target(%arg17 : memref<64x128xf32, #tpu.memory_space<vmem>>) offsets(%dma_start3A_345 : memref<64xi32, #tpu.memory_space<vmem>>) semaphore(%arg27 : memref<!tpu.dma_semaphore, #tpu.memory_space<semaphore_mem>>)
      } else {
      }
      %scan3A_331 = arith.constant 0 : i32
      scf.yield %scan3A_331 : i32
    }
    %scan3A_72 = arith.constant 8 : i32
    %mul3A_73 = arith.constant 1024 : i32
    %mul3A_74 = arith.muli %mul3A_2, %mul3A_73 : i32
    %add3A_75 = arith.constant 3584 : i32
    %add3A_76 = arith.addi %mul3A_74, %add3A_75 : i32
    %dma_wait3A_77 = arith.constant 0 : i32
    %dma_wait3A_78 = tpu.memref_slice %arg4[%add3A_76, %dma_wait3A_77] : memref<131072x128xf32, #tpu.memory_space<hbm>> -> memref<64x128xf32, #tpu.memory_space<hbm>>
    %dma_wait3A_79 = arith.constant 0 : i32
    %dma_wait3A_80 = tpu.memref_slice %arg4[%add3A_76, %dma_wait3A_79] : memref<131072x128xf32, #tpu.memory_space<hbm>> -> memref<64x128xf32, #tpu.memory_space<hbm>>
    tpu.wait_dma2 semaphore(%arg28 : memref<!tpu.dma_semaphore, #tpu.memory_space<semaphore_mem>>) src(%arg10 : memref<64x128xf32, #tpu.memory_space<vmem>>) dst(%dma_wait3A_80 : memref<64x128xf32, #tpu.memory_space<hbm>>)
    %mul3A_81 = arith.constant 1024 : i32
    %mul3A_82 = arith.muli %mul3A_2, %mul3A_81 : i32
    %add3A_83 = arith.constant 3648 : i32
    %add3A_84 = arith.addi %mul3A_82, %add3A_83 : i32
    %dma_wait3A_85 = arith.constant 0 : i32
    %dma_wait3A_86 = tpu.memref_slice %arg4[%add3A_84, %dma_wait3A_85] : memref<131072x128xf32, #tpu.memory_space<hbm>> -> memref<64x128xf32, #tpu.memory_space<hbm>>
    %dma_wait3A_87 = arith.constant 0 : i32
    %dma_wait3A_88 = tpu.memref_slice %arg4[%add3A_84, %dma_wait3A_87] : memref<131072x128xf32, #tpu.memory_space<hbm>> -> memref<64x128xf32, #tpu.memory_space<hbm>>
    tpu.wait_dma2 semaphore(%arg29 : memref<!tpu.dma_semaphore, #tpu.memory_space<semaphore_mem>>) src(%arg11 : memref<64x128xf32, #tpu.memory_space<vmem>>) dst(%dma_wait3A_88 : memref<64x128xf32, #tpu.memory_space<hbm>>)
    %mul3A_89 = arith.constant 1024 : i32
    %mul3A_90 = arith.muli %mul3A_2, %mul3A_89 : i32
    %add3A_91 = arith.constant 3712 : i32
    %add3A_92 = arith.addi %mul3A_90, %add3A_91 : i32
    %dma_wait3A_93 = arith.constant 0 : i32
    %dma_wait3A_94 = tpu.memref_slice %arg4[%add3A_92, %dma_wait3A_93] : memref<131072x128xf32, #tpu.memory_space<hbm>> -> memref<64x128xf32, #tpu.memory_space<hbm>>
    %dma_wait3A_95 = arith.constant 0 : i32
    %dma_wait3A_96 = tpu.memref_slice %arg4[%add3A_92, %dma_wait3A_95] : memref<131072x128xf32, #tpu.memory_space<hbm>> -> memref<64x128xf32, #tpu.memory_space<hbm>>
    tpu.wait_dma2 semaphore(%arg30 : memref<!tpu.dma_semaphore, #tpu.memory_space<semaphore_mem>>) src(%arg12 : memref<64x128xf32, #tpu.memory_space<vmem>>) dst(%dma_wait3A_96 : memref<64x128xf32, #tpu.memory_space<hbm>>)
    %mul3A_97 = arith.constant 1024 : i32
    %mul3A_98 = arith.muli %mul3A_2, %mul3A_97 : i32
    %add3A_99 = arith.constant 3776 : i32
    %add3A_100 = arith.addi %mul3A_98, %add3A_99 : i32
    %dma_wait3A_101 = arith.constant 0 : i32
    %dma_wait3A_102 = tpu.memref_slice %arg4[%add3A_100, %dma_wait3A_101] : memref<131072x128xf32, #tpu.memory_space<hbm>> -> memref<64x128xf32, #tpu.memory_space<hbm>>
    %dma_wait3A_103 = arith.constant 0 : i32
    %dma_wait3A_104 = tpu.memref_slice %arg4[%add3A_100, %dma_wait3A_103] : memref<131072x128xf32, #tpu.memory_space<hbm>> -> memref<64x128xf32, #tpu.memory_space<hbm>>
    tpu.wait_dma2 semaphore(%arg31 : memref<!tpu.dma_semaphore, #tpu.memory_space<semaphore_mem>>) src(%arg13 : memref<64x128xf32, #tpu.memory_space<vmem>>) dst(%dma_wait3A_104 : memref<64x128xf32, #tpu.memory_space<hbm>>)
    %mul3A_105 = arith.constant 1024 : i32
    %mul3A_106 = arith.muli %mul3A_2, %mul3A_105 : i32
    %add3A_107 = arith.constant 3840 : i32
    %add3A_108 = arith.addi %mul3A_106, %add3A_107 : i32
    %dma_wait3A_109 = arith.constant 0 : i32
    %dma_wait3A_110 = tpu.memref_slice %arg4[%add3A_108, %dma_wait3A_109] : memref<131072x128xf32, #tpu.memory_space<hbm>> -> memref<64x128xf32, #tpu.memory_space<hbm>>
    %dma_wait3A_111 = arith.constant 0 : i32
    %dma_wait3A_112 = tpu.memref_slice %arg4[%add3A_108, %dma_wait3A_111] : memref<131072x128xf32, #tpu.memory_space<hbm>> -> memref<64x128xf32, #tpu.memory_space<hbm>>
    tpu.wait_dma2 semaphore(%arg32 : memref<!tpu.dma_semaphore, #tpu.memory_space<semaphore_mem>>) src(%arg14 : memref<64x128xf32, #tpu.memory_space<vmem>>) dst(%dma_wait3A_112 : memref<64x128xf32, #tpu.memory_space<hbm>>)
    %mul3A_113 = arith.constant 1024 : i32
    %mul3A_114 = arith.muli %mul3A_2, %mul3A_113 : i32
    %add3A_115 = arith.constant 3904 : i32
    %add3A_116 = arith.addi %mul3A_114, %add3A_115 : i32
    %dma_wait3A_117 = arith.constant 0 : i32
    %dma_wait3A_118 = tpu.memref_slice %arg4[%add3A_116, %dma_wait3A_117] : memref<131072x128xf32, #tpu.memory_space<hbm>> -> memref<64x128xf32, #tpu.memory_space<hbm>>
    %dma_wait3A_119 = arith.constant 0 : i32
    %dma_wait3A_120 = tpu.memref_slice %arg4[%add3A_116, %dma_wait3A_119] : memref<131072x128xf32, #tpu.memory_space<hbm>> -> memref<64x128xf32, #tpu.memory_space<hbm>>
    tpu.wait_dma2 semaphore(%arg33 : memref<!tpu.dma_semaphore, #tpu.memory_space<semaphore_mem>>) src(%arg15 : memref<64x128xf32, #tpu.memory_space<vmem>>) dst(%dma_wait3A_120 : memref<64x128xf32, #tpu.memory_space<hbm>>)
    %mul3A_121 = arith.constant 1024 : i32
    %mul3A_122 = arith.muli %mul3A_2, %mul3A_121 : i32
    %add3A_123 = arith.constant 3968 : i32
    %add3A_124 = arith.addi %mul3A_122, %add3A_123 : i32
    %dma_wait3A_125 = arith.constant 0 : i32
    %dma_wait3A_126 = tpu.memref_slice %arg4[%add3A_124, %dma_wait3A_125] : memref<131072x128xf32, #tpu.memory_space<hbm>> -> memref<64x128xf32, #tpu.memory_space<hbm>>
    %dma_wait3A_127 = arith.constant 0 : i32
    %dma_wait3A_128 = tpu.memref_slice %arg4[%add3A_124, %dma_wait3A_127] : memref<131072x128xf32, #tpu.memory_space<hbm>> -> memref<64x128xf32, #tpu.memory_space<hbm>>
    tpu.wait_dma2 semaphore(%arg34 : memref<!tpu.dma_semaphore, #tpu.memory_space<semaphore_mem>>) src(%arg16 : memref<64x128xf32, #tpu.memory_space<vmem>>) dst(%dma_wait3A_128 : memref<64x128xf32, #tpu.memory_space<hbm>>)
    %mul3A_129 = arith.constant 1024 : i32
    %mul3A_130 = arith.muli %mul3A_2, %mul3A_129 : i32
    %add3A_131 = arith.constant 4032 : i32
    %add3A_132 = arith.addi %mul3A_130, %add3A_131 : i32
    %dma_wait3A_133 = arith.constant 0 : i32
    %dma_wait3A_134 = tpu.memref_slice %arg4[%add3A_132, %dma_wait3A_133] : memref<131072x128xf32, #tpu.memory_space<hbm>> -> memref<64x128xf32, #tpu.memory_space<hbm>>
    %dma_wait3A_135 = arith.constant 0 : i32
    %dma_wait3A_136 = tpu.memref_slice %arg4[%add3A_132, %dma_wait3A_135] : memref<131072x128xf32, #tpu.memory_space<hbm>> -> memref<64x128xf32, #tpu.memory_space<hbm>>
    tpu.wait_dma2 semaphore(%arg35 : memref<!tpu.dma_semaphore, #tpu.memory_space<semaphore_mem>>) src(%arg17 : memref<64x128xf32, #tpu.memory_space<vmem>>) dst(%dma_wait3A_136 : memref<64x128xf32, #tpu.memory_space<hbm>>)
    return
  }
}

</mosaic_0001>

<sc_bundles>
// kernel: kernel.3.cloned.1.call-start
scs
__scs_entry_jumppad:
0x0: {  	(pc) =	sbr.rel $0x88, $3  }
0x1: {  	(tag) =	ssettag $0x0;
	lr =	simm.s32 $0x1  }
0x2: {  	[smem:$0x3F9F] =	sst lr;
	_ =	strace $0xD0000000  }
0x3: {  	_ = 	snop  }
0x4: {  	_ = 	snop  }
0x5: {  	_ = 	snop  }
0x6: {  	_ = 	snop  }
0x7: {  	_ = 	snop  }
__scs_overlays_trampoline_lowered:
0x8: {  	[smem:$0x3FAE] =	sst s0  }
0x9: {  	[smem:$0x3FAF] =	sst s1  }
0xa: {  	[smem:$0x3FB0] =	sst s2  }
0xb: {  	[smem:$0x3FB1] =	sst s3  }
0xc: {  	[smem:$0x3FB2] =	sst s4  }
0xd: {  	[smem:$0x3FB3] =	sst s5  }
0xe: {  	[smem:$0x3FB4] =	sst s6  }
0xf: {  	[smem:$0x3FB5] =	sst s7  }
0x10: {  	[smem:$0x3FB6] =	sst s8  }
0x11: {  	[smem:$0x3FB7] =	sst s9;
	s0 =	simm.s32 @!p0 $0x0  }
0x12: {  	s1 =	sld [smem:$0x3F9D];
	s0 =	simm.s32 @p0 $0x1  }
0x13: {  	[smem:$0x3FB8] =	sst s0;
	s0 =	simm.s32 @!p1 $0x0  }
0x14: {  	s2 =	sld [smem:$0x3F9C];
	s0 =	simm.s32 @p1 $0x1  }
0x15: {  	[smem:$0x3FB9] =	sst s0;
	s0 =	simm.s32 @!p2 $0x0  }
0x16: {  	s3 =	sld [smem:$0x3FDB];
	s0 =	simm.s32 @p2 $0x1  }
0x17: {  	s4 =	simm.s32 $0x1BF5;
	[smem:$0x3FBB] =	sst s0  }
0x18: {  	s0 =	sld [smem:$0x3F9E];
	_ =	swait.ge [sflag:s4], $0x0  }
0x19: {  	s7 =	sld [smem:$0x3F9F]  }
0x1a: {  	s8 =	sadd.s32 $0xFFFFE003, lr  }
0x1b: {  	s9 =	sadd.s32 $0xFFFFFEF7, lr;
	s5 =	simm.s32 $0xFFFFFFFF;
	p2 =	slt.u32 s8, $0xFFFFF086  }
0x1c: {  	p1 =	slt.u32 s9, $0xF7A;
	s5 =	simm.s32 @!p2 $0x0  }
0x1d: {  	s5 =	simm.s32 @p1 $0x1;
	p0 =	seq.s32 s7, s2  }
0x1e: {  	s7 =	smul.u32 @!p0 $0xF7A, s2;
	p2 =	seq.s32 @!p0 s5, $0x0  }
0x1f: {  	s9 =	smul.u32 $0xF7A, s1;
	s8 =	simm.s32 @!p0 $0x1BF5;
	p2 =	por !p2, p0  }
0x20: {  	[sflag:s8] =	ssyncset.s32 @!p0 $0xFFFFF086;
	s6 =	sadd.s32 @!p0 s3, s7;
	s7 =	simm.s32 @!p0 $0x108  }
0x21: {  	s3 =	sadd.s32 s3, s9;
	s6 =	sadd.s32 @!p0 $0x88, s6;
	s7 =	simm.s32 @p2 $0x1082  }
0x22: {  	[simem:s7], [sflag:s8] =	dma.local @!p0 [hbm:s6], $0xF7A  }
0x23: {  	s9 =	sor.u32 $0xD0000000, s2;
	s6 =	simm.s32 $0x108;
	_ =	swait.ge @!p0 [sflag:s8], $0x0  }
0x24: {  	s3 =	sadd.s32 $0x88, s3;
	s6 =	simm.s32 @!p1 $0x1082;
	[sflag:s4] =	ssyncset.s32 $0xFFFFF086  }
0x25: {  	[simem:s6], [sflag:s4] =	dma.local [hbm:s3], $0xF7A  }
0x26: {  	[smem:$0x3F9F] =	sst s1;
	(tag) =	ssettag s2;
	_ =	strace s9  }
0x27: {  	s1 =	sld [smem:$0x3FAF]  }
0x28: {  	s2 =	sld [smem:$0x3FB0]  }
0x29: {  	s4 =	sld [smem:$0x3FB2]  }
0x2a: {  	p0 =	seq.s32 s5, $0x0;
	s5 =	sld [smem:$0x3FB3]  }
0x2b: {  	s6 =	sld [smem:$0x3FB4]  }
0x2c: {  	s7 =	sld [smem:$0x3FB5]  }
0x2d: {  	s3 =	simm.s32 $0x108;
	s8 =	sld [smem:$0x3FB6]  }
0x2e: {  	s3 =	simm.s32 @!p0 $0x1082;
	s9 =	sld [smem:$0x3FB7]  }
0x2f: {  	lr =	sadd.s32 s0, s3;
	s0 =	sld [smem:$0x3FAE]  }
0x30: {  	s3 =	sld [smem:$0x3FB1]  }
0x31: {  	[smem:$0x3FBA] =	sst s10  }
0x32: {  	s10 =	sld [smem:$0x3FB8];
	_ =	sdelay $0x3  }
0x33: {  	p0 =	seq.s32 s10, $0x1;
	s10 =	sld [smem:$0x3FBA];
	_ =	sdelay $0x3  }
0x34: {  	[smem:$0x3FBA] =	sst s10  }
0x35: {  	s10 =	sld [smem:$0x3FB9];
	_ =	sdelay $0x3  }
0x36: {  	p1 =	seq.s32 s10, $0x1;
	s10 =	sld [smem:$0x3FBA];
	_ =	sdelay $0x3  }
0x37: {  	[smem:$0x3FBA] =	sst s10  }
0x38: {  	s10 =	sld [smem:$0x3FBB]  }
0x39: {  	_ = 	snop;
	(pc) =	sbr.ind lr, $3  }
0x3a: {  	_ = 	snop  }
0x3b: {  	_ = 	snop  }
0x3c: {  	p2 =	seq.s32 s10, $0x1;
	s10 =	sld [smem:$0x3FBA]  }
0x3d: {  	_ =	shalt  }
0x3e: {  	_ =	shalt  }
0x3f: {  	_ =	shalt  }
0x40: {  	_ =	shalt  }
0x41: {  	_ =	shalt  }
0x42: {  	_ =	shalt  }
0x43: {  	_ =	shalt  }
0x44: {  	_ =	shalt  }
0x45: {  	_ =	shalt  }
0x46: {  	_ =	shalt  }
0x47: {  	_ =	shalt  }
0x48: {  	_ =	shalt  }
0x49: {  	_ =	shalt  }
0x4a: {  	_ =	shalt  }
0x4b: {  	_ =	shalt  }
0x4c: {  	_ =	shalt  }
0x4d: {  	_ =	shalt  }
0x4e: {  	_ =	shalt  }
0x4f: {  	_ =	shalt  }
0x50: {  	_ =	shalt  }
0x51: {  	_ =	shalt  }
0x52: {  	_ =	shalt  }
0x53: {  	_ =	shalt  }
0x54: {  	_ =	shalt  }
0x55: {  	_ =	shalt  }
0x56: {  	_ =	shalt  }
0x57: {  	_ =	shalt  }
0x58: {  	_ =	shalt  }
0x59: {  	_ =	shalt  }
0x5a: {  	_ =	shalt  }
0x5b: {  	_ =	shalt  }
0x5c: {  	_ =	shalt  }
0x5d: {  	_ =	shalt  }
0x5e: {  	_ =	shalt  }
0x5f: {  	_ =	shalt  }
0x60: {  	_ =	shalt  }
0x61: {  	_ =	shalt  }
0x62: {  	_ =	shalt  }
0x63: {  	_ =	shalt  }
0x64: {  	_ =	shalt  }
0x65: {  	_ =	shalt  }
0x66: {  	_ =	shalt  }
0x67: {  	_ =	shalt  }
0x68: {  	_ =	shalt  }
0x69: {  	_ =	shalt  }
0x6a: {  	_ =	shalt  }
0x6b: {  	_ =	shalt  }
0x6c: {  	_ =	shalt  }
0x6d: {  	_ =	shalt  }
0x6e: {  	_ =	shalt  }
0x6f: {  	_ =	shalt  }
0x70: {  	_ =	shalt  }
0x71: {  	_ =	shalt  }
0x72: {  	_ =	shalt  }
0x73: {  	_ =	shalt  }
0x74: {  	_ =	shalt  }
0x75: {  	_ =	shalt  }
0x76: {  	_ =	shalt  }
0x77: {  	_ =	shalt  }
0x78: {  	_ =	shalt  }
0x79: {  	_ =	shalt  }
0x7a: {  	_ =	shalt  }
0x7b: {  	_ =	shalt  }
0x7c: {  	_ =	shalt  }
0x7d: {  	_ =	shalt  }
0x7e: {  	_ =	shalt  }
0x7f: {  	_ =	shalt  }
0x80: {  	_ =	shalt  }
0x81: {  	_ =	shalt  }
0x82: {  	_ =	shalt  }
0x83: {  	_ =	shalt  }
0x84: {  	_ =	shalt  }
0x85: {  	_ =	shalt  }
0x86: {  	_ =	shalt  }
0x87: {  	_ =	shalt  }
.Lfunc_end0:
.L_simem_size_0:
called_computation_lowered:
.L_overlay_start_0:
0x88: {  	s2 =	sld [smem:$0x3FD9]  }
0x89: {  	s3 =	sld [smem:$0x3FFE];
	_ =	sdelay $0x1  }
0x8a: {  	s1 =	srdreg.scid  }
0x8b: {  	s0 =	sand.u32 $0x1, s1  }
0x8c: {  	s17 =	sshll.u32 s0, $0xA;
	s2 =	sadd.s32 s3, s2  }
0x8d: {  	s2 =	sadd.s32 s2, s17  }
0x8e: {  	[smem:$0x3FC6] =	sst s2  }
0x8f: {  	_ = 	snop  }
0x90: {  	s2 =	sld [smem:$0x3FC8]  }
0x91: {  	s18 =	sld [smem:$0x3FD0];
	(tm) =	ssettm $0x1  }
0x92: {  	s4 =	sld [smem:$0x3FFB];
	_ =	sdelay $0x3  }
0x93: {  	_ =	strace s4  }
0x94: {  	s4 =	sld [smem:$0x3FFC];
	_ =	sdelay $0x3  }
0x95: {  	_ =	strace s4  }
0x96: {  	s4 =	sld [smem:$0x3FFD];
	_ =	sdelay $0x3  }
0x97: {  	_ =	strace s4  }
0x98: {  	_ =	strace $0x8FFFFFFF  }
0x99: {  	s19 =	sld [smem:$0x3FDB];
	_ =	sdelay $0x1  }
0x9a: {  	s5 =	simm.s32 $_scs_section_size  }
0x9b: {  	s6 =	simm.s32 $_size__tile_overlayer_lowered;
	s7 =	simm.s32 $_tile_overlayer_lowered  }
0x9c: {  	s22 =	simm.s32 $0x1BFF;
	s21 =	sshll.u32 s7, $0x1;
	s4 =	sadd.s32 s5, s19  }
0x9d: {  	s8 =	simm.s32 $0x0;
	s20 =	sshll.u32 s6, $0x1;
	s6 =	sadd.s32 s21, s4  }
0x9e: {  	[timem:s8], [sflag:s22] =	dma.local [hbm:s6], s20  }
0x9f: {  	_ =	swait.ge [sflag:s22], s20  }
0xa0: {  	s5 =	ssub.s32 $0x0, s20;
	[sflag:s22] =	ssyncset.done $0x0  }
0xa1: {  	[sflag:s22] =	ssyncadd.s32 s5;
	_ =	sdelay $0x1  }
0xa2: {  	s23 =	simm.s32 $0x1B8B  }
0xa3: {  	_ =	swait.ge [sflag:s23], $0x1  }
0xa4: {  	[sflag:s23] =	ssyncset.done $0x0  }
0xa5: {  	s25 =	simm.s32 $0x1B8E;
	s24 =	sld [smem:$0x3FFE];
	[sflag:s23] =	ssyncadd.s32 $0xFFFFFFFF  }
0xa6: {  	s26 =	simm.s32 $execute0_lowered;
	[smem:$0x3FD2] =	sst s25  }
0xa7: {  	s6 =	sshll.u32 s26, $0x1;
	_ =	strace $0x80000046;
	[dreg:$0x1] =	wrdreg $0xFFFFFFFF  }
0xa8: {  	s28 =	simm.s32 $_size_execute0_lowered;
	s4 =	sadd.s32 s4, s6;
	[dreg:$0x0] =	wrdreg $0x0  }
0xa9: {  	s6 =	sshll.u32 s28, $0x1;
	[dreg:$0x2] =	wrdreg s4  }
0xaa: {  	[dreg:$0x3] =	wrdreg s6  }
0xab: {  	[dreg:$0x4] =	wrdreg $0xC0  }
0xac: {  	_ =	task [dreg:s8], $0x5FFFF  }
0xad: {  	[dreg:$0x1] =	wrdreg $0xFFFFFFFF  }
0xae: {  	[dreg:$0x0] =	wrdreg $0x60  }
0xaf: {  	[dreg:$0x2] =	wrdreg s24  }
0xb0: {  	[dreg:$0x3] =	wrdreg s2  }
0xb1: {  	[dreg:$0x4] =	wrdreg s18  }
0xb2: {  	[dreg:$0x5] =	wrdreg $0x90800  }
0xb3: {  	[dreg:$0x6] =	wrdreg $0x9  }
0xb4: {  	_ =	task.clear_ibuf [dreg:s8], $0x7FFFF;
	_ =	strace $0x90000046  }
0xb5: {  	s29 =	simm.s32 $0x9;
	_ =	strace $0x80000048  }
0xb6: {  	_ =	swait.ge [sflag:s29], $0x1  }
0xb7: {  	[sflag:s29] =	ssyncadd.s32 $0xFFFFFFFF  }
0xb8: {  	_ =	strace $0x90000048  }
0xb9: {  	_ =	sfence  }
0xba: {  	s30 =	sld [smem:$0x0];
	_ =	sdelay $0x2  }
0xbb: {  	s31 =	sshll.u32 s1, $0xD;
	s1 =	sshrl.u32 s1, $0x2  }
0xbc: {  	s3 =	sand.u32 $0x4000, s31;
	s1 =	sadd.s32 s1, s30  }
0xbd: {  	s0 =	sor.u32 s3, s0;
	s1 =	sshll.u32 s1, $0x11  }
0xbe: {  	s0 =	sor.u32 s1, s0  }
0xbf: {  	s0 =	sadd.s32 $0x8F2B, s0  }
0xc0: {  	[sflag:s0] =	ssyncadd.remote.s32 $0x1  }
0xc1: {  	_ =	sfence.sel $0xFFFF  }
0xc2: {  	[dreg:$0x0] =	wrdreg $0xFFFFFFFF;
	(pc) =	sbr.abs _section_cstart, $3  }
0xc3: {  	[dreg:$0x1] =	wrdreg $0xFFFFFFFF  }
0xc4: {  	_ =	task.clear_ibuf [dreg:s8], $0x2FFFF;
	_ =	strace $0x9FFFFFFF  }
0xc5: {  	(tm) =	ssettm $0x7FFFFFFF  }
tec
execute0_lowered:
.L_overlay_start_1:
0x0: {  	(tag) =	ssettag $0x1  }
0x1: {  	s0 =	rddreg [dreg:$0x0]  }
0x2: {  	s1 =	rddreg [dreg:$0x2]  }
0x3: {  	s2 =	srdreg.scid;
	s8 =	stileid.u32  }
0x4: {  	s3 =	rddreg [dreg:$0x3];
	s4 =	simm.s32 $0x0;
	s14 =	simm.s32 $0x40  }
0x5: {  	s16 =	simm.s32 $0xBC80;
	s18 =	simm.s32 $0xDC80;
	s20 =	simm.s32 $0xFC80  }
0x6: {  	s29 =	simm.s32 $0x17C80;
	s31 =	simm.s32 $0x19C80;
	s12 =	simm.s32 $0x5  }
0x7: {  	s10 =	simm.s32 $0x7;
	s15 =	simm.s32 $0x8;
	s17 =	simm.s32 $0x9  }
0x8: {  	s19 =	simm.s32 $0xA;
	s9 =	simm.s32 $0x0;
	s2 =	sand.u32 $0x1, s2  }
0x9: {  	s5 =	sshll.u32 s8, $0x1;
	[smem:$0x7FF] =	sst s4;
	s23 =	sshll.u32 s8, $0x11  }
0xa: {  	s26 =	sshll.u32 s8, $0xE;
	p0 =	sgt.u32 s8, $0xA;
	s5 =	sor.u32 s2, s5  }
0xb: {  	s6 =	ssub.s32 $0x2, s2;
	_ =	strace $0x80000047;
	s24 =	sadd.s32 s23, s1  }
0xc: {  	s25 =	sshll.u32 s2, $0x10;
	s28 =	sadd.s32 s26, s3;
	s26 =	simm.s32 $0x15C80  }
0xd: {  	s2 =	simm.s32 $0x3;
	s5 =	smul.u32 $0x600, s5;
	s7 =	sshrl.u32 s6, $0x1  }
0xe: {  	s1 =	simm.s32 $0x6;
	[dreg:$0x6] =	wrdreg s28;
	s22 =	ssub.s32 s6, s7  }
.Ltmp0:
0xf: {  	s6 =	sshll.u32 s8, $0x7;
	s0 =	sadd.s32 s5, s0;
	(pc) =	sbr.rel .LBB2_1-.Ltmp0, $4  }
0x10: {  	s8 =	simm.s32 $0x12;
	s30 =	smax.u32 s22, $0x1;
	s0 =	sadd.s32 $0x400, s0  }
0x11: {  	s22 =	simm.s32 $0x11C80;
	[dreg:$0x5] =	wrdreg s0;
	s0 =	sadd.s32 s25, s24  }
0x12: {  	s5 =	simm.s32 $0x11;
	[dreg:$0x7] =	wrdreg s30;
	s0 =	sadd.s32 $0x1C00, s0  }
0x13: {  	s24 =	simm.s32 $0x13C80;
	[dreg:$0x8] =	wrdreg s0;
	s0 =	simm.s32 $0x4  }
.LBB2_30:
0x14: {  	s7 =	simm.s32 $0xB  }
0x15: {  	_ =	swait.ge [sflag:s7], $0x2000  }
0x16: {  	[sflag:s7] =	ssyncset.done $0x0  }
0x17: {  	s13 =	simm.s32 $0xC;
	[sflag:s7] =	ssyncadd.s32 $0xFFFFE000  }
0x18: {  	_ =	swait.ge [sflag:s13], $0x2000  }
0x19: {  	[sflag:s13] =	ssyncset.done $0x0  }
0x1a: {  	s21 =	simm.s32 $0xD;
	[sflag:s13] =	ssyncadd.s32 $0xFFFFE000  }
0x1b: {  	_ =	swait.ge [sflag:s21], $0x2000  }
0x1c: {  	[sflag:s21] =	ssyncset.done $0x0  }
0x1d: {  	s23 =	simm.s32 $0xE;
	[sflag:s21] =	ssyncadd.s32 $0xFFFFE000  }
0x1e: {  	_ =	swait.ge [sflag:s23], $0x2000  }
0x1f: {  	[sflag:s23] =	ssyncset.done $0x0  }
0x20: {  	s25 =	simm.s32 $0xF;
	[sflag:s23] =	ssyncadd.s32 $0xFFFFE000  }
0x21: {  	_ =	swait.ge [sflag:s25], $0x2000  }
0x22: {  	[sflag:s25] =	ssyncset.done $0x0  }
0x23: {  	s28 =	simm.s32 $0x10;
	[sflag:s25] =	ssyncadd.s32 $0xFFFFE000  }
0x24: {  	_ =	swait.ge [sflag:s28], $0x2000  }
0x25: {  	[sflag:s28] =	ssyncset.done $0x0  }
0x26: {  	[sflag:s28] =	ssyncadd.s32 $0xFFFFE000  }
0x27: {  	_ =	swait.ge [sflag:s5], $0x2000  }
0x28: {  	[sflag:s5] =	ssyncset.done $0x0  }
0x29: {  	[sflag:s5] =	ssyncadd.s32 $0xFFFFE000  }
0x2a: {  	_ =	swait.ge [sflag:s8], $0x2000  }
0x2b: {  	s9 =	sadd.s32 $0x1, s9;
	s30 =	rddreg [dreg:$0x7]  }
0x2c: {  	p1 =	sne.s32 s9, s30  }
.Ltmp1:
0x2d: {  	_ = 	snop;
	(pc) =	sbr.rel @!p1 .LBB2_31-.Ltmp1, $3  }
0x2e: {  	_ =	sdelay $0x1  }
0x2f: {  	[sflag:s8] =	ssyncset.done $0x0  }
0x30: {  	[sflag:s8] =	ssyncadd.s32 $0xFFFFE000  }
.LBB2_1:
0x31: {  	s7 =	rddreg [dreg:$0x5]  }
0x32: {  	s28 =	rddreg [dreg:$0x1]  }
0x33: {  	[tilespmem:s4], [sflag:$0x1] =	stream.linear.gather [hbm4b:s7+s4], $0x3000, $0x38;
	[tilespmem:$0x1BC80] =	vst v63  }
.Ltmp2:
0x34: {  	s11 =	simm.s32 $0x3000;
	s30 =	simm.s32 $0x13;
	(pc) =	sbr.rel @p0 .LBB2_25-.Ltmp2, $4  }
0x35: {  	[tilespmem:s11], [sflag:$0x13] =	stream.linear.gather [hbm4b:s28+s4], $0x1080, $0x38;
	[tilespmem:$0x1BC80] =	vst v63  }
0x36: {  	_ =	swait.ge [sflag:s30], $0x1080  }
0x37: {  	[sflag:s30] =	ssyncset.done $0x0  }
0x38: {  	[sflag:s30] =	ssyncadd.s32 $0xFFFFEF80  }
0x39: {  	v6 =	vld [tilespmem:s6+$0x3B00]  }
0x3a: {  	v5 =	vld [tilespmem:s6+$0x3B10]  }
0x3b: {  	v4 =	vld [tilespmem:s6+$0x3B20]  }
0x3c: {  	v3 =	vld [tilespmem:s6+$0x3B30]  }
0x3d: {  	v2 =	vld [tilespmem:s6+$0x3B40]  }
0x3e: {  	v1 =	vld [tilespmem:s6+$0x3B50]  }
0x3f: {  	v0 =	vld [tilespmem:s6+$0x3B60]  }
0x40: {  	v7 =	vld [tilespmem:s6+$0x3B70]  }
0x41: {  	v14 =	vld [tilespmem:$0x3580]  }
0x42: {  	v13 =	vld [tilespmem:$0x3590]  }
0x43: {  	v12 =	vld [tilespmem:$0x35A0]  }
0x44: {  	v11 =	vld [tilespmem:$0x35B0]  }
0x45: {  	v10 =	vld [tilespmem:$0x35C0]  }
0x46: {  	v9 =	vld [tilespmem:$0x35D0]  }
0x47: {  	v8 =	vld [tilespmem:$0x35E0]  }
0x48: {  	v15 =	vld [tilespmem:$0x35F0];
	s13 =	simm.s32 $0x0  }
0x49: {  	v16 =	vld [tilespmem:s13+$0x3070]  }
0x4a: {  	v17 =	vld [tilespmem:s13+$0x3000]  }
0x4b: {  	v18 =	vld [tilespmem:s13+$0x3010]  }
0x4c: {  	v19 =	vld [tilespmem:s13+$0x3020]  }
0x4d: {  	v20 =	vld [tilespmem:s13+$0x3030]  }
0x4e: {  	v21 =	vld [tilespmem:s13+$0x3040];
	v16 =	vadd.f32 v16, v15  }
0x4f: {  	v22 =	vld [tilespmem:s13+$0x3050]  }
0x50: {  	s11 =	simm.s32 $0x80;
	v23 =	vld [tilespmem:s13+$0x3060];
	v17 =	vadd.f32 v17, v14;
	v16 =	vadd.f32 v16, v7  }
0x51: {  	v24 =	vld [tilespmem:s11+$0x3070];
	v18 =	vadd.f32 v18, v13  }
0x52: {  	v25 =	vld [tilespmem:s11+$0x3000];
	v17 =	vadd.f32 v17, v6;
	[tilespmem:s13+$0x40F0] =	vst v16;
	v16 =	vadd.f32 v19, v12  }
0x53: {  	v20 =	vadd.f32 v20, v11;
	v18 =	vadd.f32 v18, v5  }
0x54: {  	v26 =	vld [tilespmem:s11+$0x3010];
	[tilespmem:s13+$0x4080] =	vst v17;
	v16 =	vadd.f32 v16, v4  }
0x55: {  	v20 =	vadd.f32 v20, v3;
	v19 =	vld [tilespmem:s11+$0x3020];
	[tilespmem:s13+$0x4090] =	vst v18;
	v18 =	vadd.f32 v21, v10  }
0x56: {  	v21 =	vadd.f32 v22, v9;
	v17 =	vld [tilespmem:s11+$0x3030];
	[tilespmem:s13+$0x40A0] =	vst v16  }
0x57: {  	v22 =	vadd.f32 v18, v2;
	v16 =	vld [tilespmem:s11+$0x3040];
	[tilespmem:s13+$0x40B0] =	vst v20;
	v20 =	vadd.f32 v23, v8  }
0x58: {  	v24 =	vadd.f32 v24, v15;
	v27 =	vadd.f32 v21, v1  }
0x59: {  	v21 =	vadd.f32 v25, v14;
	v18 =	vld [tilespmem:s11+$0x3050];
	[tilespmem:s13+$0x40C0] =	vst v22;
	v23 =	vadd.f32 v20, v0  }
0x5a: {  	s21 =	simm.s32 $0x100;
	s23 =	simm.s32 $0x600;
	v24 =	vadd.f32 v24, v7;
	v22 =	vadd.f32 v26, v13;
	v20 =	vld [tilespmem:s11+$0x3060];
	[tilespmem:s13+$0x40D0] =	vst v27  }
.LBB2_3:
0x5b: {  	p1 =	sne.s32 s23, $0x1400;
	v25 =	vld [tilespmem:s21+$0x3070];
	v21 =	vadd.f32 v21, v6;
	v19 =	vadd.f32 v19, v12;
	[tilespmem:s13+$0x40E0] =	vst v23;
	s13 =	smov.u32 s11;
	s11 =	smov.u32 s21  }
0x5c: {  	v23 =	vld [tilespmem:s11+$0x3000];
	v22 =	vadd.f32 v22, v5;
	v17 =	vadd.f32 v17, v11;
	[tilespmem:s13+$0x40F0] =	vst v24  }
0x5d: {  	v24 =	vld [tilespmem:s11+$0x3010];
	[tilespmem:s13+$0x4080] =	vst v21;
	v21 =	vadd.f32 v19, v4;
	v16 =	vadd.f32 v16, v10  }
.Ltmp3:
0x5e: {  	v19 =	vld [tilespmem:s11+$0x3020];
	[tilespmem:s13+$0x4090] =	vst v22;
	v22 =	vadd.f32 v17, v3;
	v18 =	vadd.f32 v18, v9;
	(pc) =	sbr.rel @p1 .LBB2_3-.Ltmp3, $4  }
0x5f: {  	v17 =	vld [tilespmem:s11+$0x3030];
	[tilespmem:s13+$0x40A0] =	vst v21;
	v26 =	vadd.f32 v16, v2;
	v20 =	vadd.f32 v20, v8  }
0x60: {  	v16 =	vld [tilespmem:s11+$0x3040];
	v25 =	vadd.f32 v25, v15;
	[tilespmem:s13+$0x40B0] =	vst v22;
	v27 =	vadd.f32 v18, v1  }
0x61: {  	v21 =	vadd.f32 v23, v14;
	v18 =	vld [tilespmem:s11+$0x3050];
	[tilespmem:s13+$0x40C0] =	vst v26;
	v23 =	vadd.f32 v20, v0  }
0x62: {  	s21 =	sshra.s32 s23, $0x2;
	s23 =	sadd.s32 $0x200, s23;
	v22 =	vadd.f32 v24, v13;
	v20 =	vld [tilespmem:s11+$0x3060];
	v24 =	vadd.f32 v25, v7;
	[tilespmem:s13+$0x40D0] =	vst v27  }
0x63: {  	v25 =	vld [tilespmem:s21+$0x3070];
	[tilespmem:s13+$0x40E0] =	vst v23;
	v21 =	vadd.f32 v21, v6;
	v19 =	vadd.f32 v19, v12  }
0x64: {  	v23 =	vld [tilespmem:s21+$0x3000];
	[tilespmem:s11+$0x40F0] =	vst v24;
	v22 =	vadd.f32 v22, v5;
	v17 =	vadd.f32 v17, v11  }
0x65: {  	v24 =	vld [tilespmem:s21+$0x3010];
	[tilespmem:s11+$0x4080] =	vst v21;
	v19 =	vadd.f32 v19, v4  }
0x66: {  	v16 =	vadd.f32 v16, v10;
	v21 =	vld [tilespmem:s21+$0x3020];
	[tilespmem:s11+$0x4090] =	vst v22;
	v17 =	vadd.f32 v17, v3  }
0x67: {  	v18 =	vadd.f32 v18, v9;
	v22 =	vld [tilespmem:s21+$0x3030];
	[tilespmem:s11+$0x40A0] =	vst v19  }
0x68: {  	v16 =	vadd.f32 v16, v2;
	v19 =	vld [tilespmem:s21+$0x3040];
	[tilespmem:s11+$0x40B0] =	vst v17;
	v17 =	vadd.f32 v20, v8  }
0x69: {  	v15 =	vadd.f32 v25, v15;
	v18 =	vadd.f32 v18, v1  }
0x6a: {  	v20 =	vld [tilespmem:s21+$0x3050];
	[tilespmem:s11+$0x40C0] =	vst v16;
	v14 =	vadd.f32 v23, v14;
	v16 =	vadd.f32 v17, v0  }
0x6b: {  	v17 =	vld [tilespmem:s21+$0x3060];
	v13 =	vadd.f32 v24, v13;
	v15 =	vadd.f32 v15, v7;
	[tilespmem:s11+$0x40D0] =	vst v18  }
0x6c: {  	v14 =	vadd.f32 v14, v6;
	v12 =	vadd.f32 v21, v12;
	[tilespmem:s11+$0x40E0] =	vst v16  }
0x6d: {  	v13 =	vadd.f32 v13, v5;
	v11 =	vadd.f32 v22, v11;
	[tilespmem:s21+$0x40F0] =	vst v15  }
0x6e: {  	[tilespmem:s21+$0x4080] =	vst v14;
	v12 =	vadd.f32 v12, v4;
	v10 =	vadd.f32 v19, v10  }
0x6f: {  	[tilespmem:s21+$0x4090] =	vst v13;
	v11 =	vadd.f32 v11, v3;
	v9 =	vadd.f32 v20, v9  }
0x70: {  	[tilespmem:s21+$0x40A0] =	vst v12;
	v10 =	vadd.f32 v10, v2;
	v8 =	vadd.f32 v17, v8  }
0x71: {  	[tilespmem:s21+$0x40B0] =	vst v11;
	v9 =	vadd.f32 v9, v1  }
0x72: {  	[tilespmem:s21+$0x40C0] =	vst v10;
	v8 =	vadd.f32 v8, v0  }
0x73: {  	[tilespmem:s21+$0x40D0] =	vst v9  }
0x74: {  	[tilespmem:s21+$0x40E0] =	vst v8  }
0x75: {  	v14 =	vld [tilespmem:$0x3600]  }
0x76: {  	v13 =	vld [tilespmem:$0x3610]  }
0x77: {  	v12 =	vld [tilespmem:$0x3620]  }
0x78: {  	v11 =	vld [tilespmem:$0x3630]  }
0x79: {  	v10 =	vld [tilespmem:$0x3640]  }
0x7a: {  	v9 =	vld [tilespmem:$0x3650]  }
0x7b: {  	v8 =	vld [tilespmem:$0x3660]  }
0x7c: {  	s13 =	simm.s32 $0x0;
	v15 =	vld [tilespmem:$0x3670]  }
0x7d: {  	v16 =	vld [tilespmem:s13+$0x3070]  }
0x7e: {  	v17 =	vld [tilespmem:s13+$0x3000]  }
0x7f: {  	v18 =	vld [tilespmem:s13+$0x3010]  }
0x80: {  	v19 =	vld [tilespmem:s13+$0x3020]  }
0x81: {  	v20 =	vld [tilespmem:s13+$0x3030]  }
0x82: {  	v21 =	vld [tilespmem:s13+$0x3040];
	v16 =	vadd.f32 v16, v15  }
0x83: {  	v22 =	vld [tilespmem:s13+$0x3050]  }
0x84: {  	s11 =	simm.s32 $0x80;
	v23 =	vld [tilespmem:s13+$0x3060];
	v17 =	vadd.f32 v17, v14;
	v16 =	vadd.f32 v16, v7  }
0x85: {  	v24 =	vld [tilespmem:s11+$0x3070];
	v18 =	vadd.f32 v18, v13  }
0x86: {  	v25 =	vld [tilespmem:s11+$0x3000];
	v17 =	vadd.f32 v17, v6;
	[tilespmem:s13+$0x4670] =	vst v16;
	v16 =	vadd.f32 v19, v12  }
0x87: {  	v20 =	vadd.f32 v20, v11;
	v18 =	vadd.f32 v18, v5  }
0x88: {  	v26 =	vld [tilespmem:s11+$0x3010];
	[tilespmem:s13+$0x4600] =	vst v17;
	v16 =	vadd.f32 v16, v4  }
0x89: {  	v20 =	vadd.f32 v20, v3;
	v19 =	vld [tilespmem:s11+$0x3020];
	[tilespmem:s13+$0x4610] =	vst v18;
	v18 =	vadd.f32 v21, v10  }
0x8a: {  	v21 =	vadd.f32 v22, v9;
	v17 =	vld [tilespmem:s11+$0x3030];
	[tilespmem:s13+$0x4620] =	vst v16  }
0x8b: {  	v22 =	vadd.f32 v18, v2;
	v16 =	vld [tilespmem:s11+$0x3040];
	[tilespmem:s13+$0x4630] =	vst v20;
	v20 =	vadd.f32 v23, v8  }
0x8c: {  	v24 =	vadd.f32 v24, v15;
	v27 =	vadd.f32 v21, v1  }
0x8d: {  	v21 =	vadd.f32 v25, v14;
	v18 =	vld [tilespmem:s11+$0x3050];
	[tilespmem:s13+$0x4640] =	vst v22;
	v23 =	vadd.f32 v20, v0  }
0x8e: {  	s23 =	simm.s32 $0x600;
	s21 =	simm.s32 $0x100;
	v24 =	vadd.f32 v24, v7;
	v22 =	vadd.f32 v26, v13;
	v20 =	vld [tilespmem:s11+$0x3060];
	[tilespmem:s13+$0x4650] =	vst v27  }
.LBB2_5:
0x8f: {  	p1 =	sne.s32 s23, $0x1400;
	v25 =	vld [tilespmem:s21+$0x3070];
	v21 =	vadd.f32 v21, v6;
	v19 =	vadd.f32 v19, v12;
	[tilespmem:s13+$0x4660] =	vst v23;
	s13 =	smov.u32 s11;
	s11 =	smov.u32 s21  }
0x90: {  	v23 =	vld [tilespmem:s11+$0x3000];
	v22 =	vadd.f32 v22, v5;
	v17 =	vadd.f32 v17, v11;
	[tilespmem:s13+$0x4670] =	vst v24  }
0x91: {  	v24 =	vld [tilespmem:s11+$0x3010];
	[tilespmem:s13+$0x4600] =	vst v21;
	v21 =	vadd.f32 v19, v4;
	v16 =	vadd.f32 v16, v10  }
.Ltmp4:
0x92: {  	v19 =	vld [tilespmem:s11+$0x3020];
	[tilespmem:s13+$0x4610] =	vst v22;
	v22 =	vadd.f32 v17, v3;
	v18 =	vadd.f32 v18, v9;
	(pc) =	sbr.rel @p1 .LBB2_5-.Ltmp4, $4  }
0x93: {  	v17 =	vld [tilespmem:s11+$0x3030];
	[tilespmem:s13+$0x4620] =	vst v21;
	v26 =	vadd.f32 v16, v2;
	v20 =	vadd.f32 v20, v8  }
0x94: {  	v16 =	vld [tilespmem:s11+$0x3040];
	v25 =	vadd.f32 v25, v15;
	[tilespmem:s13+$0x4630] =	vst v22;
	v27 =	vadd.f32 v18, v1  }
0x95: {  	v21 =	vadd.f32 v23, v14;
	v18 =	vld [tilespmem:s11+$0x3050];
	[tilespmem:s13+$0x4640] =	vst v26;
	v23 =	vadd.f32 v20, v0  }
0x96: {  	s21 =	sshra.s32 s23, $0x2;
	s23 =	sadd.s32 $0x200, s23;
	v22 =	vadd.f32 v24, v13;
	v20 =	vld [tilespmem:s11+$0x3060];
	v24 =	vadd.f32 v25, v7;
	[tilespmem:s13+$0x4650] =	vst v27  }
0x97: {  	v25 =	vld [tilespmem:s21+$0x3070];
	[tilespmem:s13+$0x4660] =	vst v23;
	v21 =	vadd.f32 v21, v6;
	v19 =	vadd.f32 v19, v12  }
0x98: {  	v23 =	vld [tilespmem:s21+$0x3000];
	[tilespmem:s11+$0x4670] =	vst v24;
	v22 =	vadd.f32 v22, v5;
	v17 =	vadd.f32 v17, v11  }
0x99: {  	v24 =	vld [tilespmem:s21+$0x3010];
	[tilespmem:s11+$0x4600] =	vst v21;
	v19 =	vadd.f32 v19, v4  }
0x9a: {  	v16 =	vadd.f32 v16, v10;
	v21 =	vld [tilespmem:s21+$0x3020];
	[tilespmem:s11+$0x4610] =	vst v22;
	v17 =	vadd.f32 v17, v3  }
0x9b: {  	v18 =	vadd.f32 v18, v9;
	v22 =	vld [tilespmem:s21+$0x3030];
	[tilespmem:s11+$0x4620] =	vst v19  }
0x9c: {  	v16 =	vadd.f32 v16, v2;
	v19 =	vld [tilespmem:s21+$0x3040];
	[tilespmem:s11+$0x4630] =	vst v17;
	v17 =	vadd.f32 v20, v8  }
0x9d: {  	v15 =	vadd.f32 v25, v15;
	v18 =	vadd.f32 v18, v1  }
0x9e: {  	v20 =	vld [tilespmem:s21+$0x3050];
	[tilespmem:s11+$0x4640] =	vst v16;
	v14 =	vadd.f32 v23, v14;
	v16 =	vadd.f32 v17, v0  }
0x9f: {  	v17 =	vld [tilespmem:s21+$0x3060];
	v13 =	vadd.f32 v24, v13;
	v15 =	vadd.f32 v15, v7;
	[tilespmem:s11+$0x4650] =	vst v18  }
0xa0: {  	v14 =	vadd.f32 v14, v6;
	v12 =	vadd.f32 v21, v12;
	[tilespmem:s11+$0x4660] =	vst v16  }
0xa1: {  	v13 =	vadd.f32 v13, v5;
	v11 =	vadd.f32 v22, v11;
	[tilespmem:s21+$0x4670] =	vst v15  }
0xa2: {  	[tilespmem:s21+$0x4600] =	vst v14;
	v12 =	vadd.f32 v12, v4;
	v10 =	vadd.f32 v19, v10  }
0xa3: {  	[tilespmem:s21+$0x4610] =	vst v13;
	v11 =	vadd.f32 v11, v3;
	v9 =	vadd.f32 v20, v9  }
0xa4: {  	[tilespmem:s21+$0x4620] =	vst v12;
	v10 =	vadd.f32 v10, v2;
	v8 =	vadd.f32 v17, v8  }
0xa5: {  	[tilespmem:s21+$0x4630] =	vst v11;
	v9 =	vadd.f32 v9, v1  }
0xa6: {  	[tilespmem:s21+$0x4640] =	vst v10;
	v8 =	vadd.f32 v8, v0  }
0xa7: {  	[tilespmem:s21+$0x4650] =	vst v9  }
0xa8: {  	[tilespmem:s21+$0x4660] =	vst v8  }
0xa9: {  	v14 =	vld [tilespmem:$0x3680]  }
0xaa: {  	v13 =	vld [tilespmem:$0x3690]  }
0xab: {  	v12 =	vld [tilespmem:$0x36A0]  }
0xac: {  	v11 =	vld [tilespmem:$0x36B0]  }
0xad: {  	v10 =	vld [tilespmem:$0x36C0]  }
0xae: {  	v9 =	vld [tilespmem:$0x36D0]  }
0xaf: {  	v8 =	vld [tilespmem:$0x36E0]  }
0xb0: {  	s13 =	simm.s32 $0x0;
	v15 =	vld [tilespmem:$0x36F0]  }
0xb1: {  	v16 =	vld [tilespmem:s13+$0x3070]  }
0xb2: {  	v17 =	vld [tilespmem:s13+$0x3000]  }
0xb3: {  	v18 =	vld [tilespmem:s13+$0x3010]  }
0xb4: {  	v19 =	vld [tilespmem:s13+$0x3020]  }
0xb5: {  	v20 =	vld [tilespmem:s13+$0x3030]  }
0xb6: {  	v21 =	vld [tilespmem:s13+$0x3040];
	v16 =	vadd.f32 v16, v15  }
0xb7: {  	v22 =	vld [tilespmem:s13+$0x3050]  }
0xb8: {  	s11 =	simm.s32 $0x80;
	v23 =	vld [tilespmem:s13+$0x3060];
	v17 =	vadd.f32 v17, v14;
	v16 =	vadd.f32 v16, v7  }
0xb9: {  	v24 =	vld [tilespmem:s11+$0x3070];
	v18 =	vadd.f32 v18, v13  }
0xba: {  	v25 =	vld [tilespmem:s11+$0x3000];
	v17 =	vadd.f32 v17, v6;
	[tilespmem:s13+$0x4BF0] =	vst v16;
	v16 =	vadd.f32 v19, v12  }
0xbb: {  	v20 =	vadd.f32 v20, v11;
	v18 =	vadd.f32 v18, v5  }
0xbc: {  	v26 =	vld [tilespmem:s11+$0x3010];
	[tilespmem:s13+$0x4B80] =	vst v17;
	v16 =	vadd.f32 v16, v4  }
0xbd: {  	v20 =	vadd.f32 v20, v3;
	v19 =	vld [tilespmem:s11+$0x3020];
	[tilespmem:s13+$0x4B90] =	vst v18;
	v18 =	vadd.f32 v21, v10  }
0xbe: {  	v21 =	vadd.f32 v22, v9;
	v17 =	vld [tilespmem:s11+$0x3030];
	[tilespmem:s13+$0x4BA0] =	vst v16  }
0xbf: {  	v22 =	vadd.f32 v18, v2;
	v16 =	vld [tilespmem:s11+$0x3040];
	[tilespmem:s13+$0x4BB0] =	vst v20;
	v20 =	vadd.f32 v23, v8  }
0xc0: {  	v24 =	vadd.f32 v24, v15;
	v27 =	vadd.f32 v21, v1  }
0xc1: {  	v21 =	vadd.f32 v25, v14;
	v18 =	vld [tilespmem:s11+$0x3050];
	[tilespmem:s13+$0x4BC0] =	vst v22;
	v23 =	vadd.f32 v20, v0  }
0xc2: {  	s23 =	simm.s32 $0x600;
	s21 =	simm.s32 $0x100;
	v24 =	vadd.f32 v24, v7;
	v22 =	vadd.f32 v26, v13;
	v20 =	vld [tilespmem:s11+$0x3060];
	[tilespmem:s13+$0x4BD0] =	vst v27  }
.LBB2_7:
0xc3: {  	p1 =	sne.s32 s23, $0x1400;
	v25 =	vld [tilespmem:s21+$0x3070];
	v21 =	vadd.f32 v21, v6;
	v19 =	vadd.f32 v19, v12;
	[tilespmem:s13+$0x4BE0] =	vst v23;
	s13 =	smov.u32 s11;
	s11 =	smov.u32 s21  }
0xc4: {  	v23 =	vld [tilespmem:s11+$0x3000];
	v22 =	vadd.f32 v22, v5;
	v17 =	vadd.f32 v17, v11;
	[tilespmem:s13+$0x4BF0] =	vst v24  }
0xc5: {  	v24 =	vld [tilespmem:s11+$0x3010];
	[tilespmem:s13+$0x4B80] =	vst v21;
	v21 =	vadd.f32 v19, v4;
	v16 =	vadd.f32 v16, v10  }
.Ltmp5:
0xc6: {  	v19 =	vld [tilespmem:s11+$0x3020];
	[tilespmem:s13+$0x4B90] =	vst v22;
	v22 =	vadd.f32 v17, v3;
	v18 =	vadd.f32 v18, v9;
	(pc) =	sbr.rel @p1 .LBB2_7-.Ltmp5, $4  }
0xc7: {  	v17 =	vld [tilespmem:s11+$0x3030];
	[tilespmem:s13+$0x4BA0] =	vst v21;
	v26 =	vadd.f32 v16, v2;
	v20 =	vadd.f32 v20, v8  }
0xc8: {  	v16 =	vld [tilespmem:s11+$0x3040];
	v25 =	vadd.f32 v25, v15;
	[tilespmem:s13+$0x4BB0] =	vst v22;
	v27 =	vadd.f32 v18, v1  }
0xc9: {  	v21 =	vadd.f32 v23, v14;
	v18 =	vld [tilespmem:s11+$0x3050];
	[tilespmem:s13+$0x4BC0] =	vst v26;
	v23 =	vadd.f32 v20, v0  }
0xca: {  	s21 =	sshra.s32 s23, $0x2;
	s23 =	sadd.s32 $0x200, s23;
	v22 =	vadd.f32 v24, v13;
	v20 =	vld [tilespmem:s11+$0x3060];
	v24 =	vadd.f32 v25, v7;
	[tilespmem:s13+$0x4BD0] =	vst v27  }
0xcb: {  	v25 =	vld [tilespmem:s21+$0x3070];
	[tilespmem:s13+$0x4BE0] =	vst v23;
	v21 =	vadd.f32 v21, v6;
	v19 =	vadd.f32 v19, v12  }
0xcc: {  	v23 =	vld [tilespmem:s21+$0x3000];
	[tilespmem:s11+$0x4BF0] =	vst v24;
	v22 =	vadd.f32 v22, v5;
	v17 =	vadd.f32 v17, v11  }
0xcd: {  	v24 =	vld [tilespmem:s21+$0x3010];
	[tilespmem:s11+$0x4B80] =	vst v21;
	v19 =	vadd.f32 v19, v4  }
0xce: {  	v16 =	vadd.f32 v16, v10;
	v21 =	vld [tilespmem:s21+$0x3020];
	[tilespmem:s11+$0x4B90] =	vst v22;
	v17 =	vadd.f32 v17, v3  }
0xcf: {  	v18 =	vadd.f32 v18, v9;
	v22 =	vld [tilespmem:s21+$0x3030];
	[tilespmem:s11+$0x4BA0] =	vst v19  }
0xd0: {  	v16 =	vadd.f32 v16, v2;
	v19 =	vld [tilespmem:s21+$0x3040];
	[tilespmem:s11+$0x4BB0] =	vst v17;
	v17 =	vadd.f32 v20, v8  }
0xd1: {  	v15 =	vadd.f32 v25, v15;
	v18 =	vadd.f32 v18, v1  }
0xd2: {  	v20 =	vld [tilespmem:s21+$0x3050];
	[tilespmem:s11+$0x4BC0] =	vst v16;
	v14 =	vadd.f32 v23, v14;
	v16 =	vadd.f32 v17, v0  }
0xd3: {  	v17 =	vld [tilespmem:s21+$0x3060];
	v13 =	vadd.f32 v24, v13;
	v15 =	vadd.f32 v15, v7;
	[tilespmem:s11+$0x4BD0] =	vst v18  }
0xd4: {  	v14 =	vadd.f32 v14, v6;
	v12 =	vadd.f32 v21, v12;
	[tilespmem:s11+$0x4BE0] =	vst v16  }
0xd5: {  	v13 =	vadd.f32 v13, v5;
	v11 =	vadd.f32 v22, v11;
	[tilespmem:s21+$0x4BF0] =	vst v15  }
0xd6: {  	[tilespmem:s21+$0x4B80] =	vst v14;
	v12 =	vadd.f32 v12, v4;
	v10 =	vadd.f32 v19, v10  }
0xd7: {  	[tilespmem:s21+$0x4B90] =	vst v13;
	v11 =	vadd.f32 v11, v3;
	v9 =	vadd.f32 v20, v9  }
0xd8: {  	[tilespmem:s21+$0x4BA0] =	vst v12;
	v10 =	vadd.f32 v10, v2;
	v8 =	vadd.f32 v17, v8  }
0xd9: {  	[tilespmem:s21+$0x4BB0] =	vst v11;
	v9 =	vadd.f32 v9, v1  }
0xda: {  	[tilespmem:s21+$0x4BC0] =	vst v10;
	v8 =	vadd.f32 v8, v0  }
0xdb: {  	[tilespmem:s21+$0x4BD0] =	vst v9  }
0xdc: {  	[tilespmem:s21+$0x4BE0] =	vst v8  }
0xdd: {  	v14 =	vld [tilespmem:$0x3700]  }
0xde: {  	v13 =	vld [tilespmem:$0x3710]  }
0xdf: {  	v12 =	vld [tilespmem:$0x3720]  }
0xe0: {  	v11 =	vld [tilespmem:$0x3730]  }
0xe1: {  	v10 =	vld [tilespmem:$0x3740]  }
0xe2: {  	v9 =	vld [tilespmem:$0x3750]  }
0xe3: {  	v8 =	vld [tilespmem:$0x3760]  }
0xe4: {  	s13 =	simm.s32 $0x0;
	v15 =	vld [tilespmem:$0x3770]  }
0xe5: {  	v16 =	vld [tilespmem:s13+$0x3070]  }
0xe6: {  	v17 =	vld [tilespmem:s13+$0x3000]  }
0xe7: {  	v18 =	vld [tilespmem:s13+$0x3010]  }
0xe8: {  	v19 =	vld [tilespmem:s13+$0x3020]  }
0xe9: {  	v20 =	vld [tilespmem:s13+$0x3030]  }
0xea: {  	v21 =	vld [tilespmem:s13+$0x3040];
	v16 =	vadd.f32 v16, v15  }
0xeb: {  	v22 =	vld [tilespmem:s13+$0x3050]  }
0xec: {  	s11 =	simm.s32 $0x80;
	v23 =	vld [tilespmem:s13+$0x3060];
	v17 =	vadd.f32 v17, v14;
	v16 =	vadd.f32 v16, v7  }
0xed: {  	v24 =	vld [tilespmem:s11+$0x3070];
	v18 =	vadd.f32 v18, v13  }
0xee: {  	v25 =	vld [tilespmem:s11+$0x3000];
	v17 =	vadd.f32 v17, v6;
	[tilespmem:s13+$0x5170] =	vst v16;
	v16 =	vadd.f32 v19, v12  }
0xef: {  	v20 =	vadd.f32 v20, v11;
	v18 =	vadd.f32 v18, v5  }
0xf0: {  	v26 =	vld [tilespmem:s11+$0x3010];
	[tilespmem:s13+$0x5100] =	vst v17;
	v16 =	vadd.f32 v16, v4  }
0xf1: {  	v20 =	vadd.f32 v20, v3;
	v19 =	vld [tilespmem:s11+$0x3020];
	[tilespmem:s13+$0x5110] =	vst v18;
	v18 =	vadd.f32 v21, v10  }
0xf2: {  	v21 =	vadd.f32 v22, v9;
	v17 =	vld [tilespmem:s11+$0x3030];
	[tilespmem:s13+$0x5120] =	vst v16  }
0xf3: {  	v22 =	vadd.f32 v18, v2;
	v16 =	vld [tilespmem:s11+$0x3040];
	[tilespmem:s13+$0x5130] =	vst v20;
	v20 =	vadd.f32 v23, v8  }
0xf4: {  	v24 =	vadd.f32 v24, v15;
	v27 =	vadd.f32 v21, v1  }
0xf5: {  	v21 =	vadd.f32 v25, v14;
	v18 =	vld [tilespmem:s11+$0x3050];
	[tilespmem:s13+$0x5140] =	vst v22;
	v23 =	vadd.f32 v20, v0  }
0xf6: {  	s23 =	simm.s32 $0x600;
	s21 =	simm.s32 $0x100;
	v24 =	vadd.f32 v24, v7;
	v22 =	vadd.f32 v26, v13;
	v20 =	vld [tilespmem:s11+$0x3060];
	[tilespmem:s13+$0x5150] =	vst v27  }
.LBB2_9:
0xf7: {  	p1 =	sne.s32 s23, $0x1400;
	v25 =	vld [tilespmem:s21+$0x3070];
	v21 =	vadd.f32 v21, v6;
	v19 =	vadd.f32 v19, v12;
	[tilespmem:s13+$0x5160] =	vst v23;
	s13 =	smov.u32 s11;
	s11 =	smov.u32 s21  }
0xf8: {  	v23 =	vld [tilespmem:s11+$0x3000];
	v22 =	vadd.f32 v22, v5;
	v17 =	vadd.f32 v17, v11;
	[tilespmem:s13+$0x5170] =	vst v24  }
0xf9: {  	v24 =	vld [tilespmem:s11+$0x3010];
	[tilespmem:s13+$0x5100] =	vst v21;
	v21 =	vadd.f32 v19, v4;
	v16 =	vadd.f32 v16, v10  }
.Ltmp6:
0xfa: {  	v19 =	vld [tilespmem:s11+$0x3020];
	[tilespmem:s13+$0x5110] =	vst v22;
	v22 =	vadd.f32 v17, v3;
	v18 =	vadd.f32 v18, v9;
	(pc) =	sbr.rel @p1 .LBB2_9-.Ltmp6, $4  }
0xfb: {  	v17 =	vld [tilespmem:s11+$0x3030];
	[tilespmem:s13+$0x5120] =	vst v21;
	v26 =	vadd.f32 v16, v2;
	v20 =	vadd.f32 v20, v8  }
0xfc: {  	v16 =	vld [tilespmem:s11+$0x3040];
	v25 =	vadd.f32 v25, v15;
	[tilespmem:s13+$0x5130] =	vst v22;
	v27 =	vadd.f32 v18, v1  }
0xfd: {  	v21 =	vadd.f32 v23, v14;
	v18 =	vld [tilespmem:s11+$0x3050];
	[tilespmem:s13+$0x5140] =	vst v26;
	v23 =	vadd.f32 v20, v0  }
0xfe: {  	s21 =	sshra.s32 s23, $0x2;
	s23 =	sadd.s32 $0x200, s23;
	v22 =	vadd.f32 v24, v13;
	v20 =	vld [tilespmem:s11+$0x3060];
	v24 =	vadd.f32 v25, v7;
	[tilespmem:s13+$0x5150] =	vst v27  }
0xff: {  	v25 =	vld [tilespmem:s21+$0x3070];
	[tilespmem:s13+$0x5160] =	vst v23;
	v21 =	vadd.f32 v21, v6;
	v19 =	vadd.f32 v19, v12  }
0x100: {  	v23 =	vld [tilespmem:s21+$0x3000];
	[tilespmem:s11+$0x5170] =	vst v24;
	v22 =	vadd.f32 v22, v5;
	v17 =	vadd.f32 v17, v11  }
0x101: {  	v24 =	vld [tilespmem:s21+$0x3010];
	[tilespmem:s11+$0x5100] =	vst v21;
	v19 =	vadd.f32 v19, v4  }
0x102: {  	v16 =	vadd.f32 v16, v10;
	v21 =	vld [tilespmem:s21+$0x3020];
	[tilespmem:s11+$0x5110] =	vst v22;
	v17 =	vadd.f32 v17, v3  }
0x103: {  	v18 =	vadd.f32 v18, v9;
	v22 =	vld [tilespmem:s21+$0x3030];
	[tilespmem:s11+$0x5120] =	vst v19  }
0x104: {  	v16 =	vadd.f32 v16, v2;
	v19 =	vld [tilespmem:s21+$0x3040];
	[tilespmem:s11+$0x5130] =	vst v17;
	v17 =	vadd.f32 v20, v8  }
0x105: {  	v15 =	vadd.f32 v25, v15;
	v18 =	vadd.f32 v18, v1  }
0x106: {  	v20 =	vld [tilespmem:s21+$0x3050];
	[tilespmem:s11+$0x5140] =	vst v16;
	v14 =	vadd.f32 v23, v14;
	v16 =	vadd.f32 v17, v0  }
0x107: {  	v17 =	vld [tilespmem:s21+$0x3060];
	v13 =	vadd.f32 v24, v13;
	v15 =	vadd.f32 v15, v7;
	[tilespmem:s11+$0x5150] =	vst v18  }
0x108: {  	v14 =	vadd.f32 v14, v6;
	v12 =	vadd.f32 v21, v12;
	[tilespmem:s11+$0x5160] =	vst v16  }
0x109: {  	v13 =	vadd.f32 v13, v5;
	v11 =	vadd.f32 v22, v11;
	[tilespmem:s21+$0x5170] =	vst v15  }
0x10a: {  	[tilespmem:s21+$0x5100] =	vst v14;
	v12 =	vadd.f32 v12, v4;
	v10 =	vadd.f32 v19, v10  }
0x10b: {  	[tilespmem:s21+$0x5110] =	vst v13;
	v11 =	vadd.f32 v11, v3;
	v9 =	vadd.f32 v20, v9  }
0x10c: {  	[tilespmem:s21+$0x5120] =	vst v12;
	v10 =	vadd.f32 v10, v2;
	v8 =	vadd.f32 v17, v8  }
0x10d: {  	[tilespmem:s21+$0x5130] =	vst v11;
	v9 =	vadd.f32 v9, v1  }
0x10e: {  	[tilespmem:s21+$0x5140] =	vst v10;
	v8 =	vadd.f32 v8, v0  }
0x10f: {  	[tilespmem:s21+$0x5150] =	vst v9  }
0x110: {  	[tilespmem:s21+$0x5160] =	vst v8  }
0x111: {  	v14 =	vld [tilespmem:$0x3780]  }
0x112: {  	v13 =	vld [tilespmem:$0x3790]  }
0x113: {  	v12 =	vld [tilespmem:$0x37A0]  }
0x114: {  	v11 =	vld [tilespmem:$0x37B0]  }
0x115: {  	v10 =	vld [tilespmem:$0x37C0]  }
0x116: {  	v9 =	vld [tilespmem:$0x37D0]  }
0x117: {  	v8 =	vld [tilespmem:$0x37E0]  }
0x118: {  	s13 =	simm.s32 $0x0;
	v15 =	vld [tilespmem:$0x37F0]  }
0x119: {  	v16 =	vld [tilespmem:s13+$0x3070]  }
0x11a: {  	v17 =	vld [tilespmem:s13+$0x3000]  }
0x11b: {  	v18 =	vld [tilespmem:s13+$0x3010]  }
0x11c: {  	v19 =	vld [tilespmem:s13+$0x3020]  }
0x11d: {  	v20 =	vld [tilespmem:s13+$0x3030]  }
0x11e: {  	v21 =	vld [tilespmem:s13+$0x3040];
	v16 =	vadd.f32 v16, v15  }
0x11f: {  	v22 =	vld [tilespmem:s13+$0x3050]  }
0x120: {  	s11 =	simm.s32 $0x80;
	v23 =	vld [tilespmem:s13+$0x3060];
	v17 =	vadd.f32 v17, v14;
	v16 =	vadd.f32 v16, v7  }
0x121: {  	v24 =	vld [tilespmem:s11+$0x3070];
	v18 =	vadd.f32 v18, v13  }
0x122: {  	v25 =	vld [tilespmem:s11+$0x3000];
	v17 =	vadd.f32 v17, v6;
	[tilespmem:s13+$0x56F0] =	vst v16;
	v16 =	vadd.f32 v19, v12  }
0x123: {  	v20 =	vadd.f32 v20, v11;
	v18 =	vadd.f32 v18, v5  }
0x124: {  	v26 =	vld [tilespmem:s11+$0x3010];
	[tilespmem:s13+$0x5680] =	vst v17;
	v16 =	vadd.f32 v16, v4  }
0x125: {  	v20 =	vadd.f32 v20, v3;
	v19 =	vld [tilespmem:s11+$0x3020];
	[tilespmem:s13+$0x5690] =	vst v18;
	v18 =	vadd.f32 v21, v10  }
0x126: {  	v21 =	vadd.f32 v22, v9;
	v17 =	vld [tilespmem:s11+$0x3030];
	[tilespmem:s13+$0x56A0] =	vst v16  }
0x127: {  	v22 =	vadd.f32 v18, v2;
	v16 =	vld [tilespmem:s11+$0x3040];
	[tilespmem:s13+$0x56B0] =	vst v20;
	v20 =	vadd.f32 v23, v8  }
0x128: {  	v24 =	vadd.f32 v24, v15;
	v27 =	vadd.f32 v21, v1  }
0x129: {  	v21 =	vadd.f32 v25, v14;
	v18 =	vld [tilespmem:s11+$0x3050];
	[tilespmem:s13+$0x56C0] =	vst v22;
	v23 =	vadd.f32 v20, v0  }
0x12a: {  	s23 =	simm.s32 $0x600;
	s21 =	simm.s32 $0x100;
	v24 =	vadd.f32 v24, v7;
	v22 =	vadd.f32 v26, v13;
	v20 =	vld [tilespmem:s11+$0x3060];
	[tilespmem:s13+$0x56D0] =	vst v27  }
.LBB2_11:
0x12b: {  	p1 =	sne.s32 s23, $0x1400;
	v25 =	vld [tilespmem:s21+$0x3070];
	v21 =	vadd.f32 v21, v6;
	v19 =	vadd.f32 v19, v12;
	[tilespmem:s13+$0x56E0] =	vst v23;
	s13 =	smov.u32 s11;
	s11 =	smov.u32 s21  }
0x12c: {  	v23 =	vld [tilespmem:s11+$0x3000];
	v22 =	vadd.f32 v22, v5;
	v17 =	vadd.f32 v17, v11;
	[tilespmem:s13+$0x56F0] =	vst v24  }
0x12d: {  	v24 =	vld [tilespmem:s11+$0x3010];
	[tilespmem:s13+$0x5680] =	vst v21;
	v21 =	vadd.f32 v19, v4;
	v16 =	vadd.f32 v16, v10  }
.Ltmp7:
0x12e: {  	v19 =	vld [tilespmem:s11+$0x3020];
	[tilespmem:s13+$0x5690] =	vst v22;
	v22 =	vadd.f32 v17, v3;
	v18 =	vadd.f32 v18, v9;
	(pc) =	sbr.rel @p1 .LBB2_11-.Ltmp7, $4  }
0x12f: {  	v17 =	vld [tilespmem:s11+$0x3030];
	[tilespmem:s13+$0x56A0] =	vst v21;
	v26 =	vadd.f32 v16, v2;
	v20 =	vadd.f32 v20, v8  }
0x130: {  	v16 =	vld [tilespmem:s11+$0x3040];
	v25 =	vadd.f32 v25, v15;
	[tilespmem:s13+$0x56B0] =	vst v22;
	v27 =	vadd.f32 v18, v1  }
0x131: {  	v21 =	vadd.f32 v23, v14;
	v18 =	vld [tilespmem:s11+$0x3050];
	[tilespmem:s13+$0x56C0] =	vst v26;
	v23 =	vadd.f32 v20, v0  }
0x132: {  	s21 =	sshra.s32 s23, $0x2;
	s23 =	sadd.s32 $0x200, s23;
	v22 =	vadd.f32 v24, v13;
	v20 =	vld [tilespmem:s11+$0x3060];
	v24 =	vadd.f32 v25, v7;
	[tilespmem:s13+$0x56D0] =	vst v27  }
0x133: {  	v25 =	vld [tilespmem:s21+$0x3070];
	[tilespmem:s13+$0x56E0] =	vst v23;
	v21 =	vadd.f32 v21, v6;
	v19 =	vadd.f32 v19, v12  }
0x134: {  	v23 =	vld [tilespmem:s21+$0x3000];
	[tilespmem:s11+$0x56F0] =	vst v24;
	v22 =	vadd.f32 v22, v5;
	v17 =	vadd.f32 v17, v11  }
0x135: {  	v24 =	vld [tilespmem:s21+$0x3010];
	[tilespmem:s11+$0x5680] =	vst v21;
	v19 =	vadd.f32 v19, v4  }
0x136: {  	v16 =	vadd.f32 v16, v10;
	v21 =	vld [tilespmem:s21+$0x3020];
	[tilespmem:s11+$0x5690] =	vst v22;
	v17 =	vadd.f32 v17, v3  }
0x137: {  	v18 =	vadd.f32 v18, v9;
	v22 =	vld [tilespmem:s21+$0x3030];
	[tilespmem:s11+$0x56A0] =	vst v19  }
0x138: {  	v16 =	vadd.f32 v16, v2;
	v19 =	vld [tilespmem:s21+$0x3040];
	[tilespmem:s11+$0x56B0] =	vst v17;
	v17 =	vadd.f32 v20, v8  }
0x139: {  	v15 =	vadd.f32 v25, v15;
	v18 =	vadd.f32 v18, v1  }
0x13a: {  	v20 =	vld [tilespmem:s21+$0x3050];
	[tilespmem:s11+$0x56C0] =	vst v16;
	v14 =	vadd.f32 v23, v14;
	v16 =	vadd.f32 v17, v0  }
0x13b: {  	v17 =	vld [tilespmem:s21+$0x3060];
	v13 =	vadd.f32 v24, v13;
	v15 =	vadd.f32 v15, v7;
	[tilespmem:s11+$0x56D0] =	vst v18  }
0x13c: {  	v14 =	vadd.f32 v14, v6;
	v12 =	vadd.f32 v21, v12;
	[tilespmem:s11+$0x56E0] =	vst v16  }
0x13d: {  	v13 =	vadd.f32 v13, v5;
	v11 =	vadd.f32 v22, v11;
	[tilespmem:s21+$0x56F0] =	vst v15  }
0x13e: {  	[tilespmem:s21+$0x5680] =	vst v14;
	v12 =	vadd.f32 v12, v4;
	v10 =	vadd.f32 v19, v10  }
0x13f: {  	[tilespmem:s21+$0x5690] =	vst v13;
	v11 =	vadd.f32 v11, v3;
	v9 =	vadd.f32 v20, v9  }
0x140: {  	[tilespmem:s21+$0x56A0] =	vst v12;
	v10 =	vadd.f32 v10, v2;
	v8 =	vadd.f32 v17, v8  }
0x141: {  	[tilespmem:s21+$0x56B0] =	vst v11;
	v9 =	vadd.f32 v9, v1  }
0x142: {  	[tilespmem:s21+$0x56C0] =	vst v10;
	v8 =	vadd.f32 v8, v0  }
0x143: {  	[tilespmem:s21+$0x56D0] =	vst v9  }
0x144: {  	[tilespmem:s21+$0x56E0] =	vst v8  }
0x145: {  	v14 =	vld [tilespmem:$0x3800]  }
0x146: {  	v13 =	vld [tilespmem:$0x3810]  }
0x147: {  	v12 =	vld [tilespmem:$0x3820]  }
0x148: {  	v11 =	vld [tilespmem:$0x3830]  }
0x149: {  	v10 =	vld [tilespmem:$0x3840]  }
0x14a: {  	v9 =	vld [tilespmem:$0x3850]  }
0x14b: {  	v8 =	vld [tilespmem:$0x3860]  }
0x14c: {  	s13 =	simm.s32 $0x0;
	v15 =	vld [tilespmem:$0x3870]  }
0x14d: {  	v16 =	vld [tilespmem:s13+$0x3070]  }
0x14e: {  	v17 =	vld [tilespmem:s13+$0x3000]  }
0x14f: {  	v18 =	vld [tilespmem:s13+$0x3010]  }
0x150: {  	v19 =	vld [tilespmem:s13+$0x3020]  }
0x151: {  	v20 =	vld [tilespmem:s13+$0x3030]  }
0x152: {  	v21 =	vld [tilespmem:s13+$0x3040];
	v16 =	vadd.f32 v16, v15  }
0x153: {  	v22 =	vld [tilespmem:s13+$0x3050]  }
0x154: {  	s11 =	simm.s32 $0x80;
	v23 =	vld [tilespmem:s13+$0x3060];
	v17 =	vadd.f32 v17, v14;
	v16 =	vadd.f32 v16, v7  }
0x155: {  	v24 =	vld [tilespmem:s11+$0x3070];
	v18 =	vadd.f32 v18, v13  }
0x156: {  	v25 =	vld [tilespmem:s11+$0x3000];
	v17 =	vadd.f32 v17, v6;
	[tilespmem:s13+$0x5C70] =	vst v16;
	v16 =	vadd.f32 v19, v12  }
0x157: {  	v20 =	vadd.f32 v20, v11;
	v18 =	vadd.f32 v18, v5  }
0x158: {  	v26 =	vld [tilespmem:s11+$0x3010];
	[tilespmem:s13+$0x5C00] =	vst v17;
	v16 =	vadd.f32 v16, v4  }
0x159: {  	v20 =	vadd.f32 v20, v3;
	v19 =	vld [tilespmem:s11+$0x3020];
	[tilespmem:s13+$0x5C10] =	vst v18;
	v18 =	vadd.f32 v21, v10  }
0x15a: {  	v21 =	vadd.f32 v22, v9;
	v17 =	vld [tilespmem:s11+$0x3030];
	[tilespmem:s13+$0x5C20] =	vst v16  }
0x15b: {  	v22 =	vadd.f32 v18, v2;
	v16 =	vld [tilespmem:s11+$0x3040];
	[tilespmem:s13+$0x5C30] =	vst v20;
	v20 =	vadd.f32 v23, v8  }
0x15c: {  	v24 =	vadd.f32 v24, v15;
	v27 =	vadd.f32 v21, v1  }
0x15d: {  	v21 =	vadd.f32 v25, v14;
	v18 =	vld [tilespmem:s11+$0x3050];
	[tilespmem:s13+$0x5C40] =	vst v22;
	v23 =	vadd.f32 v20, v0  }
0x15e: {  	s23 =	simm.s32 $0x600;
	s21 =	simm.s32 $0x100;
	v24 =	vadd.f32 v24, v7;
	v22 =	vadd.f32 v26, v13;
	v20 =	vld [tilespmem:s11+$0x3060];
	[tilespmem:s13+$0x5C50] =	vst v27  }
.LBB2_13:
0x15f: {  	p1 =	sne.s32 s23, $0x1400;
	v25 =	vld [tilespmem:s21+$0x3070];
	v21 =	vadd.f32 v21, v6;
	v19 =	vadd.f32 v19, v12;
	[tilespmem:s13+$0x5C60] =	vst v23;
	s13 =	smov.u32 s11;
	s11 =	smov.u32 s21  }
0x160: {  	v23 =	vld [tilespmem:s11+$0x3000];
	v22 =	vadd.f32 v22, v5;
	v17 =	vadd.f32 v17, v11;
	[tilespmem:s13+$0x5C70] =	vst v24  }
0x161: {  	v24 =	vld [tilespmem:s11+$0x3010];
	[tilespmem:s13+$0x5C00] =	vst v21;
	v21 =	vadd.f32 v19, v4;
	v16 =	vadd.f32 v16, v10  }
.Ltmp8:
0x162: {  	v19 =	vld [tilespmem:s11+$0x3020];
	[tilespmem:s13+$0x5C10] =	vst v22;
	v22 =	vadd.f32 v17, v3;
	v18 =	vadd.f32 v18, v9;
	(pc) =	sbr.rel @p1 .LBB2_13-.Ltmp8, $4  }
0x163: {  	v17 =	vld [tilespmem:s11+$0x3030];
	[tilespmem:s13+$0x5C20] =	vst v21;
	v26 =	vadd.f32 v16, v2;
	v20 =	vadd.f32 v20, v8  }
0x164: {  	v16 =	vld [tilespmem:s11+$0x3040];
	v25 =	vadd.f32 v25, v15;
	[tilespmem:s13+$0x5C30] =	vst v22;
	v27 =	vadd.f32 v18, v1  }
0x165: {  	v21 =	vadd.f32 v23, v14;
	v18 =	vld [tilespmem:s11+$0x3050];
	[tilespmem:s13+$0x5C40] =	vst v26;
	v23 =	vadd.f32 v20, v0  }
0x166: {  	s21 =	sshra.s32 s23, $0x2;
	s23 =	sadd.s32 $0x200, s23;
	v22 =	vadd.f32 v24, v13;
	v20 =	vld [tilespmem:s11+$0x3060];
	v24 =	vadd.f32 v25, v7;
	[tilespmem:s13+$0x5C50] =	vst v27  }
0x167: {  	v25 =	vld [tilespmem:s21+$0x3070];
	[tilespmem:s13+$0x5C60] =	vst v23;
	v21 =	vadd.f32 v21, v6;
	v19 =	vadd.f32 v19, v12  }
0x168: {  	v23 =	vld [tilespmem:s21+$0x3000];
	[tilespmem:s11+$0x5C70] =	vst v24;
	v22 =	vadd.f32 v22, v5;
	v17 =	vadd.f32 v17, v11  }
0x169: {  	v24 =	vld [tilespmem:s21+$0x3010];
	[tilespmem:s11+$0x5C00] =	vst v21;
	v19 =	vadd.f32 v19, v4  }
0x16a: {  	v16 =	vadd.f32 v16, v10;
	v21 =	vld [tilespmem:s21+$0x3020];
	[tilespmem:s11+$0x5C10] =	vst v22;
	v17 =	vadd.f32 v17, v3  }
0x16b: {  	v18 =	vadd.f32 v18, v9;
	v22 =	vld [tilespmem:s21+$0x3030];
	[tilespmem:s11+$0x5C20] =	vst v19  }
0x16c: {  	v16 =	vadd.f32 v16, v2;
	v19 =	vld [tilespmem:s21+$0x3040];
	[tilespmem:s11+$0x5C30] =	vst v17;
	v17 =	vadd.f32 v20, v8  }
0x16d: {  	v15 =	vadd.f32 v25, v15;
	v18 =	vadd.f32 v18, v1  }
0x16e: {  	v20 =	vld [tilespmem:s21+$0x3050];
	[tilespmem:s11+$0x5C40] =	vst v16;
	v14 =	vadd.f32 v23, v14;
	v16 =	vadd.f32 v17, v0  }
0x16f: {  	v17 =	vld [tilespmem:s21+$0x3060];
	v13 =	vadd.f32 v24, v13;
	v15 =	vadd.f32 v15, v7;
	[tilespmem:s11+$0x5C50] =	vst v18  }
0x170: {  	v14 =	vadd.f32 v14, v6;
	v12 =	vadd.f32 v21, v12;
	[tilespmem:s11+$0x5C60] =	vst v16  }
0x171: {  	v13 =	vadd.f32 v13, v5;
	v11 =	vadd.f32 v22, v11;
	[tilespmem:s21+$0x5C70] =	vst v15  }
0x172: {  	[tilespmem:s21+$0x5C00] =	vst v14;
	v12 =	vadd.f32 v12, v4;
	v10 =	vadd.f32 v19, v10  }
0x173: {  	[tilespmem:s21+$0x5C10] =	vst v13;
	v11 =	vadd.f32 v11, v3;
	v9 =	vadd.f32 v20, v9  }
0x174: {  	[tilespmem:s21+$0x5C20] =	vst v12;
	v10 =	vadd.f32 v10, v2;
	v8 =	vadd.f32 v17, v8  }
0x175: {  	[tilespmem:s21+$0x5C30] =	vst v11;
	v9 =	vadd.f32 v9, v1  }
0x176: {  	[tilespmem:s21+$0x5C40] =	vst v10;
	v8 =	vadd.f32 v8, v0  }
0x177: {  	[tilespmem:s21+$0x5C50] =	vst v9  }
0x178: {  	[tilespmem:s21+$0x5C60] =	vst v8  }
0x179: {  	v14 =	vld [tilespmem:$0x3880]  }
0x17a: {  	v13 =	vld [tilespmem:$0x3890]  }
0x17b: {  	v12 =	vld [tilespmem:$0x38A0]  }
0x17c: {  	v11 =	vld [tilespmem:$0x38B0]  }
0x17d: {  	v10 =	vld [tilespmem:$0x38C0]  }
0x17e: {  	v9 =	vld [tilespmem:$0x38D0]  }
0x17f: {  	v8 =	vld [tilespmem:$0x38E0]  }
0x180: {  	s13 =	simm.s32 $0x0;
	v15 =	vld [tilespmem:$0x38F0]  }
0x181: {  	v16 =	vld [tilespmem:s13+$0x3070]  }
0x182: {  	v17 =	vld [tilespmem:s13+$0x3000]  }
0x183: {  	v18 =	vld [tilespmem:s13+$0x3010]  }
0x184: {  	v19 =	vld [tilespmem:s13+$0x3020]  }
0x185: {  	v20 =	vld [tilespmem:s13+$0x3030]  }
0x186: {  	v21 =	vld [tilespmem:s13+$0x3040];
	v16 =	vadd.f32 v16, v15  }
0x187: {  	v22 =	vld [tilespmem:s13+$0x3050]  }
0x188: {  	s11 =	simm.s32 $0x80;
	v23 =	vld [tilespmem:s13+$0x3060];
	v17 =	vadd.f32 v17, v14;
	v16 =	vadd.f32 v16, v7  }
0x189: {  	v24 =	vld [tilespmem:s11+$0x3070];
	v18 =	vadd.f32 v18, v13  }
0x18a: {  	v25 =	vld [tilespmem:s11+$0x3000];
	v17 =	vadd.f32 v17, v6;
	[tilespmem:s13+$0x61F0] =	vst v16;
	v16 =	vadd.f32 v19, v12  }
0x18b: {  	v20 =	vadd.f32 v20, v11;
	v18 =	vadd.f32 v18, v5  }
0x18c: {  	v26 =	vld [tilespmem:s11+$0x3010];
	[tilespmem:s13+$0x6180] =	vst v17;
	v16 =	vadd.f32 v16, v4  }
0x18d: {  	v20 =	vadd.f32 v20, v3;
	v19 =	vld [tilespmem:s11+$0x3020];
	[tilespmem:s13+$0x6190] =	vst v18;
	v18 =	vadd.f32 v21, v10  }
0x18e: {  	v21 =	vadd.f32 v22, v9;
	v17 =	vld [tilespmem:s11+$0x3030];
	[tilespmem:s13+$0x61A0] =	vst v16  }
0x18f: {  	v22 =	vadd.f32 v18, v2;
	v16 =	vld [tilespmem:s11+$0x3040];
	[tilespmem:s13+$0x61B0] =	vst v20;
	v20 =	vadd.f32 v23, v8  }
0x190: {  	v24 =	vadd.f32 v24, v15;
	v27 =	vadd.f32 v21, v1  }
0x191: {  	v21 =	vadd.f32 v25, v14;
	v18 =	vld [tilespmem:s11+$0x3050];
	[tilespmem:s13+$0x61C0] =	vst v22;
	v23 =	vadd.f32 v20, v0  }
0x192: {  	s23 =	simm.s32 $0x600;
	s21 =	simm.s32 $0x100;
	v24 =	vadd.f32 v24, v7;
	v22 =	vadd.f32 v26, v13;
	v20 =	vld [tilespmem:s11+$0x3060];
	[tilespmem:s13+$0x61D0] =	vst v27  }
.LBB2_15:
0x193: {  	p1 =	sne.s32 s23, $0x1400;
	v25 =	vld [tilespmem:s21+$0x3070];
	v21 =	vadd.f32 v21, v6;
	v19 =	vadd.f32 v19, v12;
	[tilespmem:s13+$0x61E0] =	vst v23;
	s13 =	smov.u32 s11;
	s11 =	smov.u32 s21  }
0x194: {  	v23 =	vld [tilespmem:s11+$0x3000];
	v22 =	vadd.f32 v22, v5;
	v17 =	vadd.f32 v17, v11;
	[tilespmem:s13+$0x61F0] =	vst v24  }
0x195: {  	v24 =	vld [tilespmem:s11+$0x3010];
	[tilespmem:s13+$0x6180] =	vst v21;
	v21 =	vadd.f32 v19, v4;
	v16 =	vadd.f32 v16, v10  }
.Ltmp9:
0x196: {  	v19 =	vld [tilespmem:s11+$0x3020];
	[tilespmem:s13+$0x6190] =	vst v22;
	v22 =	vadd.f32 v17, v3;
	v18 =	vadd.f32 v18, v9;
	(pc) =	sbr.rel @p1 .LBB2_15-.Ltmp9, $4  }
0x197: {  	v17 =	vld [tilespmem:s11+$0x3030];
	[tilespmem:s13+$0x61A0] =	vst v21;
	v26 =	vadd.f32 v16, v2;
	v20 =	vadd.f32 v20, v8  }
0x198: {  	v16 =	vld [tilespmem:s11+$0x3040];
	v25 =	vadd.f32 v25, v15;
	[tilespmem:s13+$0x61B0] =	vst v22;
	v27 =	vadd.f32 v18, v1  }
0x199: {  	v21 =	vadd.f32 v23, v14;
	v18 =	vld [tilespmem:s11+$0x3050];
	[tilespmem:s13+$0x61C0] =	vst v26;
	v23 =	vadd.f32 v20, v0  }
0x19a: {  	s21 =	sshra.s32 s23, $0x2;
	s23 =	sadd.s32 $0x200, s23;
	v22 =	vadd.f32 v24, v13;
	v20 =	vld [tilespmem:s11+$0x3060];
	v24 =	vadd.f32 v25, v7;
	[tilespmem:s13+$0x61D0] =	vst v27  }
0x19b: {  	v25 =	vld [tilespmem:s21+$0x3070];
	[tilespmem:s13+$0x61E0] =	vst v23;
	v21 =	vadd.f32 v21, v6;
	v19 =	vadd.f32 v19, v12  }
0x19c: {  	v23 =	vld [tilespmem:s21+$0x3000];
	[tilespmem:s11+$0x61F0] =	vst v24;
	v22 =	vadd.f32 v22, v5;
	v17 =	vadd.f32 v17, v11  }
0x19d: {  	v24 =	vld [tilespmem:s21+$0x3010];
	[tilespmem:s11+$0x6180] =	vst v21;
	v19 =	vadd.f32 v19, v4  }
0x19e: {  	v16 =	vadd.f32 v16, v10;
	v21 =	vld [tilespmem:s21+$0x3020];
	[tilespmem:s11+$0x6190] =	vst v22;
	v17 =	vadd.f32 v17, v3  }
0x19f: {  	v18 =	vadd.f32 v18, v9;
	v22 =	vld [tilespmem:s21+$0x3030];
	[tilespmem:s11+$0x61A0] =	vst v19  }
0x1a0: {  	v16 =	vadd.f32 v16, v2;
	v19 =	vld [tilespmem:s21+$0x3040];
	[tilespmem:s11+$0x61B0] =	vst v17;
	v17 =	vadd.f32 v20, v8  }
0x1a1: {  	v15 =	vadd.f32 v25, v15;
	v18 =	vadd.f32 v18, v1  }
0x1a2: {  	v20 =	vld [tilespmem:s21+$0x3050];
	[tilespmem:s11+$0x61C0] =	vst v16;
	v14 =	vadd.f32 v23, v14;
	v16 =	vadd.f32 v17, v0  }
0x1a3: {  	v17 =	vld [tilespmem:s21+$0x3060];
	v13 =	vadd.f32 v24, v13;
	v15 =	vadd.f32 v15, v7;
	[tilespmem:s11+$0x61D0] =	vst v18  }
0x1a4: {  	v14 =	vadd.f32 v14, v6;
	v12 =	vadd.f32 v21, v12;
	[tilespmem:s11+$0x61E0] =	vst v16  }
0x1a5: {  	v13 =	vadd.f32 v13, v5;
	v11 =	vadd.f32 v22, v11;
	[tilespmem:s21+$0x61F0] =	vst v15  }
0x1a6: {  	[tilespmem:s21+$0x6180] =	vst v14;
	v12 =	vadd.f32 v12, v4;
	v10 =	vadd.f32 v19, v10  }
0x1a7: {  	[tilespmem:s21+$0x6190] =	vst v13;
	v11 =	vadd.f32 v11, v3;
	v9 =	vadd.f32 v20, v9  }
0x1a8: {  	[tilespmem:s21+$0x61A0] =	vst v12;
	v10 =	vadd.f32 v10, v2;
	v8 =	vadd.f32 v17, v8  }
0x1a9: {  	[tilespmem:s21+$0x61B0] =	vst v11;
	v9 =	vadd.f32 v9, v1  }
0x1aa: {  	[tilespmem:s21+$0x61C0] =	vst v10;
	v8 =	vadd.f32 v8, v0  }
0x1ab: {  	[tilespmem:s21+$0x61D0] =	vst v9  }
0x1ac: {  	[tilespmem:s21+$0x61E0] =	vst v8  }
0x1ad: {  	v14 =	vld [tilespmem:$0x3900]  }
0x1ae: {  	v13 =	vld [tilespmem:$0x3910]  }
0x1af: {  	v12 =	vld [tilespmem:$0x3920]  }
0x1b0: {  	v11 =	vld [tilespmem:$0x3930]  }
0x1b1: {  	v10 =	vld [tilespmem:$0x3940]  }
0x1b2: {  	v9 =	vld [tilespmem:$0x3950]  }
0x1b3: {  	v8 =	vld [tilespmem:$0x3960]  }
0x1b4: {  	s13 =	simm.s32 $0x0;
	v15 =	vld [tilespmem:$0x3970]  }
0x1b5: {  	v16 =	vld [tilespmem:s13+$0x3070]  }
0x1b6: {  	v17 =	vld [tilespmem:s13+$0x3000]  }
0x1b7: {  	v18 =	vld [tilespmem:s13+$0x3010]  }
0x1b8: {  	v19 =	vld [tilespmem:s13+$0x3020]  }
0x1b9: {  	v20 =	vld [tilespmem:s13+$0x3030]  }
0x1ba: {  	v21 =	vld [tilespmem:s13+$0x3040];
	v16 =	vadd.f32 v16, v15  }
0x1bb: {  	v22 =	vld [tilespmem:s13+$0x3050]  }
0x1bc: {  	s11 =	simm.s32 $0x80;
	v23 =	vld [tilespmem:s13+$0x3060];
	v17 =	vadd.f32 v17, v14;
	v16 =	vadd.f32 v16, v7  }
0x1bd: {  	v24 =	vld [tilespmem:s11+$0x3070];
	v18 =	vadd.f32 v18, v13  }
0x1be: {  	v25 =	vld [tilespmem:s11+$0x3000];
	v17 =	vadd.f32 v17, v6;
	[tilespmem:s13+$0x6770] =	vst v16;
	v16 =	vadd.f32 v19, v12  }
0x1bf: {  	v20 =	vadd.f32 v20, v11;
	v18 =	vadd.f32 v18, v5  }
0x1c0: {  	v26 =	vld [tilespmem:s11+$0x3010];
	[tilespmem:s13+$0x6700] =	vst v17;
	v16 =	vadd.f32 v16, v4  }
0x1c1: {  	v20 =	vadd.f32 v20, v3;
	v19 =	vld [tilespmem:s11+$0x3020];
	[tilespmem:s13+$0x6710] =	vst v18;
	v18 =	vadd.f32 v21, v10  }
0x1c2: {  	v21 =	vadd.f32 v22, v9;
	v17 =	vld [tilespmem:s11+$0x3030];
	[tilespmem:s13+$0x6720] =	vst v16  }
0x1c3: {  	v22 =	vadd.f32 v18, v2;
	v16 =	vld [tilespmem:s11+$0x3040];
	[tilespmem:s13+$0x6730] =	vst v20;
	v20 =	vadd.f32 v23, v8  }
0x1c4: {  	v24 =	vadd.f32 v24, v15;
	v27 =	vadd.f32 v21, v1  }
0x1c5: {  	v21 =	vadd.f32 v25, v14;
	v18 =	vld [tilespmem:s11+$0x3050];
	[tilespmem:s13+$0x6740] =	vst v22;
	v23 =	vadd.f32 v20, v0  }
0x1c6: {  	s23 =	simm.s32 $0x600;
	s21 =	simm.s32 $0x100;
	v24 =	vadd.f32 v24, v7;
	v22 =	vadd.f32 v26, v13;
	v20 =	vld [tilespmem:s11+$0x3060];
	[tilespmem:s13+$0x6750] =	vst v27  }
.LBB2_17:
0x1c7: {  	p1 =	sne.s32 s23, $0x1400;
	v25 =	vld [tilespmem:s21+$0x3070];
	v21 =	vadd.f32 v21, v6;
	v19 =	vadd.f32 v19, v12;
	[tilespmem:s13+$0x6760] =	vst v23;
	s13 =	smov.u32 s11;
	s11 =	smov.u32 s21  }
0x1c8: {  	v23 =	vld [tilespmem:s11+$0x3000];
	v22 =	vadd.f32 v22, v5;
	v17 =	vadd.f32 v17, v11;
	[tilespmem:s13+$0x6770] =	vst v24  }
0x1c9: {  	v24 =	vld [tilespmem:s11+$0x3010];
	[tilespmem:s13+$0x6700] =	vst v21;
	v21 =	vadd.f32 v19, v4;
	v16 =	vadd.f32 v16, v10  }
.Ltmp10:
0x1ca: {  	v19 =	vld [tilespmem:s11+$0x3020];
	[tilespmem:s13+$0x6710] =	vst v22;
	v22 =	vadd.f32 v17, v3;
	v18 =	vadd.f32 v18, v9;
	(pc) =	sbr.rel @p1 .LBB2_17-.Ltmp10, $4  }
0x1cb: {  	v17 =	vld [tilespmem:s11+$0x3030];
	[tilespmem:s13+$0x6720] =	vst v21;
	v26 =	vadd.f32 v16, v2;
	v20 =	vadd.f32 v20, v8  }
0x1cc: {  	v16 =	vld [tilespmem:s11+$0x3040];
	v25 =	vadd.f32 v25, v15;
	[tilespmem:s13+$0x6730] =	vst v22;
	v27 =	vadd.f32 v18, v1  }
0x1cd: {  	v21 =	vadd.f32 v23, v14;
	v18 =	vld [tilespmem:s11+$0x3050];
	[tilespmem:s13+$0x6740] =	vst v26;
	v23 =	vadd.f32 v20, v0  }
0x1ce: {  	s21 =	sshra.s32 s23, $0x2;
	s23 =	sadd.s32 $0x200, s23;
	v22 =	vadd.f32 v24, v13;
	v20 =	vld [tilespmem:s11+$0x3060];
	v24 =	vadd.f32 v25, v7;
	[tilespmem:s13+$0x6750] =	vst v27  }
0x1cf: {  	v25 =	vld [tilespmem:s21+$0x3070];
	[tilespmem:s13+$0x6760] =	vst v23;
	v21 =	vadd.f32 v21, v6;
	v19 =	vadd.f32 v19, v12  }
0x1d0: {  	v23 =	vld [tilespmem:s21+$0x3000];
	[tilespmem:s11+$0x6770] =	vst v24;
	v22 =	vadd.f32 v22, v5;
	v17 =	vadd.f32 v17, v11  }
0x1d1: {  	v24 =	vld [tilespmem:s21+$0x3010];
	[tilespmem:s11+$0x6700] =	vst v21;
	v19 =	vadd.f32 v19, v4  }
0x1d2: {  	v16 =	vadd.f32 v16, v10;
	v21 =	vld [tilespmem:s21+$0x3020];
	[tilespmem:s11+$0x6710] =	vst v22;
	v17 =	vadd.f32 v17, v3  }
0x1d3: {  	v18 =	vadd.f32 v18, v9;
	v22 =	vld [tilespmem:s21+$0x3030];
	[tilespmem:s11+$0x6720] =	vst v19  }
0x1d4: {  	v16 =	vadd.f32 v16, v2;
	v19 =	vld [tilespmem:s21+$0x3040];
	[tilespmem:s11+$0x6730] =	vst v17;
	v17 =	vadd.f32 v20, v8  }
0x1d5: {  	v15 =	vadd.f32 v25, v15;
	v18 =	vadd.f32 v18, v1  }
0x1d6: {  	v20 =	vld [tilespmem:s21+$0x3050];
	[tilespmem:s11+$0x6740] =	vst v16;
	v14 =	vadd.f32 v23, v14;
	v16 =	vadd.f32 v17, v0  }
0x1d7: {  	v17 =	vld [tilespmem:s21+$0x3060];
	v13 =	vadd.f32 v24, v13;
	v15 =	vadd.f32 v15, v7;
	[tilespmem:s11+$0x6750] =	vst v18  }
0x1d8: {  	v14 =	vadd.f32 v14, v6;
	v12 =	vadd.f32 v21, v12;
	[tilespmem:s11+$0x6760] =	vst v16  }
0x1d9: {  	v13 =	vadd.f32 v13, v5;
	v11 =	vadd.f32 v22, v11;
	[tilespmem:s21+$0x6770] =	vst v15  }
0x1da: {  	[tilespmem:s21+$0x6700] =	vst v14;
	v12 =	vadd.f32 v12, v4;
	v10 =	vadd.f32 v19, v10  }
0x1db: {  	[tilespmem:s21+$0x6710] =	vst v13;
	v11 =	vadd.f32 v11, v3;
	v9 =	vadd.f32 v20, v9  }
0x1dc: {  	[tilespmem:s21+$0x6720] =	vst v12;
	v10 =	vadd.f32 v10, v2;
	v8 =	vadd.f32 v17, v8  }
0x1dd: {  	[tilespmem:s21+$0x6730] =	vst v11;
	v9 =	vadd.f32 v9, v1  }
0x1de: {  	[tilespmem:s21+$0x6740] =	vst v10;
	v8 =	vadd.f32 v8, v0  }
0x1df: {  	[tilespmem:s21+$0x6750] =	vst v9  }
0x1e0: {  	[tilespmem:s21+$0x6760] =	vst v8  }
0x1e1: {  	v14 =	vld [tilespmem:$0x3980]  }
0x1e2: {  	v13 =	vld [tilespmem:$0x3990]  }
0x1e3: {  	v12 =	vld [tilespmem:$0x39A0]  }
0x1e4: {  	v11 =	vld [tilespmem:$0x39B0]  }
0x1e5: {  	v10 =	vld [tilespmem:$0x39C0]  }
0x1e6: {  	v9 =	vld [tilespmem:$0x39D0]  }
0x1e7: {  	v8 =	vld [tilespmem:$0x39E0]  }
0x1e8: {  	s13 =	simm.s32 $0x0;
	v15 =	vld [tilespmem:$0x39F0]  }
0x1e9: {  	v16 =	vld [tilespmem:s13+$0x3070]  }
0x1ea: {  	v17 =	vld [tilespmem:s13+$0x3000]  }
0x1eb: {  	v18 =	vld [tilespmem:s13+$0x3010]  }
0x1ec: {  	v19 =	vld [tilespmem:s13+$0x3020]  }
0x1ed: {  	v20 =	vld [tilespmem:s13+$0x3030]  }
0x1ee: {  	v21 =	vld [tilespmem:s13+$0x3040];
	v16 =	vadd.f32 v16, v15  }
0x1ef: {  	v22 =	vld [tilespmem:s13+$0x3050]  }
0x1f0: {  	s11 =	simm.s32 $0x80;
	v23 =	vld [tilespmem:s13+$0x3060];
	v17 =	vadd.f32 v17, v14;
	v16 =	vadd.f32 v16, v7  }
0x1f1: {  	v24 =	vld [tilespmem:s11+$0x3070];
	v18 =	vadd.f32 v18, v13  }
0x1f2: {  	v25 =	vld [tilespmem:s11+$0x3000];
	v17 =	vadd.f32 v17, v6;
	[tilespmem:s13+$0x6CF0] =	vst v16;
	v16 =	vadd.f32 v19, v12  }
0x1f3: {  	v20 =	vadd.f32 v20, v11;
	v18 =	vadd.f32 v18, v5  }
0x1f4: {  	v26 =	vld [tilespmem:s11+$0x3010];
	[tilespmem:s13+$0x6C80] =	vst v17;
	v16 =	vadd.f32 v16, v4  }
0x1f5: {  	v20 =	vadd.f32 v20, v3;
	v19 =	vld [tilespmem:s11+$0x3020];
	[tilespmem:s13+$0x6C90] =	vst v18;
	v18 =	vadd.f32 v21, v10  }
0x1f6: {  	v21 =	vadd.f32 v22, v9;
	v17 =	vld [tilespmem:s11+$0x3030];
	[tilespmem:s13+$0x6CA0] =	vst v16  }
0x1f7: {  	v22 =	vadd.f32 v18, v2;
	v16 =	vld [tilespmem:s11+$0x3040];
	[tilespmem:s13+$0x6CB0] =	vst v20;
	v20 =	vadd.f32 v23, v8  }
0x1f8: {  	v24 =	vadd.f32 v24, v15;
	v27 =	vadd.f32 v21, v1  }
0x1f9: {  	v21 =	vadd.f32 v25, v14;
	v18 =	vld [tilespmem:s11+$0x3050];
	[tilespmem:s13+$0x6CC0] =	vst v22;
	v23 =	vadd.f32 v20, v0  }
0x1fa: {  	s23 =	simm.s32 $0x600;
	s21 =	simm.s32 $0x100;
	v24 =	vadd.f32 v24, v7;
	v22 =	vadd.f32 v26, v13;
	v20 =	vld [tilespmem:s11+$0x3060];
	[tilespmem:s13+$0x6CD0] =	vst v27  }
.LBB2_19:
0x1fb: {  	p1 =	sne.s32 s23, $0x1400;
	v25 =	vld [tilespmem:s21+$0x3070];
	v21 =	vadd.f32 v21, v6;
	v19 =	vadd.f32 v19, v12;
	[tilespmem:s13+$0x6CE0] =	vst v23;
	s13 =	smov.u32 s11;
	s11 =	smov.u32 s21  }
0x1fc: {  	v23 =	vld [tilespmem:s11+$0x3000];
	v22 =	vadd.f32 v22, v5;
	v17 =	vadd.f32 v17, v11;
	[tilespmem:s13+$0x6CF0] =	vst v24  }
0x1fd: {  	v24 =	vld [tilespmem:s11+$0x3010];
	[tilespmem:s13+$0x6C80] =	vst v21;
	v21 =	vadd.f32 v19, v4;
	v16 =	vadd.f32 v16, v10  }
.Ltmp11:
0x1fe: {  	v19 =	vld [tilespmem:s11+$0x3020];
	[tilespmem:s13+$0x6C90] =	vst v22;
	v22 =	vadd.f32 v17, v3;
	v18 =	vadd.f32 v18, v9;
	(pc) =	sbr.rel @p1 .LBB2_19-.Ltmp11, $4  }
0x1ff: {  	v17 =	vld [tilespmem:s11+$0x3030];
	[tilespmem:s13+$0x6CA0] =	vst v21;
	v26 =	vadd.f32 v16, v2;
	v20 =	vadd.f32 v20, v8  }
0x200: {  	v16 =	vld [tilespmem:s11+$0x3040];
	v25 =	vadd.f32 v25, v15;
	[tilespmem:s13+$0x6CB0] =	vst v22;
	v27 =	vadd.f32 v18, v1  }
0x201: {  	v21 =	vadd.f32 v23, v14;
	v18 =	vld [tilespmem:s11+$0x3050];
	[tilespmem:s13+$0x6CC0] =	vst v26;
	v23 =	vadd.f32 v20, v0  }
0x202: {  	s21 =	sshra.s32 s23, $0x2;
	s23 =	sadd.s32 $0x200, s23;
	v22 =	vadd.f32 v24, v13;
	v20 =	vld [tilespmem:s11+$0x3060];
	v24 =	vadd.f32 v25, v7;
	[tilespmem:s13+$0x6CD0] =	vst v27  }
0x203: {  	v25 =	vld [tilespmem:s21+$0x3070];
	[tilespmem:s13+$0x6CE0] =	vst v23;
	v21 =	vadd.f32 v21, v6;
	v19 =	vadd.f32 v19, v12  }
0x204: {  	v23 =	vld [tilespmem:s21+$0x3000];
	[tilespmem:s11+$0x6CF0] =	vst v24;
	v22 =	vadd.f32 v22, v5;
	v17 =	vadd.f32 v17, v11  }
0x205: {  	v24 =	vld [tilespmem:s21+$0x3010];
	[tilespmem:s11+$0x6C80] =	vst v21;
	v19 =	vadd.f32 v19, v4  }
0x206: {  	v16 =	vadd.f32 v16, v10;
	v21 =	vld [tilespmem:s21+$0x3020];
	[tilespmem:s11+$0x6C90] =	vst v22;
	v17 =	vadd.f32 v17, v3  }
0x207: {  	v18 =	vadd.f32 v18, v9;
	v22 =	vld [tilespmem:s21+$0x3030];
	[tilespmem:s11+$0x6CA0] =	vst v19  }
0x208: {  	v16 =	vadd.f32 v16, v2;
	v19 =	vld [tilespmem:s21+$0x3040];
	[tilespmem:s11+$0x6CB0] =	vst v17;
	v17 =	vadd.f32 v20, v8  }
0x209: {  	v15 =	vadd.f32 v25, v15;
	v18 =	vadd.f32 v18, v1  }
0x20a: {  	v20 =	vld [tilespmem:s21+$0x3050];
	[tilespmem:s11+$0x6CC0] =	vst v16;
	v14 =	vadd.f32 v23, v14;
	v16 =	vadd.f32 v17, v0  }
0x20b: {  	v17 =	vld [tilespmem:s21+$0x3060];
	v13 =	vadd.f32 v24, v13;
	v15 =	vadd.f32 v15, v7;
	[tilespmem:s11+$0x6CD0] =	vst v18  }
0x20c: {  	v14 =	vadd.f32 v14, v6;
	v12 =	vadd.f32 v21, v12;
	[tilespmem:s11+$0x6CE0] =	vst v16  }
0x20d: {  	v13 =	vadd.f32 v13, v5;
	v11 =	vadd.f32 v22, v11;
	[tilespmem:s21+$0x6CF0] =	vst v15  }
0x20e: {  	[tilespmem:s21+$0x6C80] =	vst v14;
	v12 =	vadd.f32 v12, v4;
	v10 =	vadd.f32 v19, v10  }
0x20f: {  	[tilespmem:s21+$0x6C90] =	vst v13;
	v11 =	vadd.f32 v11, v3;
	v9 =	vadd.f32 v20, v9  }
0x210: {  	[tilespmem:s21+$0x6CA0] =	vst v12;
	v10 =	vadd.f32 v10, v2;
	v8 =	vadd.f32 v17, v8  }
0x211: {  	[tilespmem:s21+$0x6CB0] =	vst v11;
	v9 =	vadd.f32 v9, v1  }
0x212: {  	[tilespmem:s21+$0x6CC0] =	vst v10;
	v8 =	vadd.f32 v8, v0  }
0x213: {  	[tilespmem:s21+$0x6CD0] =	vst v9  }
0x214: {  	[tilespmem:s21+$0x6CE0] =	vst v8  }
0x215: {  	v14 =	vld [tilespmem:$0x3A00]  }
0x216: {  	v13 =	vld [tilespmem:$0x3A10]  }
0x217: {  	v12 =	vld [tilespmem:$0x3A20]  }
0x218: {  	v11 =	vld [tilespmem:$0x3A30]  }
0x219: {  	v10 =	vld [tilespmem:$0x3A40]  }
0x21a: {  	v9 =	vld [tilespmem:$0x3A50]  }
0x21b: {  	v8 =	vld [tilespmem:$0x3A60]  }
0x21c: {  	s13 =	simm.s32 $0x0;
	v15 =	vld [tilespmem:$0x3A70]  }
0x21d: {  	v16 =	vld [tilespmem:s13+$0x3070]  }
0x21e: {  	v17 =	vld [tilespmem:s13+$0x3000]  }
0x21f: {  	v18 =	vld [tilespmem:s13+$0x3010]  }
0x220: {  	v19 =	vld [tilespmem:s13+$0x3020]  }
0x221: {  	v20 =	vld [tilespmem:s13+$0x3030]  }
0x222: {  	v21 =	vld [tilespmem:s13+$0x3040];
	v16 =	vadd.f32 v16, v15  }
0x223: {  	v22 =	vld [tilespmem:s13+$0x3050]  }
0x224: {  	s11 =	simm.s32 $0x80;
	v23 =	vld [tilespmem:s13+$0x3060];
	v17 =	vadd.f32 v17, v14;
	v16 =	vadd.f32 v16, v7  }
0x225: {  	v24 =	vld [tilespmem:s11+$0x3070];
	v18 =	vadd.f32 v18, v13  }
0x226: {  	v25 =	vld [tilespmem:s11+$0x3000];
	v17 =	vadd.f32 v17, v6;
	[tilespmem:s13+$0x7270] =	vst v16;
	v16 =	vadd.f32 v19, v12  }
0x227: {  	v20 =	vadd.f32 v20, v11;
	v18 =	vadd.f32 v18, v5  }
0x228: {  	v26 =	vld [tilespmem:s11+$0x3010];
	[tilespmem:s13+$0x7200] =	vst v17;
	v16 =	vadd.f32 v16, v4  }
0x229: {  	v20 =	vadd.f32 v20, v3;
	v19 =	vld [tilespmem:s11+$0x3020];
	[tilespmem:s13+$0x7210] =	vst v18;
	v18 =	vadd.f32 v21, v10  }
0x22a: {  	v21 =	vadd.f32 v22, v9;
	v17 =	vld [tilespmem:s11+$0x3030];
	[tilespmem:s13+$0x7220] =	vst v16  }
0x22b: {  	v22 =	vadd.f32 v18, v2;
	v16 =	vld [tilespmem:s11+$0x3040];
	[tilespmem:s13+$0x7230] =	vst v20;
	v20 =	vadd.f32 v23, v8  }
0x22c: {  	v24 =	vadd.f32 v24, v15;
	v27 =	vadd.f32 v21, v1  }
0x22d: {  	v21 =	vadd.f32 v25, v14;
	v18 =	vld [tilespmem:s11+$0x3050];
	[tilespmem:s13+$0x7240] =	vst v22;
	v23 =	vadd.f32 v20, v0  }
0x22e: {  	s23 =	simm.s32 $0x600;
	s21 =	simm.s32 $0x100;
	v24 =	vadd.f32 v24, v7;
	v22 =	vadd.f32 v26, v13;
	v20 =	vld [tilespmem:s11+$0x3060];
	[tilespmem:s13+$0x7250] =	vst v27  }
.LBB2_21:
0x22f: {  	p1 =	sne.s32 s23, $0x1400;
	v25 =	vld [tilespmem:s21+$0x3070];
	v21 =	vadd.f32 v21, v6;
	v19 =	vadd.f32 v19, v12;
	[tilespmem:s13+$0x7260] =	vst v23;
	s13 =	smov.u32 s11;
	s11 =	smov.u32 s21  }
0x230: {  	v23 =	vld [tilespmem:s11+$0x3000];
	v22 =	vadd.f32 v22, v5;
	v17 =	vadd.f32 v17, v11;
	[tilespmem:s13+$0x7270] =	vst v24  }
0x231: {  	v24 =	vld [tilespmem:s11+$0x3010];
	[tilespmem:s13+$0x7200] =	vst v21;
	v21 =	vadd.f32 v19, v4;
	v16 =	vadd.f32 v16, v10  }
.Ltmp12:
0x232: {  	v19 =	vld [tilespmem:s11+$0x3020];
	[tilespmem:s13+$0x7210] =	vst v22;
	v22 =	vadd.f32 v17, v3;
	v18 =	vadd.f32 v18, v9;
	(pc) =	sbr.rel @p1 .LBB2_21-.Ltmp12, $4  }
0x233: {  	v17 =	vld [tilespmem:s11+$0x3030];
	[tilespmem:s13+$0x7220] =	vst v21;
	v26 =	vadd.f32 v16, v2;
	v20 =	vadd.f32 v20, v8  }
0x234: {  	v16 =	vld [tilespmem:s11+$0x3040];
	v25 =	vadd.f32 v25, v15;
	[tilespmem:s13+$0x7230] =	vst v22;
	v27 =	vadd.f32 v18, v1  }
0x235: {  	v21 =	vadd.f32 v23, v14;
	v18 =	vld [tilespmem:s11+$0x3050];
	[tilespmem:s13+$0x7240] =	vst v26;
	v23 =	vadd.f32 v20, v0  }
0x236: {  	s21 =	sshra.s32 s23, $0x2;
	s23 =	sadd.s32 $0x200, s23;
	v22 =	vadd.f32 v24, v13;
	v20 =	vld [tilespmem:s11+$0x3060];
	v24 =	vadd.f32 v25, v7;
	[tilespmem:s13+$0x7250] =	vst v27  }
0x237: {  	v25 =	vld [tilespmem:s21+$0x3070];
	[tilespmem:s13+$0x7260] =	vst v23;
	v21 =	vadd.f32 v21, v6;
	v19 =	vadd.f32 v19, v12  }
0x238: {  	v23 =	vld [tilespmem:s21+$0x3000];
	[tilespmem:s11+$0x7270] =	vst v24;
	v22 =	vadd.f32 v22, v5;
	v17 =	vadd.f32 v17, v11  }
0x239: {  	v24 =	vld [tilespmem:s21+$0x3010];
	[tilespmem:s11+$0x7200] =	vst v21;
	v19 =	vadd.f32 v19, v4  }
0x23a: {  	v16 =	vadd.f32 v16, v10;
	v21 =	vld [tilespmem:s21+$0x3020];
	[tilespmem:s11+$0x7210] =	vst v22;
	v17 =	vadd.f32 v17, v3  }
0x23b: {  	v18 =	vadd.f32 v18, v9;
	v22 =	vld [tilespmem:s21+$0x3030];
	[tilespmem:s11+$0x7220] =	vst v19  }
0x23c: {  	v16 =	vadd.f32 v16, v2;
	v19 =	vld [tilespmem:s21+$0x3040];
	[tilespmem:s11+$0x7230] =	vst v17;
	v17 =	vadd.f32 v20, v8  }
0x23d: {  	v15 =	vadd.f32 v25, v15;
	v18 =	vadd.f32 v18, v1  }
0x23e: {  	v20 =	vld [tilespmem:s21+$0x3050];
	[tilespmem:s11+$0x7240] =	vst v16;
	v14 =	vadd.f32 v23, v14;
	v16 =	vadd.f32 v17, v0  }
0x23f: {  	v17 =	vld [tilespmem:s21+$0x3060];
	v13 =	vadd.f32 v24, v13;
	v15 =	vadd.f32 v15, v7;
	[tilespmem:s11+$0x7250] =	vst v18  }
0x240: {  	v14 =	vadd.f32 v14, v6;
	v12 =	vadd.f32 v21, v12;
	[tilespmem:s11+$0x7260] =	vst v16  }
0x241: {  	v13 =	vadd.f32 v13, v5;
	v11 =	vadd.f32 v22, v11;
	[tilespmem:s21+$0x7270] =	vst v15  }
0x242: {  	[tilespmem:s21+$0x7200] =	vst v14;
	v12 =	vadd.f32 v12, v4;
	v10 =	vadd.f32 v19, v10  }
0x243: {  	[tilespmem:s21+$0x7210] =	vst v13;
	v11 =	vadd.f32 v11, v3;
	v9 =	vadd.f32 v20, v9  }
0x244: {  	[tilespmem:s21+$0x7220] =	vst v12;
	v10 =	vadd.f32 v10, v2;
	v8 =	vadd.f32 v17, v8  }
0x245: {  	[tilespmem:s21+$0x7230] =	vst v11;
	v9 =	vadd.f32 v9, v1  }
0x246: {  	[tilespmem:s21+$0x7240] =	vst v10;
	v8 =	vadd.f32 v8, v0  }
0x247: {  	[tilespmem:s21+$0x7250] =	vst v9  }
0x248: {  	[tilespmem:s21+$0x7260] =	vst v8  }
0x249: {  	v14 =	vld [tilespmem:$0x3A80]  }
0x24a: {  	v13 =	vld [tilespmem:$0x3A90]  }
0x24b: {  	v12 =	vld [tilespmem:$0x3AA0]  }
0x24c: {  	v11 =	vld [tilespmem:$0x3AB0]  }
0x24d: {  	v10 =	vld [tilespmem:$0x3AC0]  }
0x24e: {  	v9 =	vld [tilespmem:$0x3AD0]  }
0x24f: {  	v8 =	vld [tilespmem:$0x3AE0]  }
0x250: {  	s13 =	simm.s32 $0x0;
	v15 =	vld [tilespmem:$0x3AF0]  }
0x251: {  	v16 =	vld [tilespmem:s13+$0x3070]  }
0x252: {  	v17 =	vld [tilespmem:s13+$0x3000]  }
0x253: {  	v18 =	vld [tilespmem:s13+$0x3010]  }
0x254: {  	v19 =	vld [tilespmem:s13+$0x3020]  }
0x255: {  	v20 =	vld [tilespmem:s13+$0x3030]  }
0x256: {  	v21 =	vld [tilespmem:s13+$0x3040];
	v16 =	vadd.f32 v16, v15  }
0x257: {  	v22 =	vld [tilespmem:s13+$0x3050]  }
0x258: {  	s11 =	simm.s32 $0x80;
	v23 =	vld [tilespmem:s13+$0x3060];
	v17 =	vadd.f32 v17, v14;
	v16 =	vadd.f32 v16, v7  }
0x259: {  	v24 =	vld [tilespmem:s11+$0x3070];
	v18 =	vadd.f32 v18, v13  }
0x25a: {  	v25 =	vld [tilespmem:s11+$0x3000];
	v17 =	vadd.f32 v17, v6;
	[tilespmem:s13+$0x77F0] =	vst v16;
	v16 =	vadd.f32 v19, v12  }
0x25b: {  	v20 =	vadd.f32 v20, v11;
	v18 =	vadd.f32 v18, v5  }
0x25c: {  	v26 =	vld [tilespmem:s11+$0x3010];
	[tilespmem:s13+$0x7780] =	vst v17;
	v16 =	vadd.f32 v16, v4  }
0x25d: {  	v20 =	vadd.f32 v20, v3;
	v19 =	vld [tilespmem:s11+$0x3020];
	[tilespmem:s13+$0x7790] =	vst v18;
	v18 =	vadd.f32 v21, v10  }
0x25e: {  	v21 =	vadd.f32 v22, v9;
	v17 =	vld [tilespmem:s11+$0x3030];
	[tilespmem:s13+$0x77A0] =	vst v16  }
0x25f: {  	v22 =	vadd.f32 v18, v2;
	v16 =	vld [tilespmem:s11+$0x3040];
	[tilespmem:s13+$0x77B0] =	vst v20;
	v20 =	vadd.f32 v23, v8  }
0x260: {  	v24 =	vadd.f32 v24, v15;
	v27 =	vadd.f32 v21, v1  }
0x261: {  	v21 =	vadd.f32 v25, v14;
	v18 =	vld [tilespmem:s11+$0x3050];
	[tilespmem:s13+$0x77C0] =	vst v22;
	v23 =	vadd.f32 v20, v0  }
0x262: {  	s23 =	simm.s32 $0x600;
	s21 =	simm.s32 $0x100;
	v24 =	vadd.f32 v24, v7;
	v22 =	vadd.f32 v26, v13;
	v20 =	vld [tilespmem:s11+$0x3060];
	[tilespmem:s13+$0x77D0] =	vst v27  }
.LBB2_23:
0x263: {  	p1 =	sne.s32 s23, $0x1400;
	v25 =	vld [tilespmem:s21+$0x3070];
	v21 =	vadd.f32 v21, v6;
	v19 =	vadd.f32 v19, v12;
	[tilespmem:s13+$0x77E0] =	vst v23;
	s13 =	smov.u32 s11;
	s11 =	smov.u32 s21  }
0x264: {  	v23 =	vld [tilespmem:s11+$0x3000];
	v22 =	vadd.f32 v22, v5;
	v17 =	vadd.f32 v17, v11;
	[tilespmem:s13+$0x77F0] =	vst v24  }
0x265: {  	v24 =	vld [tilespmem:s11+$0x3010];
	[tilespmem:s13+$0x7780] =	vst v21;
	v21 =	vadd.f32 v19, v4;
	v16 =	vadd.f32 v16, v10  }
.Ltmp13:
0x266: {  	v19 =	vld [tilespmem:s11+$0x3020];
	[tilespmem:s13+$0x7790] =	vst v22;
	v22 =	vadd.f32 v17, v3;
	v18 =	vadd.f32 v18, v9;
	(pc) =	sbr.rel @p1 .LBB2_23-.Ltmp13, $4  }
0x267: {  	v17 =	vld [tilespmem:s11+$0x3030];
	[tilespmem:s13+$0x77A0] =	vst v21;
	v26 =	vadd.f32 v16, v2;
	v20 =	vadd.f32 v20, v8  }
0x268: {  	v16 =	vld [tilespmem:s11+$0x3040];
	v25 =	vadd.f32 v25, v15;
	[tilespmem:s13+$0x77B0] =	vst v22;
	v27 =	vadd.f32 v18, v1  }
0x269: {  	v21 =	vadd.f32 v23, v14;
	v18 =	vld [tilespmem:s11+$0x3050];
	[tilespmem:s13+$0x77C0] =	vst v26;
	v23 =	vadd.f32 v20, v0  }
0x26a: {  	s21 =	sshra.s32 s23, $0x2;
	s23 =	sadd.s32 $0x200, s23;
	v22 =	vadd.f32 v24, v13;
	v20 =	vld [tilespmem:s11+$0x3060];
	v24 =	vadd.f32 v25, v7;
	[tilespmem:s13+$0x77D0] =	vst v27  }
0x26b: {  	v25 =	vld [tilespmem:s21+$0x3070];
	[tilespmem:s13+$0x77E0] =	vst v23;
	v21 =	vadd.f32 v21, v6;
	v19 =	vadd.f32 v19, v12  }
0x26c: {  	v23 =	vld [tilespmem:s21+$0x3000];
	[tilespmem:s11+$0x77F0] =	vst v24;
	v22 =	vadd.f32 v22, v5;
	v17 =	vadd.f32 v17, v11  }
0x26d: {  	v24 =	vld [tilespmem:s21+$0x3010];
	[tilespmem:s11+$0x7780] =	vst v21;
	v19 =	vadd.f32 v19, v4;
	v16 =	vadd.f32 v16, v10  }
0x26e: {  	v21 =	vld [tilespmem:s21+$0x3020];
	[tilespmem:s11+$0x7790] =	vst v22;
	v17 =	vadd.f32 v17, v3;
	v18 =	vadd.f32 v18, v9  }
0x26f: {  	v22 =	vld [tilespmem:s21+$0x3030];
	[tilespmem:s11+$0x77A0] =	vst v19;
	v16 =	vadd.f32 v16, v2;
	v48 =	vadd.f32 v20, v8  }
0x270: {  	v19 =	vld [tilespmem:s21+$0x3040];
	[tilespmem:s11+$0x77B0] =	vst v17;
	v15 =	vadd.f32 v25, v15;
	v18 =	vadd.f32 v18, v1  }
0x271: {  	v49 =	vld [tilespmem:s21+$0x3050];
	[tilespmem:s11+$0x77C0] =	vst v16;
	v14 =	vadd.f32 v23, v14;
	v50 =	vadd.f32 v48, v0  }
0x272: {  	v51 =	vld [tilespmem:s21+$0x3060];
	v13 =	vadd.f32 v24, v13;
	v7 =	vadd.f32 v15, v7;
	[tilespmem:s11+$0x77D0] =	vst v18  }
0x273: {  	v52 =	vadd.f32 v14, v6;
	v53 =	vadd.f32 v21, v12;
	[tilespmem:s11+$0x77E0] =	vst v50  }
0x274: {  	v54 =	vadd.f32 v13, v5;
	v55 =	vadd.f32 v22, v11;
	[tilespmem:s21+$0x77F0] =	vst v7  }
0x275: {  	[tilespmem:s21+$0x7780] =	vst v52;
	v56 =	vadd.f32 v53, v4;
	v57 =	vadd.f32 v19, v10  }
0x276: {  	[tilespmem:s21+$0x7790] =	vst v54;
	v58 =	vadd.f32 v55, v3;
	v59 =	vadd.f32 v49, v9  }
0x277: {  	[tilespmem:s21+$0x77A0] =	vst v56;
	v60 =	vadd.f32 v57, v2;
	v61 =	vadd.f32 v51, v8  }
0x278: {  	[tilespmem:s21+$0x77B0] =	vst v58;
	v62 =	vadd.f32 v59, v1  }
0x279: {  	[tilespmem:s21+$0x77C0] =	vst v60;
	v63 =	vadd.f32 v61, v0  }
0x27a: {  	[tilespmem:s21+$0x77D0] =	vst v62  }
0x27b: {  	s7 =	rddreg [dreg:$0x6];
	s30 =	simm.s32 $0x4080;
	[tilespmem:s21+$0x77E0] =	vst v63  }
0x27c: {  	[spmem:s7] =	stream.linear.scatter [tilespmem:s30], [sflag:$0x2], $0x4000, $0x38;
	[tilespmem:$0x1BC80] =	vst v63  }
.LBB2_25:
0x27d: {  	s11 =	simm.s32 $0x0  }
0x27e: {  	s11 =	smul.u32 $0x3000, s11  }
0x27f: {  	s13 =	simm.s32 $0x0;
	s7 =	simm.s32 $0x1  }
0x280: {  	_ =	swait.ge [sflag:s7], $0x3000;
	s21 =	sand.u32 $0x380, s13;
	s11 =	sshra.s32 s11, $0x2  }
0x281: {  	s23 =	sand.u32 $0x70, s13;
	[sflag:s7] =	ssyncset.done $0x0;
	s11 =	sor.u32 s21, s11  }
0x282: {  	[sflag:s7] =	ssyncadd.s32 $0xFFFFD000;
	s21 =	sor.u32 s23, s11  }
0x283: {  	v2 =	vld [tilespmem:s21+$0x400]  }
0x284: {  	v0 =	vld [tilespmem:s21+$0x0]  }
0x285: {  	v1 =	vld [tilespmem:s21+$0x800]  }
0x286: {  	s25 =	simm.s32 $0x0  }
0x287: {  	s11 =	simm.s32 $0x1;
	s23 =	simm.s32 $0x0;
	s21 =	simm.s32 $0x2  }
.LBB2_26:
0x288: {  	p1 =	sne.s32 s21, $0xFF;
	s25 =	smul.u32 $0x3000, s25;
	v2 =	vmul.u32 $0xB, v2  }
0x289: {  	s28 =	sand.u32 $0x3F0, s13;
	s23 =	sshll.u32 s23, $0x4;
	s13 =	sadd.s32 $0x10, s13  }
0x28a: {  	s30 =	sand.u32 $0x380, s13;
	s23 =	sand.u32 $0x3FFFFC00, s23;
	s25 =	sshra.s32 s25, $0x2;
	v0 =	vadd.s32 v0, v2;
	v1 =	vshll.u32 v1, $0x7  }
0x28b: {  	s7 =	sand.u32 $0x70, s13;
	s23 =	sor.u32 s28, s23;
	s25 =	sor.u32 s30, s25;
	v0 =	vadd.s32 v1, v0  }
0x28c: {  	s7 =	sor.u32 s7, s25;
	[tilespmem:s23+$0x8080] =	vst v0;
	s23 =	smov.u32 s11;
	s11 =	smov.u32 s21  }
.Ltmp14:
0x28d: {  	v2 =	vld [tilespmem:s7+$0x400];
	(pc) =	sbr.rel @p1 .LBB2_26-.Ltmp14, $3  }
0x28e: {  	v0 =	vld [tilespmem:s7+$0x0]  }
0x28f: {  	v1 =	vld [tilespmem:s7+$0x800];
	_ =	sdelay $0x1  }
0x290: {  	s21 =	sadd.s32 $0x1, s21;
	s25 =	sshrl.u32 s11, $0x6  }
0x291: {  	s7 =	smul.u32 $0x3000, s25;
	v2 =	vmul.u32 $0xB, v2  }
0x292: {  	s21 =	sand.u32 $0x3F0, s13;
	s23 =	sshll.u32 s23, $0x4;
	s13 =	sadd.s32 $0x10, s13  }
0x293: {  	s30 =	sand.u32 $0x380, s13;
	s23 =	sand.u32 $0x3FFFFC00, s23;
	s7 =	sshra.s32 s7, $0x2;
	v0 =	vadd.s32 v0, v2;
	v1 =	vshll.u32 v1, $0x7  }
0x294: {  	s28 =	sand.u32 $0x70, s13;
	s21 =	sor.u32 s21, s23;
	s7 =	sor.u32 s30, s7;
	v0 =	vadd.s32 v1, v0  }
0x295: {  	s7 =	sor.u32 s28, s7;
	[tilespmem:s21+$0x8080] =	vst v0  }
0x296: {  	v0 =	vld [tilespmem:s7+$0x400]  }
0x297: {  	v61 =	vld [tilespmem:s7+$0x0]  }
0x298: {  	v62 =	vld [tilespmem:s7+$0x800];
	_ =	sdelay $0x2  }
0x299: {  	v0 =	vmul.u32 $0xB, v0  }
0x29a: {  	s25 =	sshll.u32 s11, $0x4  }
0x29b: {  	s28 =	sand.u32 $0x3F0, s13;
	s7 =	sand.u32 $0x3FFFFC00, s25;
	v63 =	vshll.u32 v62, $0x7;
	v0 =	vadd.s32 v61, v0  }
0x29c: {  	s7 =	sor.u32 s28, s7;
	v0 =	vadd.s32 v63, v0  }
0x29d: {  	[tilespmem:s7+$0x8080] =	vst v0;
	s7 =	simm.s32 @!p0 $0x2  }
0x29e: {  	_ =	swait.ge @!p0 [sflag:s7], $0x4000  }
0x29f: {  	[sflag:s7] =	ssyncset.done @!p0 $0x0  }
0x2a0: {  	[sflag:s7] =	ssyncadd.s32 @!p0 $0xFFFFC000  }
0x2a1: {  	s30 =	simm.s32 $0x8080;
	[bflag:$0x0] =	sbarrier.arrive $0xFFFF  }
0x2a2: {  	[tilespmem:s16], [sflag:$0x3] =	stream.indirect.gather [spmem:s3], $0x80, s30, s14, $0xb8;
	[tilespmem:$0x1BC80] =	vst v63  }
0x2a3: {  	s11 =	simm.s32 $0x80C0  }
0x2a4: {  	[tilespmem:s18], [sflag:$0x4] =	stream.indirect.gather [spmem:s3], $0x80, s11, s14, $0xb8;
	[tilespmem:$0x1BC80] =	vst v63  }
0x2a5: {  	s13 =	simm.s32 $0x8100  }
0x2a6: {  	[tilespmem:s20], [sflag:$0x5] =	stream.indirect.gather [spmem:s3], $0x80, s13, s14, $0xb8;
	[tilespmem:$0x1BC80] =	vst v63  }
0x2a7: {  	s21 =	simm.s32 $0x8140  }
0x2a8: {  	[tilespmem:s22], [sflag:$0x6] =	stream.indirect.gather [spmem:s3], $0x80, s21, s14, $0xb8;
	[tilespmem:$0x1BC80] =	vst v63  }
0x2a9: {  	s23 =	simm.s32 $0x8180  }
0x2aa: {  	[tilespmem:s24], [sflag:$0x7] =	stream.indirect.gather [spmem:s3], $0x80, s23, s14, $0xb8;
	[tilespmem:$0x1BC80] =	vst v63  }
0x2ab: {  	s25 =	simm.s32 $0x81C0  }
0x2ac: {  	[tilespmem:s26], [sflag:$0x8] =	stream.indirect.gather [spmem:s3], $0x80, s25, s14, $0xb8;
	[tilespmem:$0x1BC80] =	vst v63  }
0x2ad: {  	s28 =	simm.s32 $0x8200  }
0x2ae: {  	[tilespmem:s29], [sflag:$0x9] =	stream.indirect.gather [spmem:s3], $0x80, s28, s14, $0xb8;
	[tilespmem:$0x1BC80] =	vst v63  }
0x2af: {  	s30 =	simm.s32 $0x8240;
	s11 =	simm.s32 $0x0;
	s13 =	rddreg [dreg:$0x8]  }
0x2b0: {  	[tilespmem:s31], [sflag:$0xA] =	stream.indirect.gather [spmem:s3], $0x80, s30, s14, $0xb8;
	[tilespmem:$0x1BC80] =	vst v63  }
.LBB2_28:
0x2b1: {  	_ =	swait.ge [sflag:s2], $0x2000  }
0x2b2: {  	[sflag:s2] =	ssyncset.done $0x0  }
0x2b3: {  	s7 =	sadd.s32 $0xFFFFE400, s13;
	p1 =	seq.s32 s11, $0x3800;
	[sflag:s2] =	ssyncadd.s32 $0xFFFFE000  }
0x2b4: {  	[hbm4b:s7+s4] =	stream.linear.scatter [tilespmem:s16], [sflag:$0xB], $0x2000, $0x38;
	[tilespmem:$0x1BC80] =	vst v63  }
0x2b5: {  	s7 =	simm.s32 @!p1 $0xB  }
0x2b6: {  	_ =	swait.ge @!p1 [sflag:s7], $0x2000  }
0x2b7: {  	s21 =	sshra.s32 @!p1 s11, $0x2;
	s23 =	simm.s32 @!p1 $0x40;
	[sflag:s7] =	ssyncset.done @!p1 $0x0  }
0x2b8: {  	s25 =	simm.s32 @!p1 $0xBC80;
	[sflag:s7] =	ssyncadd.s32 @!p1 $0xFFFFE000;
	s7 =	sadd.s32 @!p1 $0x8280, s21  }
0x2b9: {  	[tilespmem:s25], [sflag:$0x3] =	stream.indirect.gather @!p1 [spmem:s3], $0x80, s7, s23, $0xb8;
	[tilespmem:$0x1BC80] =	vst v63  }
0x2ba: {  	_ =	swait.ge [sflag:s0], $0x2000  }
0x2bb: {  	[sflag:s0] =	ssyncset.done $0x0  }
0x2bc: {  	s25 =	sadd.s32 $0xFFFFE800, s13;
	s7 =	simm.s32 @!p1 $0xC;
	[sflag:s0] =	ssyncadd.s32 $0xFFFFE000  }
0x2bd: {  	[hbm4b:s25+s4] =	stream.linear.scatter [tilespmem:s18], [sflag:$0xC], $0x2000, $0x38;
	[tilespmem:$0x1BC80] =	vst v63  }
0x2be: {  	_ =	swait.ge @!p1 [sflag:s7], $0x2000  }
0x2bf: {  	[sflag:s7] =	ssyncset.done @!p1 $0x0  }
0x2c0: {  	s25 =	simm.s32 @!p1 $0xDC80;
	[sflag:s7] =	ssyncadd.s32 @!p1 $0xFFFFE000;
	s7 =	sadd.s32 @!p1 $0x82C0, s21  }
0x2c1: {  	[tilespmem:s25], [sflag:$0x4] =	stream.indirect.gather @!p1 [spmem:s3], $0x80, s7, s23, $0xb8;
	[tilespmem:$0x1BC80] =	vst v63  }
0x2c2: {  	_ =	swait.ge [sflag:s12], $0x2000  }
0x2c3: {  	[sflag:s12] =	ssyncset.done $0x0  }
0x2c4: {  	s28 =	sadd.s32 $0xFFFFEC00, s13;
	s7 =	simm.s32 @!p1 $0xD;
	[sflag:s12] =	ssyncadd.s32 $0xFFFFE000  }
0x2c5: {  	[hbm4b:s28+s4] =	stream.linear.scatter [tilespmem:s20], [sflag:$0xD], $0x2000, $0x38;
	[tilespmem:$0x1BC80] =	vst v63  }
0x2c6: {  	_ =	swait.ge @!p1 [sflag:s7], $0x2000  }
0x2c7: {  	[sflag:s7] =	ssyncset.done @!p1 $0x0  }
0x2c8: {  	s25 =	simm.s32 @!p1 $0xFC80;
	[sflag:s7] =	ssyncadd.s32 @!p1 $0xFFFFE000;
	s7 =	sadd.s32 @!p1 $0x8300, s21  }
0x2c9: {  	[tilespmem:s25], [sflag:$0x5] =	stream.indirect.gather @!p1 [spmem:s3], $0x80, s7, s23, $0xb8;
	[tilespmem:$0x1BC80] =	vst v63  }
0x2ca: {  	_ =	swait.ge [sflag:s1], $0x2000  }
0x2cb: {  	[sflag:s1] =	ssyncset.done $0x0  }
0x2cc: {  	s30 =	sadd.s32 $0xFFFFF000, s13;
	s7 =	simm.s32 @!p1 $0xE;
	[sflag:s1] =	ssyncadd.s32 $0xFFFFE000  }
0x2cd: {  	[hbm4b:s30+s4] =	stream.linear.scatter [tilespmem:s22], [sflag:$0xE], $0x2000, $0x38;
	[tilespmem:$0x1BC80] =	vst v63  }
0x2ce: {  	_ =	swait.ge @!p1 [sflag:s7], $0x2000  }
0x2cf: {  	[sflag:s7] =	ssyncset.done @!p1 $0x0  }
0x2d0: {  	s25 =	simm.s32 @!p1 $0x11C80;
	[sflag:s7] =	ssyncadd.s32 @!p1 $0xFFFFE000;
	s7 =	sadd.s32 @!p1 $0x8340, s21  }
0x2d1: {  	[tilespmem:s25], [sflag:$0x6] =	stream.indirect.gather @!p1 [spmem:s3], $0x80, s7, s23, $0xb8;
	[tilespmem:$0x1BC80] =	vst v63  }
0x2d2: {  	_ =	swait.ge [sflag:s10], $0x2000  }
0x2d3: {  	[sflag:s10] =	ssyncset.done $0x0  }
0x2d4: {  	s25 =	sadd.s32 $0xFFFFF400, s13;
	s7 =	simm.s32 @!p1 $0xF;
	[sflag:s10] =	ssyncadd.s32 $0xFFFFE000  }
0x2d5: {  	[hbm4b:s25+s4] =	stream.linear.scatter [tilespmem:s24], [sflag:$0xF], $0x2000, $0x38;
	[tilespmem:$0x1BC80] =	vst v63  }
0x2d6: {  	_ =	swait.ge @!p1 [sflag:s7], $0x2000  }
0x2d7: {  	[sflag:s7] =	ssyncset.done @!p1 $0x0  }
0x2d8: {  	s25 =	simm.s32 @!p1 $0x13C80;
	[sflag:s7] =	ssyncadd.s32 @!p1 $0xFFFFE000;
	s7 =	sadd.s32 @!p1 $0x8380, s21  }
0x2d9: {  	[tilespmem:s25], [sflag:$0x7] =	stream.indirect.gather @!p1 [spmem:s3], $0x80, s7, s23, $0xb8;
	[tilespmem:$0x1BC80] =	vst v63  }
0x2da: {  	_ =	swait.ge [sflag:s15], $0x2000  }
0x2db: {  	[sflag:s15] =	ssyncset.done $0x0  }
0x2dc: {  	s28 =	sadd.s32 $0xFFFFF800, s13;
	s7 =	simm.s32 @!p1 $0x10;
	[sflag:s15] =	ssyncadd.s32 $0xFFFFE000  }
0x2dd: {  	[hbm4b:s28+s4] =	stream.linear.scatter [tilespmem:s26], [sflag:$0x10], $0x2000, $0x38;
	[tilespmem:$0x1BC80] =	vst v63  }
0x2de: {  	_ =	swait.ge @!p1 [sflag:s7], $0x2000  }
0x2df: {  	[sflag:s7] =	ssyncset.done @!p1 $0x0  }
0x2e0: {  	s25 =	simm.s32 @!p1 $0x15C80;
	[sflag:s7] =	ssyncadd.s32 @!p1 $0xFFFFE000;
	s7 =	sadd.s32 @!p1 $0x83C0, s21  }
0x2e1: {  	[tilespmem:s25], [sflag:$0x8] =	stream.indirect.gather @!p1 [spmem:s3], $0x80, s7, s23, $0xb8;
	[tilespmem:$0x1BC80] =	vst v63  }
0x2e2: {  	_ =	swait.ge [sflag:s17], $0x2000  }
0x2e3: {  	[sflag:s17] =	ssyncset.done $0x0  }
0x2e4: {  	s30 =	sadd.s32 $0xFFFFFC00, s13;
	s7 =	simm.s32 @!p1 $0x11;
	[sflag:s17] =	ssyncadd.s32 $0xFFFFE000  }
0x2e5: {  	[hbm4b:s30+s4] =	stream.linear.scatter [tilespmem:s29], [sflag:$0x11], $0x2000, $0x38;
	[tilespmem:$0x1BC80] =	vst v63  }
0x2e6: {  	_ =	swait.ge @!p1 [sflag:s7], $0x2000  }
0x2e7: {  	[sflag:s7] =	ssyncset.done @!p1 $0x0  }
0x2e8: {  	[sflag:s7] =	ssyncadd.s32 @!p1 $0xFFFFE000;
	s7 =	sadd.s32 @!p1 $0x8400, s21;
	s21 =	simm.s32 @!p1 $0x17C80  }
0x2e9: {  	[tilespmem:s21], [sflag:$0x9] =	stream.indirect.gather @!p1 [spmem:s3], $0x80, s7, s23, $0xb8;
	[tilespmem:$0x1BC80] =	vst v63  }
.Ltmp15:
0x2ea: {  	_ = 	snop;
	(pc) =	sbr.rel @p1 .LBB2_30-.Ltmp15, $4  }
0x2eb: {  	_ =	swait.ge [sflag:s19], $0x2000  }
0x2ec: {  	[sflag:s19] =	ssyncset.done $0x0  }
0x2ed: {  	[sflag:s19] =	ssyncadd.s32 $0xFFFFE000  }
0x2ee: {  	[hbm4b:s13+s4] =	stream.linear.scatter [tilespmem:s31], [sflag:$0x12], $0x2000, $0x38;
	[tilespmem:$0x1BC80] =	vst v63  }
.Ltmp16:
0x2ef: {  	(pc) =	sbr.rel .LBB2_28-.Ltmp16, $4  }
0x2f0: {  	_ =	swait.ge [sflag:s8], $0x2000  }
0x2f1: {  	s7 =	sshra.s32 s11, $0x2;
	s11 =	sadd.s32 $0x800, s11;
	[sflag:s8] =	ssyncset.done $0x0  }
0x2f2: {  	s13 =	sadd.s32 $0x2000, s13;
	s7 =	sadd.s32 $0x8440, s7;
	[sflag:s8] =	ssyncadd.s32 $0xFFFFE000  }
0x2f3: {  	[tilespmem:s31], [sflag:$0xA] =	stream.indirect.gather [spmem:s3], $0x80, s7, s14, $0xb8;
	[tilespmem:$0x1BC80] =	vst v63  }
.LBB2_31:
0x2f4: {  	_ =	sfence.sel $0x180000  }
0x2f5: {  	[bflag:$0x0] =	sbarrier.arrive $0xFFFF  }
0x2f6: {  	_ =	strace $0x90000047  }
0x2f7: {  	s0 =	stileid.u32;
	[bflag:$0x2] =	sbarrier.arrive $0xFFFF  }
0x2f8: {  	p0 =	sne.s32 s0, $0x0;
	s0 =	rddreg [dreg:$0x4]  }
0x2f9: {  	s0 =	sadd.s32 @!p0 $0x100000, s0  }
0x2fa: {  	[sflag:s0] =	ssyncadd.tile.s32 @!p0 $0x1;
	_ =	shalt  }
.Lfunc_end2:
_tile_overlayer_lowered:
.L_overlay_start_2:
0x2fb: {  	(tag) =	ssettag $0x2  }
0x2fc: {  	s0 =	rddreg [dreg:$0x0];
	s2 =	stileid.u32  }
0x2fd: {  	s1 =	rddreg [dreg:$0x1];
	p0 =	sne.s32 s2, $0x0  }
0x2fe: {  	s3 =	rddreg [dreg:$0x2];
	[bflag:$0x3] =	sbarrier.arrive $0xFFFF;
	s2 =	simm.s32 @!p0 $0x1C13  }
0x2ff: {  	[timem:s3], [sflag:s2] =	dma.local @!p0 [hbm:s0], s1  }
0x300: {  	s0 =	simm.s32 @!p0 $0x13  }
0x301: {  	_ =	swait.ge @!p0 [sflag:s0], s1  }
0x302: {  	s1 =	ssub.s32 @!p0 $0x0, s1;
	[sflag:s0] =	ssyncset.done @!p0 $0x0  }
0x303: {  	[sflag:s0] =	ssyncadd.s32 @!p0 s1  }
0x304: {  	[bflag:$0x3] =	sbarrier.arrive $0xFFFF  }
0x305: {  	_ =	shalt  }

</sc_bundles>
